<compile_context>
chip_gen: v7x
topology: tpu7x:2x2x1
jax: 0.10.2.dev20260603
libtpu: 0.0.44.dev20260713+nightly
codegen_flags: <defaults>
</compile_context>

<pallas_src>
import functools

import jax
import jax.numpy as jnp
from jax import lax
from jax.experimental import pallas as pl
from jax.experimental.pallas import tpu as pltpu
from jax.experimental.pallas import tpu_sc as plsc

N_SAMP = 4194304
N_RAY = 65536
NW = 32
RPW = N_RAY // NW
T = 2048
GPT = T // 16
UNROLL = 8
SENT = 2**30


def _body(r_hbm, g_hbm, b_hbm, w_hbm, idx_hbm, starts_hbm, bg_hbm, out_hbm,
          idx_v0, w_v0, r_v0, g_v0, b_v0,
          idx_v1, w_v1, r_v1, g_v1, b_v1,
          racc, gacc, bacc, wacc, out_v, starts_v, bg_v, sem0, sem1):
    wid = lax.axis_index("s") * 2 + lax.axis_index("c")
    lo = wid * RPW
    hi = lo + RPW

    pltpu.sync_copy(starts_hbm, starts_v)
    pltpu.sync_copy(bg_hbm, bg_v)

    zeros = jnp.zeros((16,), jnp.float32)

    def zero_body(j, _):
        sl = pl.ds(j * 16, 16)
        racc[sl] = zeros
        gacc[sl] = zeros
        bacc[sl] = zeros
        wacc[sl] = zeros
        return 0

    lax.fori_loop(0, RPW // 16, zero_body, 0)

    sent_vec = jnp.full((16,), SENT, jnp.int32)
    idx_v0[pl.ds(T, 16)] = sent_vec
    idx_v1[pl.ds(T, 16)] = sent_vec

    sv = starts_v[pl.ds(wid, 16)]
    s_beg = sv[0]
    s_end = sv[1]
    t0 = s_beg // T
    t1 = (s_end + (T - 1)) // T

    iota = lax.iota(jnp.int32, 16)
    iota3 = iota * 3
    is15 = iota == 15
    not15 = iota < 15

    def issue(t, iv, wv, rv, gv, bv, sem):
        s = t * T
        pltpu.async_copy(idx_hbm.at[pl.ds(s, T)], iv.at[pl.ds(0, T)], sem)
        pltpu.async_copy(w_hbm.at[pl.ds(s, T)], wv, sem)
        pltpu.async_copy(r_hbm.at[pl.ds(s, T)], rv, sem)
        pltpu.async_copy(g_hbm.at[pl.ds(s, T)], gv, sem)
        pltpu.async_copy(b_hbm.at[pl.ds(s, T)], bv, sem)

    def drain(iv, wv, rv, gv, bv, sem):
        pltpu.make_async_copy(idx_hbm.at[pl.ds(0, T)], iv.at[pl.ds(0, T)], sem).wait()
        pltpu.make_async_copy(w_hbm.at[pl.ds(0, T)], wv, sem).wait()
        pltpu.make_async_copy(r_hbm.at[pl.ds(0, T)], rv, sem).wait()
        pltpu.make_async_copy(g_hbm.at[pl.ds(0, T)], gv, sem).wait()
        pltpu.make_async_copy(b_hbm.at[pl.ds(0, T)], bv, sem).wait()

    def compute(iv, wv, rv, gv, bv):
        def one_group(g16):
            sl = pl.ds(g16, 16)
            a = iv[sl]
            b = iv[pl.ds(g16 + 1, 16)]
            wvec = wv[sl]
            m_end = a != b
            oa = a - lo
            ob = b - lo
            in_a = plsc.bitcast(oa, jnp.uint32) < RPW
            in_b = plsc.bitcast(ob, jnp.uint32) < RPW
            add_m = (m_end | is15) & in_a
            sub_m = m_end & not15 & in_b
            vals = (wvec * rv[sl], wvec * gv[sl], wvec * bv[sl], wvec)
            css = tuple(plsc.cumsum(v) for v in vals)
            for cs, acc in zip(css, (racc, gacc, bacc, wacc)):
                plsc.addupdate_scatter(acc, [oa], cs, mask=add_m)
                plsc.addupdate_scatter(acc, [ob], -cs, mask=sub_m)

        def group_body(u, _):
            base = u * (UNROLL * 16)
            for j in range(UNROLL):
                one_group(base + j * 16)
            return 0

        lax.fori_loop(0, GPT // UNROLL, group_body, 0)

    @pl.when(t0 < t1)
    def _():
        issue(t0, idx_v0, w_v0, r_v0, g_v0, b_v0, sem0)

    def tile_body(t, _):
        k = (t - t0) & 1
        nxt = t + 1

        @pl.when(k == 0)
        def _():
            drain(idx_v0, w_v0, r_v0, g_v0, b_v0, sem0)

            @pl.when(nxt < t1)
            def _():
                issue(nxt, idx_v1, w_v1, r_v1, g_v1, b_v1, sem1)

            compute(idx_v0, w_v0, r_v0, g_v0, b_v0)

        @pl.when(k == 1)
        def _():
            drain(idx_v1, w_v1, r_v1, g_v1, b_v1, sem1)

            @pl.when(nxt < t1)
            def _():
                issue(nxt, idx_v0, w_v0, r_v0, g_v0, b_v0, sem0)

            compute(idx_v1, w_v1, r_v1, g_v1, b_v1)

        return 0

    lax.fori_loop(t0, t1, tile_body, 0)

    bgv = bg_v[pl.ds(0, 16)]
    bg0 = bgv[0]
    bg1 = bgv[1]
    bg2 = bgv[2]

    def comp_body(j, _):
        sl = pl.ds(j * 16, 16)
        resid = 1.0 - wacc[sl]
        obase = j * 48
        plsc.store_scatter(out_v, [obase + iota3], racc[sl] + bg0 * resid)
        plsc.store_scatter(out_v, [obase + iota3 + 1], gacc[sl] + bg1 * resid)
        plsc.store_scatter(out_v, [obase + iota3 + 2], bacc[sl] + bg2 * resid)
        return 0

    lax.fori_loop(0, RPW // 16, comp_body, 0)
    pltpu.sync_copy(out_v, out_hbm.at[pl.ds(lo * 3, RPW * 3)])


@jax.jit
def _run(r, g, b, w, ray_indices, starts, bg_pad):
    mesh = plsc.VectorSubcoreMesh(core_axis_name="c", subcore_axis_name="s")
    tile_bufs = [
        pltpu.VMEM((T + 16,), jnp.int32),
        pltpu.VMEM((T,), jnp.float32),
        pltpu.VMEM((T,), jnp.float32),
        pltpu.VMEM((T,), jnp.float32),
        pltpu.VMEM((T,), jnp.float32),
    ]
    kern = functools.partial(
        pl.kernel,
        mesh=mesh,
        compiler_params=pltpu.CompilerParams(needs_layout_passes=False),
        out_type=jax.ShapeDtypeStruct((N_RAY * 3,), jnp.float32),
        scratch_types=tile_bufs + tile_bufs + [
            pltpu.VMEM((RPW,), jnp.float32),
            pltpu.VMEM((RPW,), jnp.float32),
            pltpu.VMEM((RPW,), jnp.float32),
            pltpu.VMEM((RPW,), jnp.float32),
            pltpu.VMEM((RPW * 3,), jnp.float32),
            pltpu.VMEM((48,), jnp.int32),
            pltpu.VMEM((16,), jnp.float32),
            pltpu.SemaphoreType.DMA,
            pltpu.SemaphoreType.DMA,
        ],
    )(_body)
    return kern(r, g, b, w, ray_indices, starts, bg_pad)


def kernel(rgb, weights, ray_indices, num_rays, background_color):
    bounds = jnp.arange(NW + 1, dtype=jnp.int32) * RPW
    starts = jnp.searchsorted(ray_indices, bounds, side="left").astype(jnp.int32)
    starts = jnp.pad(starts, (0, 48 - (NW + 1)))
    bg_pad = jnp.pad(background_color.astype(jnp.float32), (0, 13))
    out = _run(rgb[:, 0], rgb[:, 1], rgb[:, 2], weights.reshape(-1),
               ray_indices, starts, bg_pad)
    out = out.reshape(N_RAY, 3)
    return out + jnp.asarray(num_rays - N_RAY, dtype=out.dtype)

# --- scband reference (transcript-rebuilt; emitter-appended) ---
"""Pipeline reference for scband-rgbrenderer-4200478015712 (READ-ONLY COPY).

The authoritative reference and input builder live on the scoring server;
editing this copy changes nothing except your own understanding.
"""

import jax, jax.numpy as jnp
import numpy as np

N_SAMPLES = 4194304
N_RAYS = 65536


def setup_inputs(seed: int = 0) -> dict:
    key = jax.random.key(seed)
    k1, k2, k3 = jax.random.split(key, 3)
    rgb = jax.random.uniform(k1, (N_SAMPLES, 3), dtype=jnp.float32)
    weights = jax.random.uniform(k2, (N_SAMPLES, 1), dtype=jnp.float32)
    ray_indices = jnp.sort(jax.random.randint(k3, (N_SAMPLES,), 0, N_RAYS, dtype=jnp.int32))
    background_color = jnp.array([1.0, 1.0, 1.0], dtype=jnp.float32)
    return {
        "rgb": rgb,
        "weights": weights,
        "ray_indices": ray_indices,
        "num_rays": N_RAYS,
        "background_color": background_color,
    }


def reference(rgb, weights, ray_indices, num_rays, background_color):
    # nerfacc.accumulate_along_rays(weights[...,0], values=rgb, ray_indices, n_rays)
    # == scatter-add of weights*rgb into per-ray buckets (segment_sum).
    comp_rgb = jax.ops.segment_sum(weights * rgb, ray_indices, num_segments=N_RAYS)
    # accumulate_along_rays with values=None -> sum of weights per ray, shape [n_rays, 1]
    accumulated_weight = jax.ops.segment_sum(weights, ray_indices, num_segments=N_RAYS)
    # composite over fixed background color (module in training mode: no nan_to_num / clamp)
    comp_rgb = comp_rgb + background_color * (1.0 - accumulated_weight)
    comp_rgb = comp_rgb + jnp.asarray(num_rays - N_RAYS, dtype=comp_rgb.dtype)
    return comp_rgb

if __name__ == "__main__":
    import jax
    _d = setup_inputs()
    print(jax.jit(kernel)(*tuple(_d.values())))

</pallas_src>

<mosaic_0001>
#map = affine_map<(d0, d1) -> (0)>
module attributes {stable_mosaic.version = 14 : i64} {
  func.func @_body(%arg0: i32, %arg1: i32, %arg2: memref<4194304xf32, #tpu.memory_space<hbm>>, %arg3: memref<4194304xf32, #tpu.memory_space<hbm>>, %arg4: memref<4194304xf32, #tpu.memory_space<hbm>>, %arg5: memref<4194304xf32, #tpu.memory_space<hbm>>, %arg6: memref<4194304xi32, #tpu.memory_space<hbm>>, %arg7: memref<48xi32, #tpu.memory_space<hbm>>, %arg8: memref<16xf32, #tpu.memory_space<hbm>>, %arg9: memref<196608xf32, #tpu.memory_space<hbm>>, %arg10: memref<2064xi32, #tpu.memory_space<vmem>>, %arg11: memref<2048xf32, #tpu.memory_space<vmem>>, %arg12: memref<2048xf32, #tpu.memory_space<vmem>>, %arg13: memref<2048xf32, #tpu.memory_space<vmem>>, %arg14: memref<2048xf32, #tpu.memory_space<vmem>>, %arg15: memref<2064xi32, #tpu.memory_space<vmem>>, %arg16: memref<2048xf32, #tpu.memory_space<vmem>>, %arg17: memref<2048xf32, #tpu.memory_space<vmem>>, %arg18: memref<2048xf32, #tpu.memory_space<vmem>>, %arg19: memref<2048xf32, #tpu.memory_space<vmem>>, %arg20: memref<2048xf32, #tpu.memory_space<vmem>>, %arg21: memref<2048xf32, #tpu.memory_space<vmem>>, %arg22: memref<2048xf32, #tpu.memory_space<vmem>>, %arg23: memref<2048xf32, #tpu.memory_space<vmem>>, %arg24: memref<6144xf32, #tpu.memory_space<vmem>>, %arg25: memref<48xi32, #tpu.memory_space<vmem>>, %arg26: memref<16xf32, #tpu.memory_space<vmem>>, %arg27: memref<!tpu.dma_semaphore, #tpu.memory_space<semaphore_mem>>, %arg28: memref<!tpu.dma_semaphore, #tpu.memory_space<semaphore_mem>>) attributes {dimension_semantics = [#tpu.dimension_semantics<core_parallel>, #tpu.dimension_semantics<subcore_parallel>], iteration_bounds = array<i64: 2, 16>, scalar_prefetch = 0 : i64, scratch_operands = 19 : i64, tpu.core_type = #tpu.core_type<sc_vector_subcore>, window_params = [{transform_indices = #map}, {transform_indices = #map}, {transform_indices = #map}, {transform_indices = #map}, {transform_indices = #map}, {transform_indices = #map}, {transform_indices = #map}, {transform_indices = #map}]} {
    %mul3A = arith.constant 2 : i32
    %mul3A_0 = arith.muli %arg1, %mul3A : i32
    %add3A = arith.addi %mul3A_0, %arg0 : i32
    %mul3A_1 = arith.constant 2048 : i32
    %mul3A_2 = arith.muli %add3A, %mul3A_1 : i32
    %add3A_3 = arith.constant 2048 : i32
    %add3A_4 = arith.addi %mul3A_2, %add3A_3 : i32
    "tpu.region"() ({
      %run_scoped3A = tpu.sem_alloc : memref<!tpu.dma_semaphore, #tpu.memory_space<semaphore_mem>>
      tpu.enqueue_dma source(%arg7 : memref<48xi32, #tpu.memory_space<hbm>>) target(%arg25 : memref<48xi32, #tpu.memory_space<vmem>>) target_semaphore(%run_scoped3A : memref<!tpu.dma_semaphore, #tpu.memory_space<semaphore_mem>>)
      tpu.wait_dma2 semaphore(%run_scoped3A : memref<!tpu.dma_semaphore, #tpu.memory_space<semaphore_mem>>) src(%arg7 : memref<48xi32, #tpu.memory_space<hbm>>) dst(%arg25 : memref<48xi32, #tpu.memory_space<vmem>>)
      tpu.yield
    }) : () -> ()
    "tpu.region"() ({
      %run_scoped3A = tpu.sem_alloc : memref<!tpu.dma_semaphore, #tpu.memory_space<semaphore_mem>>
      tpu.enqueue_dma source(%arg8 : memref<16xf32, #tpu.memory_space<hbm>>) target(%arg26 : memref<16xf32, #tpu.memory_space<vmem>>) target_semaphore(%run_scoped3A : memref<!tpu.dma_semaphore, #tpu.memory_space<semaphore_mem>>)
      tpu.wait_dma2 semaphore(%run_scoped3A : memref<!tpu.dma_semaphore, #tpu.memory_space<semaphore_mem>>) src(%arg8 : memref<16xf32, #tpu.memory_space<hbm>>) dst(%arg26 : memref<16xf32, #tpu.memory_space<vmem>>)
      tpu.yield
    }) : () -> ()
    %broadcast_in_dim3A = arith.constant 0.000000e+00 : f32
    %broadcast_in_dim3A_5 = vector.broadcast %broadcast_in_dim3A : f32 to vector<16xf32>
    %scan3A = arith.constant 0 : i32
    %scan3A_6 = arith.constant 0 : i32
    %scan3A_7 = arith.constant 128 : i32
    %scan3A_8 = arith.addi %scan3A_6, %scan3A_7 : i32
    %scan3A_9 = arith.constant 1 : i32
    %scan3A_10 = scf.for %scan3A_98 = %scan3A_6 to %scan3A_8 step %scan3A_9 iter_args(%scan3A_99 = %scan3A) -> (i32)  : i32 {
      %mul3A_100 = arith.constant 16 : i32
      %mul3A_101 = arith.muli %scan3A_98, %mul3A_100 : i32
      %swap3A_102 = arith.index_cast %mul3A_101 : i32 to index
      %swap3A_103 = tpu.vector_load %arg20[%swap3A_102] {strides = array<i32>} : memref<2048xf32, #tpu.memory_space<vmem>>, vector<16xf32>,
      tpu.vector_store %arg20[%swap3A_102], %broadcast_in_dim3A_5 {strides = array<i32>} : memref<2048xf32, #tpu.memory_space<vmem>>, vector<16xf32>,
      %swap3A_104 = arith.index_cast %mul3A_101 : i32 to index
      %swap3A_105 = tpu.vector_load %arg21[%swap3A_104] {strides = array<i32>} : memref<2048xf32, #tpu.memory_space<vmem>>, vector<16xf32>,
      tpu.vector_store %arg21[%swap3A_104], %broadcast_in_dim3A_5 {strides = array<i32>} : memref<2048xf32, #tpu.memory_space<vmem>>, vector<16xf32>,
      %swap3A_106 = arith.index_cast %mul3A_101 : i32 to index
      %swap3A_107 = tpu.vector_load %arg22[%swap3A_106] {strides = array<i32>} : memref<2048xf32, #tpu.memory_space<vmem>>, vector<16xf32>,
      tpu.vector_store %arg22[%swap3A_106], %broadcast_in_dim3A_5 {strides = array<i32>} : memref<2048xf32, #tpu.memory_space<vmem>>, vector<16xf32>,
      %swap3A_108 = arith.index_cast %mul3A_101 : i32 to index
      %swap3A_109 = tpu.vector_load %arg23[%swap3A_108] {strides = array<i32>} : memref<2048xf32, #tpu.memory_space<vmem>>, vector<16xf32>,
      tpu.vector_store %arg23[%swap3A_108], %broadcast_in_dim3A_5 {strides = array<i32>} : memref<2048xf32, #tpu.memory_space<vmem>>, vector<16xf32>,
      %scan3A_110 = arith.constant 0 : i32
      scf.yield %scan3A_110 : i32
    }
    %scan3A_11 = arith.constant 128 : i32
    %broadcast_in_dim3A_12 = arith.constant 1073741824 : i32
    %broadcast_in_dim3A_13 = vector.broadcast %broadcast_in_dim3A_12 : i32 to vector<16xi32>
    %swap3A = arith.constant 2048 : index
    %swap3A_14 = tpu.vector_load %arg10[%swap3A] {strides = array<i32>} : memref<2064xi32, #tpu.memory_space<vmem>>, vector<16xi32>,
    tpu.vector_store %arg10[%swap3A], %broadcast_in_dim3A_13 {strides = array<i32>} : memref<2064xi32, #tpu.memory_space<vmem>>, vector<16xi32>,
    %swap3A_15 = arith.constant 2048 : index
    %swap3A_16 = tpu.vector_load %arg15[%swap3A_15] {strides = array<i32>} : memref<2064xi32, #tpu.memory_space<vmem>>, vector<16xi32>,
    tpu.vector_store %arg15[%swap3A_15], %broadcast_in_dim3A_13 {strides = array<i32>} : memref<2064xi32, #tpu.memory_space<vmem>>, vector<16xi32>,
    %get3A = arith.index_cast %add3A : i32 to index
    %get3A_17 = tpu.vector_load %arg25[%get3A] {strides = array<i32>} : memref<48xi32, #tpu.memory_space<vmem>>, vector<16xi32>,
    %slice3A = vector.extract_strided_slice %get3A_17 {offsets = [0], sizes = [1], strides = [1]} : vector<16xi32> to vector<1xi32>
    %squeeze3A = vector.extract %slice3A[0] : i32 from vector<1xi32>
    %slice3A_18 = vector.extract_strided_slice %get3A_17 {offsets = [1], sizes = [1], strides = [1]} : vector<16xi32> to vector<1xi32>
    %squeeze3A_19 = vector.extract %slice3A_18[0] : i32 from vector<1xi32>
    %jit3A = arith.constant 2048 : i32
    %div3A = arith.divsi %squeeze3A, %jit3A : i32
    %sign3A = arith.constant 0 : i32
    %sign3A_20 = arith.cmpi sgt, %squeeze3A, %sign3A : i32
    %sign3A_21 = arith.extui %sign3A_20 : i1 to i32
    %sign3A_22 = arith.constant 0 : i32
    %sign3A_23 = arith.cmpi slt, %squeeze3A, %sign3A_22 : i32
    %sign3A_24 = arith.extui %sign3A_23 : i1 to i32
    %sign3A_25 = arith.subi %sign3A_21, %sign3A_24 : i32
    %sign3A_26 = arith.constant 0 : i32
    %sign3A_27 = arith.cmpi sgt, %jit3A, %sign3A_26 : i32
    %sign3A_28 = arith.extui %sign3A_27 : i1 to i32
    %sign3A_29 = arith.constant 0 : i32
    %sign3A_30 = arith.cmpi slt, %jit3A, %sign3A_29 : i32
    %sign3A_31 = arith.extui %sign3A_30 : i1 to i32
    %sign3A_32 = arith.subi %sign3A_28, %sign3A_31 : i32
    %ne3A = arith.cmpi ne, %sign3A_25, %sign3A_32 : i32
    %rem3A = arith.remsi %squeeze3A, %jit3A : i32
    %ne3A_33 = arith.constant 0 : i32
    %ne3A_34 = arith.cmpi ne, %rem3A, %ne3A_33 : i32
    %and3A = arith.andi %ne3A, %ne3A_34 : i1
    %sub3A = arith.constant 1 : i32
    %sub3A_35 = arith.subi %div3A, %sub3A : i32
    %select_n3A = arith.select %and3A, %sub3A_35, %div3A : i32
    %add3A_36 = arith.constant 2047 : i32
    %add3A_37 = arith.addi %squeeze3A_19, %add3A_36 : i32
    %jit3A_38 = arith.constant 2048 : i32
    %div3A_39 = arith.divsi %add3A_37, %jit3A_38 : i32
    %sign3A_40 = arith.constant 0 : i32
    %sign3A_41 = arith.cmpi sgt, %add3A_37, %sign3A_40 : i32
    %sign3A_42 = arith.extui %sign3A_41 : i1 to i32
    %sign3A_43 = arith.constant 0 : i32
    %sign3A_44 = arith.cmpi slt, %add3A_37, %sign3A_43 : i32
    %sign3A_45 = arith.extui %sign3A_44 : i1 to i32
    %sign3A_46 = arith.subi %sign3A_42, %sign3A_45 : i32
    %sign3A_47 = arith.constant 0 : i32
    %sign3A_48 = arith.cmpi sgt, %jit3A_38, %sign3A_47 : i32
    %sign3A_49 = arith.extui %sign3A_48 : i1 to i32
    %sign3A_50 = arith.constant 0 : i32
    %sign3A_51 = arith.cmpi slt, %jit3A_38, %sign3A_50 : i32
    %sign3A_52 = arith.extui %sign3A_51 : i1 to i32
    %sign3A_53 = arith.subi %sign3A_49, %sign3A_52 : i32
    %ne3A_54 = arith.cmpi ne, %sign3A_46, %sign3A_53 : i32
    %rem3A_55 = arith.remsi %add3A_37, %jit3A_38 : i32
    %ne3A_56 = arith.constant 0 : i32
    %ne3A_57 = arith.cmpi ne, %rem3A_55, %ne3A_56 : i32
    %and3A_58 = arith.andi %ne3A_54, %ne3A_57 : i1
    %sub3A_59 = arith.constant 1 : i32
    %sub3A_60 = arith.subi %div3A_39, %sub3A_59 : i32
    %select_n3A_61 = arith.select %and3A_58, %sub3A_60, %div3A_39 : i32
    %iota3A = tpu.iota {dimensions = array<i32: 0>} : vector<16xi32>
    %mul3A_62 = arith.constant 3 : i32
    %mul3A_63 = vector.broadcast %mul3A_62 : i32 to vector<16xi32>
    %mul3A_64 = arith.muli %iota3A, %mul3A_63 : vector<16xi32>
    %eq3A = arith.constant 15 : i32
    %eq3A_65 = vector.broadcast %eq3A : i32 to vector<16xi32>
    %eq3A_66 = arith.cmpi eq, %iota3A, %eq3A_65 : vector<16xi32>
    %lt3A = arith.constant 15 : i32
    %lt3A_67 = vector.broadcast %lt3A : i32 to vector<16xi32>
    %lt3A_68 = arith.cmpi slt, %iota3A, %lt3A_67 : vector<16xi32>
    %lt3A_69 = arith.cmpi slt, %select_n3A, %select_n3A_61 : i32
    %convert_element_type3A = arith.extui %lt3A_69 : i1 to i32
    %cond3A = arith.constant 0 : i32
    %cond3A_70 = arith.cmpi ne, %convert_element_type3A, %cond3A : i32
    scf.if %cond3A_70 {
      %mul3A_98 = arith.constant 2048 : i32
      %mul3A_99 = arith.muli %select_n3A, %mul3A_98 : i32
      %dma_start3A = arith.constant 0 : i32
      %dma_start3A_100 = tpu.memref_slice %arg10[%dma_start3A] : memref<2064xi32, #tpu.memory_space<vmem>> -> memref<2048xi32, #tpu.memory_space<vmem>>
      %dma_start3A_101 = tpu.memref_slice %arg6[%mul3A_99] : memref<4194304xi32, #tpu.memory_space<hbm>> -> memref<2048xi32, #tpu.memory_space<hbm>>
      %dma_start3A_102 = arith.constant 0 : i32
      %dma_start3A_103 = tpu.memref_slice %arg10[%dma_start3A_102] : memref<2064xi32, #tpu.memory_space<vmem>> -> memref<2048xi32, #tpu.memory_space<vmem>>
      %dma_start3A_104 = tpu.memref_slice %arg6[%mul3A_99] : memref<4194304xi32, #tpu.memory_space<hbm>> -> memref<2048xi32, #tpu.memory_space<hbm>>
      tpu.enqueue_dma source(%dma_start3A_104 : memref<2048xi32, #tpu.memory_space<hbm>>) target(%dma_start3A_103 : memref<2048xi32, #tpu.memory_space<vmem>>) target_semaphore(%arg27 : memref<!tpu.dma_semaphore, #tpu.memory_space<semaphore_mem>>)
      %dma_start3A_105 = tpu.memref_slice %arg5[%mul3A_99] : memref<4194304xf32, #tpu.memory_space<hbm>> -> memref<2048xf32, #tpu.memory_space<hbm>>
      %dma_start3A_106 = tpu.memref_slice %arg5[%mul3A_99] : memref<4194304xf32, #tpu.memory_space<hbm>> -> memref<2048xf32, #tpu.memory_space<hbm>>
      tpu.enqueue_dma source(%dma_start3A_106 : memref<2048xf32, #tpu.memory_space<hbm>>) target(%arg11 : memref<2048xf32, #tpu.memory_space<vmem>>) target_semaphore(%arg27 : memref<!tpu.dma_semaphore, #tpu.memory_space<semaphore_mem>>)
      %dma_start3A_107 = tpu.memref_slice %arg2[%mul3A_99] : memref<4194304xf32, #tpu.memory_space<hbm>> -> memref<2048xf32, #tpu.memory_space<hbm>>
      %dma_start3A_108 = tpu.memref_slice %arg2[%mul3A_99] : memref<4194304xf32, #tpu.memory_space<hbm>> -> memref<2048xf32, #tpu.memory_space<hbm>>
      tpu.enqueue_dma source(%dma_start3A_108 : memref<2048xf32, #tpu.memory_space<hbm>>) target(%arg12 : memref<2048xf32, #tpu.memory_space<vmem>>) target_semaphore(%arg27 : memref<!tpu.dma_semaphore, #tpu.memory_space<semaphore_mem>>)
      %dma_start3A_109 = tpu.memref_slice %arg3[%mul3A_99] : memref<4194304xf32, #tpu.memory_space<hbm>> -> memref<2048xf32, #tpu.memory_space<hbm>>
      %dma_start3A_110 = tpu.memref_slice %arg3[%mul3A_99] : memref<4194304xf32, #tpu.memory_space<hbm>> -> memref<2048xf32, #tpu.memory_space<hbm>>
      tpu.enqueue_dma source(%dma_start3A_110 : memref<2048xf32, #tpu.memory_space<hbm>>) target(%arg13 : memref<2048xf32, #tpu.memory_space<vmem>>) target_semaphore(%arg27 : memref<!tpu.dma_semaphore, #tpu.memory_space<semaphore_mem>>)
      %dma_start3A_111 = tpu.memref_slice %arg4[%mul3A_99] : memref<4194304xf32, #tpu.memory_space<hbm>> -> memref<2048xf32, #tpu.memory_space<hbm>>
      %dma_start3A_112 = tpu.memref_slice %arg4[%mul3A_99] : memref<4194304xf32, #tpu.memory_space<hbm>> -> memref<2048xf32, #tpu.memory_space<hbm>>
      tpu.enqueue_dma source(%dma_start3A_112 : memref<2048xf32, #tpu.memory_space<hbm>>) target(%arg14 : memref<2048xf32, #tpu.memory_space<vmem>>) target_semaphore(%arg27 : memref<!tpu.dma_semaphore, #tpu.memory_space<semaphore_mem>>)
    } else {
    }
    %while3A = arith.constant 0 : i32
    %while3A_71 = arith.subi %select_n3A_61, %select_n3A : i32
    %while3A_72 = arith.addi %select_n3A, %while3A_71 : i32
    %while3A_73 = arith.constant 1 : i32
    %while3A_74 = arith.divsi %while3A_71, %while3A_73 : i32
    %while3A_75 = arith.muli %while3A_74, %while3A_73 : i32
    %while3A_76 = arith.addi %select_n3A, %while3A_75 : i32
    %while3A_77 = arith.constant 1 : i32
    %while3A_78 = scf.for %while3A_98 = %select_n3A to %while3A_76 step %while3A_77 iter_args(%while3A_99 = %while3A) -> (i32)  : i32 {
      %sub3A_100 = arith.subi %while3A_98, %select_n3A : i32
      %and3A_101 = arith.constant 1 : i32
      %and3A_102 = arith.andi %sub3A_100, %and3A_101 : i32
      %add3A_103 = arith.constant 1 : i32
      %add3A_104 = arith.addi %while3A_98, %add3A_103 : i32
      %eq3A_105 = arith.constant 0 : i32
      %eq3A_106 = arith.cmpi eq, %and3A_102, %eq3A_105 : i32
      %convert_element_type3A_107 = arith.extui %eq3A_106 : i1 to i32
      %cond3A_108 = arith.constant 0 : i32
      %cond3A_109 = arith.cmpi ne, %convert_element_type3A_107, %cond3A_108 : i32
      scf.if %cond3A_109 {
        %dma_wait3A = arith.constant 0 : i32
        %dma_wait3A_116 = tpu.memref_slice %arg10[%dma_wait3A] : memref<2064xi32, #tpu.memory_space<vmem>> -> memref<2048xi32, #tpu.memory_space<vmem>>
        %dma_wait3A_117 = arith.constant 0 : i32
        %dma_wait3A_118 = tpu.memref_slice %arg6[%dma_wait3A_117] : memref<4194304xi32, #tpu.memory_space<hbm>> -> memref<2048xi32, #tpu.memory_space<hbm>>
        %dma_wait3A_119 = arith.constant 0 : i32
        %dma_wait3A_120 = tpu.memref_slice %arg10[%dma_wait3A_119] : memref<2064xi32, #tpu.memory_space<vmem>> -> memref<2048xi32, #tpu.memory_space<vmem>>
        %dma_wait3A_121 = arith.constant 0 : i32
        %dma_wait3A_122 = tpu.memref_slice %arg6[%dma_wait3A_121] : memref<4194304xi32, #tpu.memory_space<hbm>> -> memref<2048xi32, #tpu.memory_space<hbm>>
        tpu.wait_dma2 semaphore(%arg27 : memref<!tpu.dma_semaphore, #tpu.memory_space<semaphore_mem>>) src(%dma_wait3A_122 : memref<2048xi32, #tpu.memory_space<hbm>>) dst(%dma_wait3A_120 : memref<2048xi32, #tpu.memory_space<vmem>>)
        %dma_wait3A_123 = arith.constant 0 : i32
        %dma_wait3A_124 = tpu.memref_slice %arg5[%dma_wait3A_123] : memref<4194304xf32, #tpu.memory_space<hbm>> -> memref<2048xf32, #tpu.memory_space<hbm>>
        %dma_wait3A_125 = arith.constant 0 : i32
        %dma_wait3A_126 = tpu.memref_slice %arg5[%dma_wait3A_125] : memref<4194304xf32, #tpu.memory_space<hbm>> -> memref<2048xf32, #tpu.memory_space<hbm>>
        tpu.wait_dma2 semaphore(%arg27 : memref<!tpu.dma_semaphore, #tpu.memory_space<semaphore_mem>>) src(%dma_wait3A_126 : memref<2048xf32, #tpu.memory_space<hbm>>) dst(%arg11 : memref<2048xf32, #tpu.memory_space<vmem>>)
        %dma_wait3A_127 = arith.constant 0 : i32
        %dma_wait3A_128 = tpu.memref_slice %arg2[%dma_wait3A_127] : memref<4194304xf32, #tpu.memory_space<hbm>> -> memref<2048xf32, #tpu.memory_space<hbm>>
        %dma_wait3A_129 = arith.constant 0 : i32
        %dma_wait3A_130 = tpu.memref_slice %arg2[%dma_wait3A_129] : memref<4194304xf32, #tpu.memory_space<hbm>> -> memref<2048xf32, #tpu.memory_space<hbm>>
        tpu.wait_dma2 semaphore(%arg27 : memref<!tpu.dma_semaphore, #tpu.memory_space<semaphore_mem>>) src(%dma_wait3A_130 : memref<2048xf32, #tpu.memory_space<hbm>>) dst(%arg12 : memref<2048xf32, #tpu.memory_space<vmem>>)
        %dma_wait3A_131 = arith.constant 0 : i32
        %dma_wait3A_132 = tpu.memref_slice %arg3[%dma_wait3A_131] : memref<4194304xf32, #tpu.memory_space<hbm>> -> memref<2048xf32, #tpu.memory_space<hbm>>
        %dma_wait3A_133 = arith.constant 0 : i32
        %dma_wait3A_134 = tpu.memref_slice %arg3[%dma_wait3A_133] : memref<4194304xf32, #tpu.memory_space<hbm>> -> memref<2048xf32, #tpu.memory_space<hbm>>
        tpu.wait_dma2 semaphore(%arg27 : memref<!tpu.dma_semaphore, #tpu.memory_space<semaphore_mem>>) src(%dma_wait3A_134 : memref<2048xf32, #tpu.memory_space<hbm>>) dst(%arg13 : memref<2048xf32, #tpu.memory_space<vmem>>)
        %dma_wait3A_135 = arith.constant 0 : i32
        %dma_wait3A_136 = tpu.memref_slice %arg4[%dma_wait3A_135] : memref<4194304xf32, #tpu.memory_space<hbm>> -> memref<2048xf32, #tpu.memory_space<hbm>>
        %dma_wait3A_137 = arith.constant 0 : i32
        %dma_wait3A_138 = tpu.memref_slice %arg4[%dma_wait3A_137] : memref<4194304xf32, #tpu.memory_space<hbm>> -> memref<2048xf32, #tpu.memory_space<hbm>>
        tpu.wait_dma2 semaphore(%arg27 : memref<!tpu.dma_semaphore, #tpu.memory_space<semaphore_mem>>) src(%dma_wait3A_138 : memref<2048xf32, #tpu.memory_space<hbm>>) dst(%arg14 : memref<2048xf32, #tpu.memory_space<vmem>>)
        %lt3A_139 = arith.cmpi slt, %add3A_104, %select_n3A_61 : i32
        %convert_element_type3A_140 = arith.extui %lt3A_139 : i1 to i32
        %cond3A_141 = arith.constant 0 : i32
        %cond3A_142 = arith.cmpi ne, %convert_element_type3A_140, %cond3A_141 : i32
        scf.if %cond3A_142 {
          %mul3A_150 = arith.constant 2048 : i32
          %mul3A_151 = arith.muli %add3A_104, %mul3A_150 : i32
          %dma_start3A = arith.constant 0 : i32
          %dma_start3A_152 = tpu.memref_slice %arg15[%dma_start3A] : memref<2064xi32, #tpu.memory_space<vmem>> -> memref<2048xi32, #tpu.memory_space<vmem>>
          %dma_start3A_153 = tpu.memref_slice %arg6[%mul3A_151] : memref<4194304xi32, #tpu.memory_space<hbm>> -> memref<2048xi32, #tpu.memory_space<hbm>>
          %dma_start3A_154 = arith.constant 0 : i32
          %dma_start3A_155 = tpu.memref_slice %arg15[%dma_start3A_154] : memref<2064xi32, #tpu.memory_space<vmem>> -> memref<2048xi32, #tpu.memory_space<vmem>>
          %dma_start3A_156 = tpu.memref_slice %arg6[%mul3A_151] : memref<4194304xi32, #tpu.memory_space<hbm>> -> memref<2048xi32, #tpu.memory_space<hbm>>
          tpu.enqueue_dma source(%dma_start3A_156 : memref<2048xi32, #tpu.memory_space<hbm>>) target(%dma_start3A_155 : memref<2048xi32, #tpu.memory_space<vmem>>) target_semaphore(%arg28 : memref<!tpu.dma_semaphore, #tpu.memory_space<semaphore_mem>>)
          %dma_start3A_157 = tpu.memref_slice %arg5[%mul3A_151] : memref<4194304xf32, #tpu.memory_space<hbm>> -> memref<2048xf32, #tpu.memory_space<hbm>>
          %dma_start3A_158 = tpu.memref_slice %arg5[%mul3A_151] : memref<4194304xf32, #tpu.memory_space<hbm>> -> memref<2048xf32, #tpu.memory_space<hbm>>
          tpu.enqueue_dma source(%dma_start3A_158 : memref<2048xf32, #tpu.memory_space<hbm>>) target(%arg16 : memref<2048xf32, #tpu.memory_space<vmem>>) target_semaphore(%arg28 : memref<!tpu.dma_semaphore, #tpu.memory_space<semaphore_mem>>)
          %dma_start3A_159 = tpu.memref_slice %arg2[%mul3A_151] : memref<4194304xf32, #tpu.memory_space<hbm>> -> memref<2048xf32, #tpu.memory_space<hbm>>
          %dma_start3A_160 = tpu.memref_slice %arg2[%mul3A_151] : memref<4194304xf32, #tpu.memory_space<hbm>> -> memref<2048xf32, #tpu.memory_space<hbm>>
          tpu.enqueue_dma source(%dma_start3A_160 : memref<2048xf32, #tpu.memory_space<hbm>>) target(%arg17 : memref<2048xf32, #tpu.memory_space<vmem>>) target_semaphore(%arg28 : memref<!tpu.dma_semaphore, #tpu.memory_space<semaphore_mem>>)
          %dma_start3A_161 = tpu.memref_slice %arg3[%mul3A_151] : memref<4194304xf32, #tpu.memory_space<hbm>> -> memref<2048xf32, #tpu.memory_space<hbm>>
          %dma_start3A_162 = tpu.memref_slice %arg3[%mul3A_151] : memref<4194304xf32, #tpu.memory_space<hbm>> -> memref<2048xf32, #tpu.memory_space<hbm>>
          tpu.enqueue_dma source(%dma_start3A_162 : memref<2048xf32, #tpu.memory_space<hbm>>) target(%arg18 : memref<2048xf32, #tpu.memory_space<vmem>>) target_semaphore(%arg28 : memref<!tpu.dma_semaphore, #tpu.memory_space<semaphore_mem>>)
          %dma_start3A_163 = tpu.memref_slice %arg4[%mul3A_151] : memref<4194304xf32, #tpu.memory_space<hbm>> -> memref<2048xf32, #tpu.memory_space<hbm>>
          %dma_start3A_164 = tpu.memref_slice %arg4[%mul3A_151] : memref<4194304xf32, #tpu.memory_space<hbm>> -> memref<2048xf32, #tpu.memory_space<hbm>>
          tpu.enqueue_dma source(%dma_start3A_164 : memref<2048xf32, #tpu.memory_space<hbm>>) target(%arg19 : memref<2048xf32, #tpu.memory_space<vmem>>) target_semaphore(%arg28 : memref<!tpu.dma_semaphore, #tpu.memory_space<semaphore_mem>>)
        } else {
        }
        %scan3A_143 = arith.constant 0 : i32
        %scan3A_144 = arith.constant 0 : i32
        %scan3A_145 = arith.constant 16 : i32
        %scan3A_146 = arith.addi %scan3A_144, %scan3A_145 : i32
        %scan3A_147 = arith.constant 1 : i32
        %scan3A_148 = scf.for %scan3A_150 = %scan3A_144 to %scan3A_146 step %scan3A_147 iter_args(%scan3A_151 = %scan3A_143) -> (i32)  : i32 {
          %mul3A_152 = arith.constant 128 : i32
          %mul3A_153 = arith.muli %scan3A_150, %mul3A_152 : i32
          %add3A_154 = arith.constant 0 : i32
          %add3A_155 = arith.addi %mul3A_153, %add3A_154 : i32
          %get3A_156 = arith.index_cast %add3A_155 : i32 to index
          %get3A_157 = tpu.vector_load %arg10[%get3A_156] {strides = array<i32>} : memref<2064xi32, #tpu.memory_space<vmem>>, vector<16xi32>,
          %add3A_158 = arith.constant 1 : i32
          %add3A_159 = arith.addi %add3A_155, %add3A_158 : i32
          %get3A_160 = arith.index_cast %add3A_159 : i32 to index
          %get3A_161 = tpu.vector_load %arg10[%get3A_160] {strides = array<i32>} : memref<2064xi32, #tpu.memory_space<vmem>>, vector<16xi32>,
          %get3A_162 = arith.index_cast %add3A_155 : i32 to index
          %get3A_163 = tpu.vector_load %arg11[%get3A_162] {strides = array<i32>} : memref<2048xf32, #tpu.memory_space<vmem>>, vector<16xf32>,
          %ne3A_164 = arith.cmpi ne, %get3A_157, %get3A_161 : vector<16xi32>
          %sub3A_165 = vector.broadcast %mul3A_2 : i32 to vector<16xi32>
          %sub3A_166 = arith.subi %get3A_157, %sub3A_165 : vector<16xi32>
          %sub3A_167 = vector.broadcast %mul3A_2 : i32 to vector<16xi32>
          %sub3A_168 = arith.subi %get3A_161, %sub3A_167 : vector<16xi32>
          %bitcast3A = vector.bitcast %sub3A_166 : vector<16xi32> to vector<16xi32>
          %lt3A_169 = arith.constant 2048 : i32
          %lt3A_170 = vector.broadcast %lt3A_169 : i32 to vector<16xi32>
          %lt3A_171 = arith.cmpi ult, %bitcast3A, %lt3A_170 : vector<16xi32>
          %bitcast3A_172 = vector.bitcast %sub3A_168 : vector<16xi32> to vector<16xi32>
          %lt3A_173 = arith.constant 2048 : i32
          %lt3A_174 = vector.broadcast %lt3A_173 : i32 to vector<16xi32>
          %lt3A_175 = arith.cmpi ult, %bitcast3A_172, %lt3A_174 : vector<16xi32>
          %or3A = arith.ori %ne3A_164, %eq3A_66 : vector<16xi1>
          %and3A_176 = arith.andi %or3A, %lt3A_171 : vector<16xi1>
          %and3A_177 = arith.andi %ne3A_164, %lt3A_68 : vector<16xi1>
          %and3A_178 = arith.andi %and3A_177, %lt3A_175 : vector<16xi1>
          %get3A_179 = arith.index_cast %add3A_155 : i32 to index
          %get3A_180 = tpu.vector_load %arg12[%get3A_179] {strides = array<i32>} : memref<2048xf32, #tpu.memory_space<vmem>>, vector<16xf32>,
          %mul3A_181 = arith.mulf %get3A_163, %get3A_180 : vector<16xf32>
          %get3A_182 = arith.index_cast %add3A_155 : i32 to index
          %get3A_183 = tpu.vector_load %arg13[%get3A_182] {strides = array<i32>} : memref<2048xf32, #tpu.memory_space<vmem>>, vector<16xf32>,
          %mul3A_184 = arith.mulf %get3A_163, %get3A_183 : vector<16xf32>
          %get3A_185 = arith.index_cast %add3A_155 : i32 to index
          %get3A_186 = tpu.vector_load %arg14[%get3A_185] {strides = array<i32>} : memref<2048xf32, #tpu.memory_space<vmem>>, vector<16xf32>,
          %mul3A_187 = arith.mulf %get3A_163, %get3A_186 : vector<16xf32>
          %broadcast_in_dim3A_188 = arith.constant true
          %broadcast_in_dim3A_189 = vector.broadcast %broadcast_in_dim3A_188 : i1 to vector<16xi1>
          %masked_cumsum3A = tpu.scan <sum>, %mul3A_181 masked %broadcast_in_dim3A_189 : vector<16xf32>, vector<16xi1> -> vector<16xf32>
          %broadcast_in_dim3A_190 = arith.constant true
          %broadcast_in_dim3A_191 = vector.broadcast %broadcast_in_dim3A_190 : i1 to vector<16xi1>
          %masked_cumsum3A_192 = tpu.scan <sum>, %mul3A_184 masked %broadcast_in_dim3A_191 : vector<16xf32>, vector<16xi1> -> vector<16xf32>
          %broadcast_in_dim3A_193 = arith.constant true
          %broadcast_in_dim3A_194 = vector.broadcast %broadcast_in_dim3A_193 : i1 to vector<16xi1>
          %masked_cumsum3A_195 = tpu.scan <sum>, %mul3A_187 masked %broadcast_in_dim3A_194 : vector<16xf32>, vector<16xi1> -> vector<16xf32>
          %broadcast_in_dim3A_196 = arith.constant true
          %broadcast_in_dim3A_197 = vector.broadcast %broadcast_in_dim3A_196 : i1 to vector<16xi1>
          %masked_cumsum3A_198 = tpu.scan <sum>, %get3A_163 masked %broadcast_in_dim3A_197 : vector<16xf32>, vector<16xi1> -> vector<16xf32>
          tpu.vector_store_idx %arg20[%sub3A_166], %masked_cumsum3A masked %and3A_176 {add = true} : memref<2048xf32, #tpu.memory_space<vmem>>[vector<16xi32>], vector<16xf32>, vector<16xi1>
          %neg3A = arith.constant 0.000000e+00 : f32
          %neg3A_199 = vector.broadcast %neg3A : f32 to vector<16xf32>
          %neg3A_200 = arith.subf %neg3A_199, %masked_cumsum3A : vector<16xf32>
          tpu.vector_store_idx %arg20[%sub3A_168], %neg3A_200 masked %and3A_178 {add = true} : memref<2048xf32, #tpu.memory_space<vmem>>[vector<16xi32>], vector<16xf32>, vector<16xi1>
          tpu.vector_store_idx %arg21[%sub3A_166], %masked_cumsum3A_192 masked %and3A_176 {add = true} : memref<2048xf32, #tpu.memory_space<vmem>>[vector<16xi32>], vector<16xf32>, vector<16xi1>
          %neg3A_201 = arith.constant 0.000000e+00 : f32
          %neg3A_202 = vector.broadcast %neg3A_201 : f32 to vector<16xf32>
          %neg3A_203 = arith.subf %neg3A_202, %masked_cumsum3A_192 : vector<16xf32>
          tpu.vector_store_idx %arg21[%sub3A_168], %neg3A_203 masked %and3A_178 {add = true} : memref<2048xf32, #tpu.memory_space<vmem>>[vector<16xi32>], vector<16xf32>, vector<16xi1>
          tpu.vector_store_idx %arg22[%sub3A_166], %masked_cumsum3A_195 masked %and3A_176 {add = true} : memref<2048xf32, #tpu.memory_space<vmem>>[vector<16xi32>], vector<16xf32>, vector<16xi1>
          %neg3A_204 = arith.constant 0.000000e+00 : f32
          %neg3A_205 = vector.broadcast %neg3A_204 : f32 to vector<16xf32>
          %neg3A_206 = arith.subf %neg3A_205, %masked_cumsum3A_195 : vector<16xf32>
          tpu.vector_store_idx %arg22[%sub3A_168], %neg3A_206 masked %and3A_178 {add = true} : memref<2048xf32, #tpu.memory_space<vmem>>[vector<16xi32>], vector<16xf32>, vector<16xi1>
          tpu.vector_store_idx %arg23[%sub3A_166], %masked_cumsum3A_198 masked %and3A_176 {add = true} : memref<2048xf32, #tpu.memory_space<vmem>>[vector<16xi32>], vector<16xf32>, vector<16xi1>
          %neg3A_207 = arith.constant 0.000000e+00 : f32
          %neg3A_208 = vector.broadcast %neg3A_207 : f32 to vector<16xf32>
          %neg3A_209 = arith.subf %neg3A_208, %masked_cumsum3A_198 : vector<16xf32>
          tpu.vector_store_idx %arg23[%sub3A_168], %neg3A_209 masked %and3A_178 {add = true} : memref<2048xf32, #tpu.memory_space<vmem>>[vector<16xi32>], vector<16xf32>, vector<16xi1>
          %add3A_210 = arith.constant 16 : i32
          %add3A_211 = arith.addi %mul3A_153, %add3A_210 : i32
          %get3A_212 = arith.index_cast %add3A_211 : i32 to index
          %get3A_213 = tpu.vector_load %arg10[%get3A_212] {strides = array<i32>} : memref<2064xi32, #tpu.memory_space<vmem>>, vector<16xi32>,
          %add3A_214 = arith.constant 1 : i32
          %add3A_215 = arith.addi %add3A_211, %add3A_214 : i32
          %get3A_216 = arith.index_cast %add3A_215 : i32 to index
          %get3A_217 = tpu.vector_load %arg10[%get3A_216] {strides = array<i32>} : memref<2064xi32, #tpu.memory_space<vmem>>, vector<16xi32>,
          %get3A_218 = arith.index_cast %add3A_211 : i32 to index
          %get3A_219 = tpu.vector_load %arg11[%get3A_218] {strides = array<i32>} : memref<2048xf32, #tpu.memory_space<vmem>>, vector<16xf32>,
          %ne3A_220 = arith.cmpi ne, %get3A_213, %get3A_217 : vector<16xi32>
          %sub3A_221 = vector.broadcast %mul3A_2 : i32 to vector<16xi32>
          %sub3A_222 = arith.subi %get3A_213, %sub3A_221 : vector<16xi32>
          %sub3A_223 = vector.broadcast %mul3A_2 : i32 to vector<16xi32>
          %sub3A_224 = arith.subi %get3A_217, %sub3A_223 : vector<16xi32>
          %bitcast3A_225 = vector.bitcast %sub3A_222 : vector<16xi32> to vector<16xi32>
          %lt3A_226 = arith.constant 2048 : i32
          %lt3A_227 = vector.broadcast %lt3A_226 : i32 to vector<16xi32>
          %lt3A_228 = arith.cmpi ult, %bitcast3A_225, %lt3A_227 : vector<16xi32>
          %bitcast3A_229 = vector.bitcast %sub3A_224 : vector<16xi32> to vector<16xi32>
          %lt3A_230 = arith.constant 2048 : i32
          %lt3A_231 = vector.broadcast %lt3A_230 : i32 to vector<16xi32>
          %lt3A_232 = arith.cmpi ult, %bitcast3A_229, %lt3A_231 : vector<16xi32>
          %or3A_233 = arith.ori %ne3A_220, %eq3A_66 : vector<16xi1>
          %and3A_234 = arith.andi %or3A_233, %lt3A_228 : vector<16xi1>
          %and3A_235 = arith.andi %ne3A_220, %lt3A_68 : vector<16xi1>
          %and3A_236 = arith.andi %and3A_235, %lt3A_232 : vector<16xi1>
          %get3A_237 = arith.index_cast %add3A_211 : i32 to index
          %get3A_238 = tpu.vector_load %arg12[%get3A_237] {strides = array<i32>} : memref<2048xf32, #tpu.memory_space<vmem>>, vector<16xf32>,
          %mul3A_239 = arith.mulf %get3A_219, %get3A_238 : vector<16xf32>
          %get3A_240 = arith.index_cast %add3A_211 : i32 to index
          %get3A_241 = tpu.vector_load %arg13[%get3A_240] {strides = array<i32>} : memref<2048xf32, #tpu.memory_space<vmem>>, vector<16xf32>,
          %mul3A_242 = arith.mulf %get3A_219, %get3A_241 : vector<16xf32>
          %get3A_243 = arith.index_cast %add3A_211 : i32 to index
          %get3A_244 = tpu.vector_load %arg14[%get3A_243] {strides = array<i32>} : memref<2048xf32, #tpu.memory_space<vmem>>, vector<16xf32>,
          %mul3A_245 = arith.mulf %get3A_219, %get3A_244 : vector<16xf32>
          %broadcast_in_dim3A_246 = arith.constant true
          %broadcast_in_dim3A_247 = vector.broadcast %broadcast_in_dim3A_246 : i1 to vector<16xi1>
          %masked_cumsum3A_248 = tpu.scan <sum>, %mul3A_239 masked %broadcast_in_dim3A_247 : vector<16xf32>, vector<16xi1> -> vector<16xf32>
          %broadcast_in_dim3A_249 = arith.constant true
          %broadcast_in_dim3A_250 = vector.broadcast %broadcast_in_dim3A_249 : i1 to vector<16xi1>
          %masked_cumsum3A_251 = tpu.scan <sum>, %mul3A_242 masked %broadcast_in_dim3A_250 : vector<16xf32>, vector<16xi1> -> vector<16xf32>
          %broadcast_in_dim3A_252 = arith.constant true
          %broadcast_in_dim3A_253 = vector.broadcast %broadcast_in_dim3A_252 : i1 to vector<16xi1>
          %masked_cumsum3A_254 = tpu.scan <sum>, %mul3A_245 masked %broadcast_in_dim3A_253 : vector<16xf32>, vector<16xi1> -> vector<16xf32>
          %broadcast_in_dim3A_255 = arith.constant true
          %broadcast_in_dim3A_256 = vector.broadcast %broadcast_in_dim3A_255 : i1 to vector<16xi1>
          %masked_cumsum3A_257 = tpu.scan <sum>, %get3A_219 masked %broadcast_in_dim3A_256 : vector<16xf32>, vector<16xi1> -> vector<16xf32>
          tpu.vector_store_idx %arg20[%sub3A_222], %masked_cumsum3A_248 masked %and3A_234 {add = true} : memref<2048xf32, #tpu.memory_space<vmem>>[vector<16xi32>], vector<16xf32>, vector<16xi1>
          %neg3A_258 = arith.constant 0.000000e+00 : f32
          %neg3A_259 = vector.broadcast %neg3A_258 : f32 to vector<16xf32>
          %neg3A_260 = arith.subf %neg3A_259, %masked_cumsum3A_248 : vector<16xf32>
          tpu.vector_store_idx %arg20[%sub3A_224], %neg3A_260 masked %and3A_236 {add = true} : memref<2048xf32, #tpu.memory_space<vmem>>[vector<16xi32>], vector<16xf32>, vector<16xi1>
          tpu.vector_store_idx %arg21[%sub3A_222], %masked_cumsum3A_251 masked %and3A_234 {add = true} : memref<2048xf32, #tpu.memory_space<vmem>>[vector<16xi32>], vector<16xf32>, vector<16xi1>
          %neg3A_261 = arith.constant 0.000000e+00 : f32
          %neg3A_262 = vector.broadcast %neg3A_261 : f32 to vector<16xf32>
          %neg3A_263 = arith.subf %neg3A_262, %masked_cumsum3A_251 : vector<16xf32>
          tpu.vector_store_idx %arg21[%sub3A_224], %neg3A_263 masked %and3A_236 {add = true} : memref<2048xf32, #tpu.memory_space<vmem>>[vector<16xi32>], vector<16xf32>, vector<16xi1>
          tpu.vector_store_idx %arg22[%sub3A_222], %masked_cumsum3A_254 masked %and3A_234 {add = true} : memref<2048xf32, #tpu.memory_space<vmem>>[vector<16xi32>], vector<16xf32>, vector<16xi1>
          %neg3A_264 = arith.constant 0.000000e+00 : f32
          %neg3A_265 = vector.broadcast %neg3A_264 : f32 to vector<16xf32>
          %neg3A_266 = arith.subf %neg3A_265, %masked_cumsum3A_254 : vector<16xf32>
          tpu.vector_store_idx %arg22[%sub3A_224], %neg3A_266 masked %and3A_236 {add = true} : memref<2048xf32, #tpu.memory_space<vmem>>[vector<16xi32>], vector<16xf32>, vector<16xi1>
          tpu.vector_store_idx %arg23[%sub3A_222], %masked_cumsum3A_257 masked %and3A_234 {add = true} : memref<2048xf32, #tpu.memory_space<vmem>>[vector<16xi32>], vector<16xf32>, vector<16xi1>
          %neg3A_267 = arith.constant 0.000000e+00 : f32
          %neg3A_268 = vector.broadcast %neg3A_267 : f32 to vector<16xf32>
          %neg3A_269 = arith.subf %neg3A_268, %masked_cumsum3A_257 : vector<16xf32>
          tpu.vector_store_idx %arg23[%sub3A_224], %neg3A_269 masked %and3A_236 {add = true} : memref<2048xf32, #tpu.memory_space<vmem>>[vector<16xi32>], vector<16xf32>, vector<16xi1>
          %add3A_270 = arith.constant 32 : i32
          %add3A_271 = arith.addi %mul3A_153, %add3A_270 : i32
          %get3A_272 = arith.index_cast %add3A_271 : i32 to index
          %get3A_273 = tpu.vector_load %arg10[%get3A_272] {strides = array<i32>} : memref<2064xi32, #tpu.memory_space<vmem>>, vector<16xi32>,
          %add3A_274 = arith.constant 1 : i32
          %add3A_275 = arith.addi %add3A_271, %add3A_274 : i32
          %get3A_276 = arith.index_cast %add3A_275 : i32 to index
          %get3A_277 = tpu.vector_load %arg10[%get3A_276] {strides = array<i32>} : memref<2064xi32, #tpu.memory_space<vmem>>, vector<16xi32>,
          %get3A_278 = arith.index_cast %add3A_271 : i32 to index
          %get3A_279 = tpu.vector_load %arg11[%get3A_278] {strides = array<i32>} : memref<2048xf32, #tpu.memory_space<vmem>>, vector<16xf32>,
          %ne3A_280 = arith.cmpi ne, %get3A_273, %get3A_277 : vector<16xi32>
          %sub3A_281 = vector.broadcast %mul3A_2 : i32 to vector<16xi32>
          %sub3A_282 = arith.subi %get3A_273, %sub3A_281 : vector<16xi32>
          %sub3A_283 = vector.broadcast %mul3A_2 : i32 to vector<16xi32>
          %sub3A_284 = arith.subi %get3A_277, %sub3A_283 : vector<16xi32>
          %bitcast3A_285 = vector.bitcast %sub3A_282 : vector<16xi32> to vector<16xi32>
          %lt3A_286 = arith.constant 2048 : i32
          %lt3A_287 = vector.broadcast %lt3A_286 : i32 to vector<16xi32>
          %lt3A_288 = arith.cmpi ult, %bitcast3A_285, %lt3A_287 : vector<16xi32>
          %bitcast3A_289 = vector.bitcast %sub3A_284 : vector<16xi32> to vector<16xi32>
          %lt3A_290 = arith.constant 2048 : i32
          %lt3A_291 = vector.broadcast %lt3A_290 : i32 to vector<16xi32>
          %lt3A_292 = arith.cmpi ult, %bitcast3A_289, %lt3A_291 : vector<16xi32>
          %or3A_293 = arith.ori %ne3A_280, %eq3A_66 : vector<16xi1>
          %and3A_294 = arith.andi %or3A_293, %lt3A_288 : vector<16xi1>
          %and3A_295 = arith.andi %ne3A_280, %lt3A_68 : vector<16xi1>
          %and3A_296 = arith.andi %and3A_295, %lt3A_292 : vector<16xi1>
          %get3A_297 = arith.index_cast %add3A_271 : i32 to index
          %get3A_298 = tpu.vector_load %arg12[%get3A_297] {strides = array<i32>} : memref<2048xf32, #tpu.memory_space<vmem>>, vector<16xf32>,
          %mul3A_299 = arith.mulf %get3A_279, %get3A_298 : vector<16xf32>
          %get3A_300 = arith.index_cast %add3A_271 : i32 to index
          %get3A_301 = tpu.vector_load %arg13[%get3A_300] {strides = array<i32>} : memref<2048xf32, #tpu.memory_space<vmem>>, vector<16xf32>,
          %mul3A_302 = arith.mulf %get3A_279, %get3A_301 : vector<16xf32>
          %get3A_303 = arith.index_cast %add3A_271 : i32 to index
          %get3A_304 = tpu.vector_load %arg14[%get3A_303] {strides = array<i32>} : memref<2048xf32, #tpu.memory_space<vmem>>, vector<16xf32>,
          %mul3A_305 = arith.mulf %get3A_279, %get3A_304 : vector<16xf32>
          %broadcast_in_dim3A_306 = arith.constant true
          %broadcast_in_dim3A_307 = vector.broadcast %broadcast_in_dim3A_306 : i1 to vector<16xi1>
          %masked_cumsum3A_308 = tpu.scan <sum>, %mul3A_299 masked %broadcast_in_dim3A_307 : vector<16xf32>, vector<16xi1> -> vector<16xf32>
          %broadcast_in_dim3A_309 = arith.constant true
          %broadcast_in_dim3A_310 = vector.broadcast %broadcast_in_dim3A_309 : i1 to vector<16xi1>
          %masked_cumsum3A_311 = tpu.scan <sum>, %mul3A_302 masked %broadcast_in_dim3A_310 : vector<16xf32>, vector<16xi1> -> vector<16xf32>
          %broadcast_in_dim3A_312 = arith.constant true
          %broadcast_in_dim3A_313 = vector.broadcast %broadcast_in_dim3A_312 : i1 to vector<16xi1>
          %masked_cumsum3A_314 = tpu.scan <sum>, %mul3A_305 masked %broadcast_in_dim3A_313 : vector<16xf32>, vector<16xi1> -> vector<16xf32>
          %broadcast_in_dim3A_315 = arith.constant true
          %broadcast_in_dim3A_316 = vector.broadcast %broadcast_in_dim3A_315 : i1 to vector<16xi1>
          %masked_cumsum3A_317 = tpu.scan <sum>, %get3A_279 masked %broadcast_in_dim3A_316 : vector<16xf32>, vector<16xi1> -> vector<16xf32>
          tpu.vector_store_idx %arg20[%sub3A_282], %masked_cumsum3A_308 masked %and3A_294 {add = true} : memref<2048xf32, #tpu.memory_space<vmem>>[vector<16xi32>], vector<16xf32>, vector<16xi1>
          %neg3A_318 = arith.constant 0.000000e+00 : f32
          %neg3A_319 = vector.broadcast %neg3A_318 : f32 to vector<16xf32>
          %neg3A_320 = arith.subf %neg3A_319, %masked_cumsum3A_308 : vector<16xf32>
          tpu.vector_store_idx %arg20[%sub3A_284], %neg3A_320 masked %and3A_296 {add = true} : memref<2048xf32, #tpu.memory_space<vmem>>[vector<16xi32>], vector<16xf32>, vector<16xi1>
          tpu.vector_store_idx %arg21[%sub3A_282], %masked_cumsum3A_311 masked %and3A_294 {add = true} : memref<2048xf32, #tpu.memory_space<vmem>>[vector<16xi32>], vector<16xf32>, vector<16xi1>
          %neg3A_321 = arith.constant 0.000000e+00 : f32
          %neg3A_322 = vector.broadcast %neg3A_321 : f32 to vector<16xf32>
          %neg3A_323 = arith.subf %neg3A_322, %masked_cumsum3A_311 : vector<16xf32>
          tpu.vector_store_idx %arg21[%sub3A_284], %neg3A_323 masked %and3A_296 {add = true} : memref<2048xf32, #tpu.memory_space<vmem>>[vector<16xi32>], vector<16xf32>, vector<16xi1>
          tpu.vector_store_idx %arg22[%sub3A_282], %masked_cumsum3A_314 masked %and3A_294 {add = true} : memref<2048xf32, #tpu.memory_space<vmem>>[vector<16xi32>], vector<16xf32>, vector<16xi1>
          %neg3A_324 = arith.constant 0.000000e+00 : f32
          %neg3A_325 = vector.broadcast %neg3A_324 : f32 to vector<16xf32>
          %neg3A_326 = arith.subf %neg3A_325, %masked_cumsum3A_314 : vector<16xf32>
          tpu.vector_store_idx %arg22[%sub3A_284], %neg3A_326 masked %and3A_296 {add = true} : memref<2048xf32, #tpu.memory_space<vmem>>[vector<16xi32>], vector<16xf32>, vector<16xi1>
          tpu.vector_store_idx %arg23[%sub3A_282], %masked_cumsum3A_317 masked %and3A_294 {add = true} : memref<2048xf32, #tpu.memory_space<vmem>>[vector<16xi32>], vector<16xf32>, vector<16xi1>
          %neg3A_327 = arith.constant 0.000000e+00 : f32
          %neg3A_328 = vector.broadcast %neg3A_327 : f32 to vector<16xf32>
          %neg3A_329 = arith.subf %neg3A_328, %masked_cumsum3A_317 : vector<16xf32>
          tpu.vector_store_idx %arg23[%sub3A_284], %neg3A_329 masked %and3A_296 {add = true} : memref<2048xf32, #tpu.memory_space<vmem>>[vector<16xi32>], vector<16xf32>, vector<16xi1>
          %add3A_330 = arith.constant 48 : i32
          %add3A_331 = arith.addi %mul3A_153, %add3A_330 : i32
          %get3A_332 = arith.index_cast %add3A_331 : i32 to index
          %get3A_333 = tpu.vector_load %arg10[%get3A_332] {strides = array<i32>} : memref<2064xi32, #tpu.memory_space<vmem>>, vector<16xi32>,
          %add3A_334 = arith.constant 1 : i32
          %add3A_335 = arith.addi %add3A_331, %add3A_334 : i32
          %get3A_336 = arith.index_cast %add3A_335 : i32 to index
          %get3A_337 = tpu.vector_load %arg10[%get3A_336] {strides = array<i32>} : memref<2064xi32, #tpu.memory_space<vmem>>, vector<16xi32>,
          %get3A_338 = arith.index_cast %add3A_331 : i32 to index
          %get3A_339 = tpu.vector_load %arg11[%get3A_338] {strides = array<i32>} : memref<2048xf32, #tpu.memory_space<vmem>>, vector<16xf32>,
          %ne3A_340 = arith.cmpi ne, %get3A_333, %get3A_337 : vector<16xi32>
          %sub3A_341 = vector.broadcast %mul3A_2 : i32 to vector<16xi32>
          %sub3A_342 = arith.subi %get3A_333, %sub3A_341 : vector<16xi32>
          %sub3A_343 = vector.broadcast %mul3A_2 : i32 to vector<16xi32>
          %sub3A_344 = arith.subi %get3A_337, %sub3A_343 : vector<16xi32>
          %bitcast3A_345 = vector.bitcast %sub3A_342 : vector<16xi32> to vector<16xi32>
          %lt3A_346 = arith.constant 2048 : i32
          %lt3A_347 = vector.broadcast %lt3A_346 : i32 to vector<16xi32>
          %lt3A_348 = arith.cmpi ult, %bitcast3A_345, %lt3A_347 : vector<16xi32>
          %bitcast3A_349 = vector.bitcast %sub3A_344 : vector<16xi32> to vector<16xi32>
          %lt3A_350 = arith.constant 2048 : i32
          %lt3A_351 = vector.broadcast %lt3A_350 : i32 to vector<16xi32>
          %lt3A_352 = arith.cmpi ult, %bitcast3A_349, %lt3A_351 : vector<16xi32>
          %or3A_353 = arith.ori %ne3A_340, %eq3A_66 : vector<16xi1>
          %and3A_354 = arith.andi %or3A_353, %lt3A_348 : vector<16xi1>
          %and3A_355 = arith.andi %ne3A_340, %lt3A_68 : vector<16xi1>
          %and3A_356 = arith.andi %and3A_355, %lt3A_352 : vector<16xi1>
          %get3A_357 = arith.index_cast %add3A_331 : i32 to index
          %get3A_358 = tpu.vector_load %arg12[%get3A_357] {strides = array<i32>} : memref<2048xf32, #tpu.memory_space<vmem>>, vector<16xf32>,
          %mul3A_359 = arith.mulf %get3A_339, %get3A_358 : vector<16xf32>
          %get3A_360 = arith.index_cast %add3A_331 : i32 to index
          %get3A_361 = tpu.vector_load %arg13[%get3A_360] {strides = array<i32>} : memref<2048xf32, #tpu.memory_space<vmem>>, vector<16xf32>,
          %mul3A_362 = arith.mulf %get3A_339, %get3A_361 : vector<16xf32>
          %get3A_363 = arith.index_cast %add3A_331 : i32 to index
          %get3A_364 = tpu.vector_load %arg14[%get3A_363] {strides = array<i32>} : memref<2048xf32, #tpu.memory_space<vmem>>, vector<16xf32>,
          %mul3A_365 = arith.mulf %get3A_339, %get3A_364 : vector<16xf32>
          %broadcast_in_dim3A_366 = arith.constant true
          %broadcast_in_dim3A_367 = vector.broadcast %broadcast_in_dim3A_366 : i1 to vector<16xi1>
          %masked_cumsum3A_368 = tpu.scan <sum>, %mul3A_359 masked %broadcast_in_dim3A_367 : vector<16xf32>, vector<16xi1> -> vector<16xf32>
          %broadcast_in_dim3A_369 = arith.constant true
          %broadcast_in_dim3A_370 = vector.broadcast %broadcast_in_dim3A_369 : i1 to vector<16xi1>
          %masked_cumsum3A_371 = tpu.scan <sum>, %mul3A_362 masked %broadcast_in_dim3A_370 : vector<16xf32>, vector<16xi1> -> vector<16xf32>
          %broadcast_in_dim3A_372 = arith.constant true
          %broadcast_in_dim3A_373 = vector.broadcast %broadcast_in_dim3A_372 : i1 to vector<16xi1>
          %masked_cumsum3A_374 = tpu.scan <sum>, %mul3A_365 masked %broadcast_in_dim3A_373 : vector<16xf32>, vector<16xi1> -> vector<16xf32>
          %broadcast_in_dim3A_375 = arith.constant true
          %broadcast_in_dim3A_376 = vector.broadcast %broadcast_in_dim3A_375 : i1 to vector<16xi1>
          %masked_cumsum3A_377 = tpu.scan <sum>, %get3A_339 masked %broadcast_in_dim3A_376 : vector<16xf32>, vector<16xi1> -> vector<16xf32>
          tpu.vector_store_idx %arg20[%sub3A_342], %masked_cumsum3A_368 masked %and3A_354 {add = true} : memref<2048xf32, #tpu.memory_space<vmem>>[vector<16xi32>], vector<16xf32>, vector<16xi1>
          %neg3A_378 = arith.constant 0.000000e+00 : f32
          %neg3A_379 = vector.broadcast %neg3A_378 : f32 to vector<16xf32>
          %neg3A_380 = arith.subf %neg3A_379, %masked_cumsum3A_368 : vector<16xf32>
          tpu.vector_store_idx %arg20[%sub3A_344], %neg3A_380 masked %and3A_356 {add = true} : memref<2048xf32, #tpu.memory_space<vmem>>[vector<16xi32>], vector<16xf32>, vector<16xi1>
          tpu.vector_store_idx %arg21[%sub3A_342], %masked_cumsum3A_371 masked %and3A_354 {add = true} : memref<2048xf32, #tpu.memory_space<vmem>>[vector<16xi32>], vector<16xf32>, vector<16xi1>
          %neg3A_381 = arith.constant 0.000000e+00 : f32
          %neg3A_382 = vector.broadcast %neg3A_381 : f32 to vector<16xf32>
          %neg3A_383 = arith.subf %neg3A_382, %masked_cumsum3A_371 : vector<16xf32>
          tpu.vector_store_idx %arg21[%sub3A_344], %neg3A_383 masked %and3A_356 {add = true} : memref<2048xf32, #tpu.memory_space<vmem>>[vector<16xi32>], vector<16xf32>, vector<16xi1>
          tpu.vector_store_idx %arg22[%sub3A_342], %masked_cumsum3A_374 masked %and3A_354 {add = true} : memref<2048xf32, #tpu.memory_space<vmem>>[vector<16xi32>], vector<16xf32>, vector<16xi1>
          %neg3A_384 = arith.constant 0.000000e+00 : f32
          %neg3A_385 = vector.broadcast %neg3A_384 : f32 to vector<16xf32>
          %neg3A_386 = arith.subf %neg3A_385, %masked_cumsum3A_374 : vector<16xf32>
          tpu.vector_store_idx %arg22[%sub3A_344], %neg3A_386 masked %and3A_356 {add = true} : memref<2048xf32, #tpu.memory_space<vmem>>[vector<16xi32>], vector<16xf32>, vector<16xi1>
          tpu.vector_store_idx %arg23[%sub3A_342], %masked_cumsum3A_377 masked %and3A_354 {add = true} : memref<2048xf32, #tpu.memory_space<vmem>>[vector<16xi32>], vector<16xf32>, vector<16xi1>
          %neg3A_387 = arith.constant 0.000000e+00 : f32
          %neg3A_388 = vector.broadcast %neg3A_387 : f32 to vector<16xf32>
          %neg3A_389 = arith.subf %neg3A_388, %masked_cumsum3A_377 : vector<16xf32>
          tpu.vector_store_idx %arg23[%sub3A_344], %neg3A_389 masked %and3A_356 {add = true} : memref<2048xf32, #tpu.memory_space<vmem>>[vector<16xi32>], vector<16xf32>, vector<16xi1>
          %add3A_390 = arith.constant 64 : i32
          %add3A_391 = arith.addi %mul3A_153, %add3A_390 : i32
          %get3A_392 = arith.index_cast %add3A_391 : i32 to index
          %get3A_393 = tpu.vector_load %arg10[%get3A_392] {strides = array<i32>} : memref<2064xi32, #tpu.memory_space<vmem>>, vector<16xi32>,
          %add3A_394 = arith.constant 1 : i32
          %add3A_395 = arith.addi %add3A_391, %add3A_394 : i32
          %get3A_396 = arith.index_cast %add3A_395 : i32 to index
          %get3A_397 = tpu.vector_load %arg10[%get3A_396] {strides = array<i32>} : memref<2064xi32, #tpu.memory_space<vmem>>, vector<16xi32>,
          %get3A_398 = arith.index_cast %add3A_391 : i32 to index
          %get3A_399 = tpu.vector_load %arg11[%get3A_398] {strides = array<i32>} : memref<2048xf32, #tpu.memory_space<vmem>>, vector<16xf32>,
          %ne3A_400 = arith.cmpi ne, %get3A_393, %get3A_397 : vector<16xi32>
          %sub3A_401 = vector.broadcast %mul3A_2 : i32 to vector<16xi32>
          %sub3A_402 = arith.subi %get3A_393, %sub3A_401 : vector<16xi32>
          %sub3A_403 = vector.broadcast %mul3A_2 : i32 to vector<16xi32>
          %sub3A_404 = arith.subi %get3A_397, %sub3A_403 : vector<16xi32>
          %bitcast3A_405 = vector.bitcast %sub3A_402 : vector<16xi32> to vector<16xi32>
          %lt3A_406 = arith.constant 2048 : i32
          %lt3A_407 = vector.broadcast %lt3A_406 : i32 to vector<16xi32>
          %lt3A_408 = arith.cmpi ult, %bitcast3A_405, %lt3A_407 : vector<16xi32>
          %bitcast3A_409 = vector.bitcast %sub3A_404 : vector<16xi32> to vector<16xi32>
          %lt3A_410 = arith.constant 2048 : i32
          %lt3A_411 = vector.broadcast %lt3A_410 : i32 to vector<16xi32>
          %lt3A_412 = arith.cmpi ult, %bitcast3A_409, %lt3A_411 : vector<16xi32>
          %or3A_413 = arith.ori %ne3A_400, %eq3A_66 : vector<16xi1>
          %and3A_414 = arith.andi %or3A_413, %lt3A_408 : vector<16xi1>
          %and3A_415 = arith.andi %ne3A_400, %lt3A_68 : vector<16xi1>
          %and3A_416 = arith.andi %and3A_415, %lt3A_412 : vector<16xi1>
          %get3A_417 = arith.index_cast %add3A_391 : i32 to index
          %get3A_418 = tpu.vector_load %arg12[%get3A_417] {strides = array<i32>} : memref<2048xf32, #tpu.memory_space<vmem>>, vector<16xf32>,
          %mul3A_419 = arith.mulf %get3A_399, %get3A_418 : vector<16xf32>
          %get3A_420 = arith.index_cast %add3A_391 : i32 to index
          %get3A_421 = tpu.vector_load %arg13[%get3A_420] {strides = array<i32>} : memref<2048xf32, #tpu.memory_space<vmem>>, vector<16xf32>,
          %mul3A_422 = arith.mulf %get3A_399, %get3A_421 : vector<16xf32>
          %get3A_423 = arith.index_cast %add3A_391 : i32 to index
          %get3A_424 = tpu.vector_load %arg14[%get3A_423] {strides = array<i32>} : memref<2048xf32, #tpu.memory_space<vmem>>, vector<16xf32>,
          %mul3A_425 = arith.mulf %get3A_399, %get3A_424 : vector<16xf32>
          %broadcast_in_dim3A_426 = arith.constant true
          %broadcast_in_dim3A_427 = vector.broadcast %broadcast_in_dim3A_426 : i1 to vector<16xi1>
          %masked_cumsum3A_428 = tpu.scan <sum>, %mul3A_419 masked %broadcast_in_dim3A_427 : vector<16xf32>, vector<16xi1> -> vector<16xf32>
          %broadcast_in_dim3A_429 = arith.constant true
          %broadcast_in_dim3A_430 = vector.broadcast %broadcast_in_dim3A_429 : i1 to vector<16xi1>
          %masked_cumsum3A_431 = tpu.scan <sum>, %mul3A_422 masked %broadcast_in_dim3A_430 : vector<16xf32>, vector<16xi1> -> vector<16xf32>
          %broadcast_in_dim3A_432 = arith.constant true
          %broadcast_in_dim3A_433 = vector.broadcast %broadcast_in_dim3A_432 : i1 to vector<16xi1>
          %masked_cumsum3A_434 = tpu.scan <sum>, %mul3A_425 masked %broadcast_in_dim3A_433 : vector<16xf32>, vector<16xi1> -> vector<16xf32>
          %broadcast_in_dim3A_435 = arith.constant true
          %broadcast_in_dim3A_436 = vector.broadcast %broadcast_in_dim3A_435 : i1 to vector<16xi1>
          %masked_cumsum3A_437 = tpu.scan <sum>, %get3A_399 masked %broadcast_in_dim3A_436 : vector<16xf32>, vector<16xi1> -> vector<16xf32>
          tpu.vector_store_idx %arg20[%sub3A_402], %masked_cumsum3A_428 masked %and3A_414 {add = true} : memref<2048xf32, #tpu.memory_space<vmem>>[vector<16xi32>], vector<16xf32>, vector<16xi1>
          %neg3A_438 = arith.constant 0.000000e+00 : f32
          %neg3A_439 = vector.broadcast %neg3A_438 : f32 to vector<16xf32>
          %neg3A_440 = arith.subf %neg3A_439, %masked_cumsum3A_428 : vector<16xf32>
          tpu.vector_store_idx %arg20[%sub3A_404], %neg3A_440 masked %and3A_416 {add = true} : memref<2048xf32, #tpu.memory_space<vmem>>[vector<16xi32>], vector<16xf32>, vector<16xi1>
          tpu.vector_store_idx %arg21[%sub3A_402], %masked_cumsum3A_431 masked %and3A_414 {add = true} : memref<2048xf32, #tpu.memory_space<vmem>>[vector<16xi32>], vector<16xf32>, vector<16xi1>
          %neg3A_441 = arith.constant 0.000000e+00 : f32
          %neg3A_442 = vector.broadcast %neg3A_441 : f32 to vector<16xf32>
          %neg3A_443 = arith.subf %neg3A_442, %masked_cumsum3A_431 : vector<16xf32>
          tpu.vector_store_idx %arg21[%sub3A_404], %neg3A_443 masked %and3A_416 {add = true} : memref<2048xf32, #tpu.memory_space<vmem>>[vector<16xi32>], vector<16xf32>, vector<16xi1>
          tpu.vector_store_idx %arg22[%sub3A_402], %masked_cumsum3A_434 masked %and3A_414 {add = true} : memref<2048xf32, #tpu.memory_space<vmem>>[vector<16xi32>], vector<16xf32>, vector<16xi1>
          %neg3A_444 = arith.constant 0.000000e+00 : f32
          %neg3A_445 = vector.broadcast %neg3A_444 : f32 to vector<16xf32>
          %neg3A_446 = arith.subf %neg3A_445, %masked_cumsum3A_434 : vector<16xf32>
          tpu.vector_store_idx %arg22[%sub3A_404], %neg3A_446 masked %and3A_416 {add = true} : memref<2048xf32, #tpu.memory_space<vmem>>[vector<16xi32>], vector<16xf32>, vector<16xi1>
          tpu.vector_store_idx %arg23[%sub3A_402], %masked_cumsum3A_437 masked %and3A_414 {add = true} : memref<2048xf32, #tpu.memory_space<vmem>>[vector<16xi32>], vector<16xf32>, vector<16xi1>
          %neg3A_447 = arith.constant 0.000000e+00 : f32
          %neg3A_448 = vector.broadcast %neg3A_447 : f32 to vector<16xf32>
          %neg3A_449 = arith.subf %neg3A_448, %masked_cumsum3A_437 : vector<16xf32>
          tpu.vector_store_idx %arg23[%sub3A_404], %neg3A_449 masked %and3A_416 {add = true} : memref<2048xf32, #tpu.memory_space<vmem>>[vector<16xi32>], vector<16xf32>, vector<16xi1>
          %add3A_450 = arith.constant 80 : i32
          %add3A_451 = arith.addi %mul3A_153, %add3A_450 : i32
          %get3A_452 = arith.index_cast %add3A_451 : i32 to index
          %get3A_453 = tpu.vector_load %arg10[%get3A_452] {strides = array<i32>} : memref<2064xi32, #tpu.memory_space<vmem>>, vector<16xi32>,
          %add3A_454 = arith.constant 1 : i32
          %add3A_455 = arith.addi %add3A_451, %add3A_454 : i32
          %get3A_456 = arith.index_cast %add3A_455 : i32 to index
          %get3A_457 = tpu.vector_load %arg10[%get3A_456] {strides = array<i32>} : memref<2064xi32, #tpu.memory_space<vmem>>, vector<16xi32>,
          %get3A_458 = arith.index_cast %add3A_451 : i32 to index
          %get3A_459 = tpu.vector_load %arg11[%get3A_458] {strides = array<i32>} : memref<2048xf32, #tpu.memory_space<vmem>>, vector<16xf32>,
          %ne3A_460 = arith.cmpi ne, %get3A_453, %get3A_457 : vector<16xi32>
          %sub3A_461 = vector.broadcast %mul3A_2 : i32 to vector<16xi32>
          %sub3A_462 = arith.subi %get3A_453, %sub3A_461 : vector<16xi32>
          %sub3A_463 = vector.broadcast %mul3A_2 : i32 to vector<16xi32>
          %sub3A_464 = arith.subi %get3A_457, %sub3A_463 : vector<16xi32>
          %bitcast3A_465 = vector.bitcast %sub3A_462 : vector<16xi32> to vector<16xi32>
          %lt3A_466 = arith.constant 2048 : i32
          %lt3A_467 = vector.broadcast %lt3A_466 : i32 to vector<16xi32>
          %lt3A_468 = arith.cmpi ult, %bitcast3A_465, %lt3A_467 : vector<16xi32>
          %bitcast3A_469 = vector.bitcast %sub3A_464 : vector<16xi32> to vector<16xi32>
          %lt3A_470 = arith.constant 2048 : i32
          %lt3A_471 = vector.broadcast %lt3A_470 : i32 to vector<16xi32>
          %lt3A_472 = arith.cmpi ult, %bitcast3A_469, %lt3A_471 : vector<16xi32>
          %or3A_473 = arith.ori %ne3A_460, %eq3A_66 : vector<16xi1>
          %and3A_474 = arith.andi %or3A_473, %lt3A_468 : vector<16xi1>
          %and3A_475 = arith.andi %ne3A_460, %lt3A_68 : vector<16xi1>
          %and3A_476 = arith.andi %and3A_475, %lt3A_472 : vector<16xi1>
          %get3A_477 = arith.index_cast %add3A_451 : i32 to index
          %get3A_478 = tpu.vector_load %arg12[%get3A_477] {strides = array<i32>} : memref<2048xf32, #tpu.memory_space<vmem>>, vector<16xf32>,
          %mul3A_479 = arith.mulf %get3A_459, %get3A_478 : vector<16xf32>
          %get3A_480 = arith.index_cast %add3A_451 : i32 to index
          %get3A_481 = tpu.vector_load %arg13[%get3A_480] {strides = array<i32>} : memref<2048xf32, #tpu.memory_space<vmem>>, vector<16xf32>,
          %mul3A_482 = arith.mulf %get3A_459, %get3A_481 : vector<16xf32>
          %get3A_483 = arith.index_cast %add3A_451 : i32 to index
          %get3A_484 = tpu.vector_load %arg14[%get3A_483] {strides = array<i32>} : memref<2048xf32, #tpu.memory_space<vmem>>, vector<16xf32>,
          %mul3A_485 = arith.mulf %get3A_459, %get3A_484 : vector<16xf32>
          %broadcast_in_dim3A_486 = arith.constant true
          %broadcast_in_dim3A_487 = vector.broadcast %broadcast_in_dim3A_486 : i1 to vector<16xi1>
          %masked_cumsum3A_488 = tpu.scan <sum>, %mul3A_479 masked %broadcast_in_dim3A_487 : vector<16xf32>, vector<16xi1> -> vector<16xf32>
          %broadcast_in_dim3A_489 = arith.constant true
          %broadcast_in_dim3A_490 = vector.broadcast %broadcast_in_dim3A_489 : i1 to vector<16xi1>
          %masked_cumsum3A_491 = tpu.scan <sum>, %mul3A_482 masked %broadcast_in_dim3A_490 : vector<16xf32>, vector<16xi1> -> vector<16xf32>
          %broadcast_in_dim3A_492 = arith.constant true
          %broadcast_in_dim3A_493 = vector.broadcast %broadcast_in_dim3A_492 : i1 to vector<16xi1>
          %masked_cumsum3A_494 = tpu.scan <sum>, %mul3A_485 masked %broadcast_in_dim3A_493 : vector<16xf32>, vector<16xi1> -> vector<16xf32>
          %broadcast_in_dim3A_495 = arith.constant true
          %broadcast_in_dim3A_496 = vector.broadcast %broadcast_in_dim3A_495 : i1 to vector<16xi1>
          %masked_cumsum3A_497 = tpu.scan <sum>, %get3A_459 masked %broadcast_in_dim3A_496 : vector<16xf32>, vector<16xi1> -> vector<16xf32>
          tpu.vector_store_idx %arg20[%sub3A_462], %masked_cumsum3A_488 masked %and3A_474 {add = true} : memref<2048xf32, #tpu.memory_space<vmem>>[vector<16xi32>], vector<16xf32>, vector<16xi1>
          %neg3A_498 = arith.constant 0.000000e+00 : f32
          %neg3A_499 = vector.broadcast %neg3A_498 : f32 to vector<16xf32>
          %neg3A_500 = arith.subf %neg3A_499, %masked_cumsum3A_488 : vector<16xf32>
          tpu.vector_store_idx %arg20[%sub3A_464], %neg3A_500 masked %and3A_476 {add = true} : memref<2048xf32, #tpu.memory_space<vmem>>[vector<16xi32>], vector<16xf32>, vector<16xi1>
          tpu.vector_store_idx %arg21[%sub3A_462], %masked_cumsum3A_491 masked %and3A_474 {add = true} : memref<2048xf32, #tpu.memory_space<vmem>>[vector<16xi32>], vector<16xf32>, vector<16xi1>
          %neg3A_501 = arith.constant 0.000000e+00 : f32
          %neg3A_502 = vector.broadcast %neg3A_501 : f32 to vector<16xf32>
          %neg3A_503 = arith.subf %neg3A_502, %masked_cumsum3A_491 : vector<16xf32>
          tpu.vector_store_idx %arg21[%sub3A_464], %neg3A_503 masked %and3A_476 {add = true} : memref<2048xf32, #tpu.memory_space<vmem>>[vector<16xi32>], vector<16xf32>, vector<16xi1>
          tpu.vector_store_idx %arg22[%sub3A_462], %masked_cumsum3A_494 masked %and3A_474 {add = true} : memref<2048xf32, #tpu.memory_space<vmem>>[vector<16xi32>], vector<16xf32>, vector<16xi1>
          %neg3A_504 = arith.constant 0.000000e+00 : f32
          %neg3A_505 = vector.broadcast %neg3A_504 : f32 to vector<16xf32>
          %neg3A_506 = arith.subf %neg3A_505, %masked_cumsum3A_494 : vector<16xf32>
          tpu.vector_store_idx %arg22[%sub3A_464], %neg3A_506 masked %and3A_476 {add = true} : memref<2048xf32, #tpu.memory_space<vmem>>[vector<16xi32>], vector<16xf32>, vector<16xi1>
          tpu.vector_store_idx %arg23[%sub3A_462], %masked_cumsum3A_497 masked %and3A_474 {add = true} : memref<2048xf32, #tpu.memory_space<vmem>>[vector<16xi32>], vector<16xf32>, vector<16xi1>
          %neg3A_507 = arith.constant 0.000000e+00 : f32
          %neg3A_508 = vector.broadcast %neg3A_507 : f32 to vector<16xf32>
          %neg3A_509 = arith.subf %neg3A_508, %masked_cumsum3A_497 : vector<16xf32>
          tpu.vector_store_idx %arg23[%sub3A_464], %neg3A_509 masked %and3A_476 {add = true} : memref<2048xf32, #tpu.memory_space<vmem>>[vector<16xi32>], vector<16xf32>, vector<16xi1>
          %add3A_510 = arith.constant 96 : i32
          %add3A_511 = arith.addi %mul3A_153, %add3A_510 : i32
          %get3A_512 = arith.index_cast %add3A_511 : i32 to index
          %get3A_513 = tpu.vector_load %arg10[%get3A_512] {strides = array<i32>} : memref<2064xi32, #tpu.memory_space<vmem>>, vector<16xi32>,
          %add3A_514 = arith.constant 1 : i32
          %add3A_515 = arith.addi %add3A_511, %add3A_514 : i32
          %get3A_516 = arith.index_cast %add3A_515 : i32 to index
          %get3A_517 = tpu.vector_load %arg10[%get3A_516] {strides = array<i32>} : memref<2064xi32, #tpu.memory_space<vmem>>, vector<16xi32>,
          %get3A_518 = arith.index_cast %add3A_511 : i32 to index
          %get3A_519 = tpu.vector_load %arg11[%get3A_518] {strides = array<i32>} : memref<2048xf32, #tpu.memory_space<vmem>>, vector<16xf32>,
          %ne3A_520 = arith.cmpi ne, %get3A_513, %get3A_517 : vector<16xi32>
          %sub3A_521 = vector.broadcast %mul3A_2 : i32 to vector<16xi32>
          %sub3A_522 = arith.subi %get3A_513, %sub3A_521 : vector<16xi32>
          %sub3A_523 = vector.broadcast %mul3A_2 : i32 to vector<16xi32>
          %sub3A_524 = arith.subi %get3A_517, %sub3A_523 : vector<16xi32>
          %bitcast3A_525 = vector.bitcast %sub3A_522 : vector<16xi32> to vector<16xi32>
          %lt3A_526 = arith.constant 2048 : i32
          %lt3A_527 = vector.broadcast %lt3A_526 : i32 to vector<16xi32>
          %lt3A_528 = arith.cmpi ult, %bitcast3A_525, %lt3A_527 : vector<16xi32>
          %bitcast3A_529 = vector.bitcast %sub3A_524 : vector<16xi32> to vector<16xi32>
          %lt3A_530 = arith.constant 2048 : i32
          %lt3A_531 = vector.broadcast %lt3A_530 : i32 to vector<16xi32>
          %lt3A_532 = arith.cmpi ult, %bitcast3A_529, %lt3A_531 : vector<16xi32>
          %or3A_533 = arith.ori %ne3A_520, %eq3A_66 : vector<16xi1>
          %and3A_534 = arith.andi %or3A_533, %lt3A_528 : vector<16xi1>
          %and3A_535 = arith.andi %ne3A_520, %lt3A_68 : vector<16xi1>
          %and3A_536 = arith.andi %and3A_535, %lt3A_532 : vector<16xi1>
          %get3A_537 = arith.index_cast %add3A_511 : i32 to index
          %get3A_538 = tpu.vector_load %arg12[%get3A_537] {strides = array<i32>} : memref<2048xf32, #tpu.memory_space<vmem>>, vector<16xf32>,
          %mul3A_539 = arith.mulf %get3A_519, %get3A_538 : vector<16xf32>
          %get3A_540 = arith.index_cast %add3A_511 : i32 to index
          %get3A_541 = tpu.vector_load %arg13[%get3A_540] {strides = array<i32>} : memref<2048xf32, #tpu.memory_space<vmem>>, vector<16xf32>,
          %mul3A_542 = arith.mulf %get3A_519, %get3A_541 : vector<16xf32>
          %get3A_543 = arith.index_cast %add3A_511 : i32 to index
          %get3A_544 = tpu.vector_load %arg14[%get3A_543] {strides = array<i32>} : memref<2048xf32, #tpu.memory_space<vmem>>, vector<16xf32>,
          %mul3A_545 = arith.mulf %get3A_519, %get3A_544 : vector<16xf32>
          %broadcast_in_dim3A_546 = arith.constant true
          %broadcast_in_dim3A_547 = vector.broadcast %broadcast_in_dim3A_546 : i1 to vector<16xi1>
          %masked_cumsum3A_548 = tpu.scan <sum>, %mul3A_539 masked %broadcast_in_dim3A_547 : vector<16xf32>, vector<16xi1> -> vector<16xf32>
          %broadcast_in_dim3A_549 = arith.constant true
          %broadcast_in_dim3A_550 = vector.broadcast %broadcast_in_dim3A_549 : i1 to vector<16xi1>
          %masked_cumsum3A_551 = tpu.scan <sum>, %mul3A_542 masked %broadcast_in_dim3A_550 : vector<16xf32>, vector<16xi1> -> vector<16xf32>
          %broadcast_in_dim3A_552 = arith.constant true
          %broadcast_in_dim3A_553 = vector.broadcast %broadcast_in_dim3A_552 : i1 to vector<16xi1>
          %masked_cumsum3A_554 = tpu.scan <sum>, %mul3A_545 masked %broadcast_in_dim3A_553 : vector<16xf32>, vector<16xi1> -> vector<16xf32>
          %broadcast_in_dim3A_555 = arith.constant true
          %broadcast_in_dim3A_556 = vector.broadcast %broadcast_in_dim3A_555 : i1 to vector<16xi1>
          %masked_cumsum3A_557 = tpu.scan <sum>, %get3A_519 masked %broadcast_in_dim3A_556 : vector<16xf32>, vector<16xi1> -> vector<16xf32>
          tpu.vector_store_idx %arg20[%sub3A_522], %masked_cumsum3A_548 masked %and3A_534 {add = true} : memref<2048xf32, #tpu.memory_space<vmem>>[vector<16xi32>], vector<16xf32>, vector<16xi1>
          %neg3A_558 = arith.constant 0.000000e+00 : f32
          %neg3A_559 = vector.broadcast %neg3A_558 : f32 to vector<16xf32>
          %neg3A_560 = arith.subf %neg3A_559, %masked_cumsum3A_548 : vector<16xf32>
          tpu.vector_store_idx %arg20[%sub3A_524], %neg3A_560 masked %and3A_536 {add = true} : memref<2048xf32, #tpu.memory_space<vmem>>[vector<16xi32>], vector<16xf32>, vector<16xi1>
          tpu.vector_store_idx %arg21[%sub3A_522], %masked_cumsum3A_551 masked %and3A_534 {add = true} : memref<2048xf32, #tpu.memory_space<vmem>>[vector<16xi32>], vector<16xf32>, vector<16xi1>
          %neg3A_561 = arith.constant 0.000000e+00 : f32
          %neg3A_562 = vector.broadcast %neg3A_561 : f32 to vector<16xf32>
          %neg3A_563 = arith.subf %neg3A_562, %masked_cumsum3A_551 : vector<16xf32>
          tpu.vector_store_idx %arg21[%sub3A_524], %neg3A_563 masked %and3A_536 {add = true} : memref<2048xf32, #tpu.memory_space<vmem>>[vector<16xi32>], vector<16xf32>, vector<16xi1>
          tpu.vector_store_idx %arg22[%sub3A_522], %masked_cumsum3A_554 masked %and3A_534 {add = true} : memref<2048xf32, #tpu.memory_space<vmem>>[vector<16xi32>], vector<16xf32>, vector<16xi1>
          %neg3A_564 = arith.constant 0.000000e+00 : f32
          %neg3A_565 = vector.broadcast %neg3A_564 : f32 to vector<16xf32>
          %neg3A_566 = arith.subf %neg3A_565, %masked_cumsum3A_554 : vector<16xf32>
          tpu.vector_store_idx %arg22[%sub3A_524], %neg3A_566 masked %and3A_536 {add = true} : memref<2048xf32, #tpu.memory_space<vmem>>[vector<16xi32>], vector<16xf32>, vector<16xi1>
          tpu.vector_store_idx %arg23[%sub3A_522], %masked_cumsum3A_557 masked %and3A_534 {add = true} : memref<2048xf32, #tpu.memory_space<vmem>>[vector<16xi32>], vector<16xf32>, vector<16xi1>
          %neg3A_567 = arith.constant 0.000000e+00 : f32
          %neg3A_568 = vector.broadcast %neg3A_567 : f32 to vector<16xf32>
          %neg3A_569 = arith.subf %neg3A_568, %masked_cumsum3A_557 : vector<16xf32>
          tpu.vector_store_idx %arg23[%sub3A_524], %neg3A_569 masked %and3A_536 {add = true} : memref<2048xf32, #tpu.memory_space<vmem>>[vector<16xi32>], vector<16xf32>, vector<16xi1>
          %add3A_570 = arith.constant 112 : i32
          %add3A_571 = arith.addi %mul3A_153, %add3A_570 : i32
          %get3A_572 = arith.index_cast %add3A_571 : i32 to index
          %get3A_573 = tpu.vector_load %arg10[%get3A_572] {strides = array<i32>} : memref<2064xi32, #tpu.memory_space<vmem>>, vector<16xi32>,
          %add3A_574 = arith.constant 1 : i32
          %add3A_575 = arith.addi %add3A_571, %add3A_574 : i32
          %get3A_576 = arith.index_cast %add3A_575 : i32 to index
          %get3A_577 = tpu.vector_load %arg10[%get3A_576] {strides = array<i32>} : memref<2064xi32, #tpu.memory_space<vmem>>, vector<16xi32>,
          %get3A_578 = arith.index_cast %add3A_571 : i32 to index
          %get3A_579 = tpu.vector_load %arg11[%get3A_578] {strides = array<i32>} : memref<2048xf32, #tpu.memory_space<vmem>>, vector<16xf32>,
          %ne3A_580 = arith.cmpi ne, %get3A_573, %get3A_577 : vector<16xi32>
          %sub3A_581 = vector.broadcast %mul3A_2 : i32 to vector<16xi32>
          %sub3A_582 = arith.subi %get3A_573, %sub3A_581 : vector<16xi32>
          %sub3A_583 = vector.broadcast %mul3A_2 : i32 to vector<16xi32>
          %sub3A_584 = arith.subi %get3A_577, %sub3A_583 : vector<16xi32>
          %bitcast3A_585 = vector.bitcast %sub3A_582 : vector<16xi32> to vector<16xi32>
          %lt3A_586 = arith.constant 2048 : i32
          %lt3A_587 = vector.broadcast %lt3A_586 : i32 to vector<16xi32>
          %lt3A_588 = arith.cmpi ult, %bitcast3A_585, %lt3A_587 : vector<16xi32>
          %bitcast3A_589 = vector.bitcast %sub3A_584 : vector<16xi32> to vector<16xi32>
          %lt3A_590 = arith.constant 2048 : i32
          %lt3A_591 = vector.broadcast %lt3A_590 : i32 to vector<16xi32>
          %lt3A_592 = arith.cmpi ult, %bitcast3A_589, %lt3A_591 : vector<16xi32>
          %or3A_593 = arith.ori %ne3A_580, %eq3A_66 : vector<16xi1>
          %and3A_594 = arith.andi %or3A_593, %lt3A_588 : vector<16xi1>
          %and3A_595 = arith.andi %ne3A_580, %lt3A_68 : vector<16xi1>
          %and3A_596 = arith.andi %and3A_595, %lt3A_592 : vector<16xi1>
          %get3A_597 = arith.index_cast %add3A_571 : i32 to index
          %get3A_598 = tpu.vector_load %arg12[%get3A_597] {strides = array<i32>} : memref<2048xf32, #tpu.memory_space<vmem>>, vector<16xf32>,
          %mul3A_599 = arith.mulf %get3A_579, %get3A_598 : vector<16xf32>
          %get3A_600 = arith.index_cast %add3A_571 : i32 to index
          %get3A_601 = tpu.vector_load %arg13[%get3A_600] {strides = array<i32>} : memref<2048xf32, #tpu.memory_space<vmem>>, vector<16xf32>,
          %mul3A_602 = arith.mulf %get3A_579, %get3A_601 : vector<16xf32>
          %get3A_603 = arith.index_cast %add3A_571 : i32 to index
          %get3A_604 = tpu.vector_load %arg14[%get3A_603] {strides = array<i32>} : memref<2048xf32, #tpu.memory_space<vmem>>, vector<16xf32>,
          %mul3A_605 = arith.mulf %get3A_579, %get3A_604 : vector<16xf32>
          %broadcast_in_dim3A_606 = arith.constant true
          %broadcast_in_dim3A_607 = vector.broadcast %broadcast_in_dim3A_606 : i1 to vector<16xi1>
          %masked_cumsum3A_608 = tpu.scan <sum>, %mul3A_599 masked %broadcast_in_dim3A_607 : vector<16xf32>, vector<16xi1> -> vector<16xf32>
          %broadcast_in_dim3A_609 = arith.constant true
          %broadcast_in_dim3A_610 = vector.broadcast %broadcast_in_dim3A_609 : i1 to vector<16xi1>
          %masked_cumsum3A_611 = tpu.scan <sum>, %mul3A_602 masked %broadcast_in_dim3A_610 : vector<16xf32>, vector<16xi1> -> vector<16xf32>
          %broadcast_in_dim3A_612 = arith.constant true
          %broadcast_in_dim3A_613 = vector.broadcast %broadcast_in_dim3A_612 : i1 to vector<16xi1>
          %masked_cumsum3A_614 = tpu.scan <sum>, %mul3A_605 masked %broadcast_in_dim3A_613 : vector<16xf32>, vector<16xi1> -> vector<16xf32>
          %broadcast_in_dim3A_615 = arith.constant true
          %broadcast_in_dim3A_616 = vector.broadcast %broadcast_in_dim3A_615 : i1 to vector<16xi1>
          %masked_cumsum3A_617 = tpu.scan <sum>, %get3A_579 masked %broadcast_in_dim3A_616 : vector<16xf32>, vector<16xi1> -> vector<16xf32>
          tpu.vector_store_idx %arg20[%sub3A_582], %masked_cumsum3A_608 masked %and3A_594 {add = true} : memref<2048xf32, #tpu.memory_space<vmem>>[vector<16xi32>], vector<16xf32>, vector<16xi1>
          %neg3A_618 = arith.constant 0.000000e+00 : f32
          %neg3A_619 = vector.broadcast %neg3A_618 : f32 to vector<16xf32>
          %neg3A_620 = arith.subf %neg3A_619, %masked_cumsum3A_608 : vector<16xf32>
          tpu.vector_store_idx %arg20[%sub3A_584], %neg3A_620 masked %and3A_596 {add = true} : memref<2048xf32, #tpu.memory_space<vmem>>[vector<16xi32>], vector<16xf32>, vector<16xi1>
          tpu.vector_store_idx %arg21[%sub3A_582], %masked_cumsum3A_611 masked %and3A_594 {add = true} : memref<2048xf32, #tpu.memory_space<vmem>>[vector<16xi32>], vector<16xf32>, vector<16xi1>
          %neg3A_621 = arith.constant 0.000000e+00 : f32
          %neg3A_622 = vector.broadcast %neg3A_621 : f32 to vector<16xf32>
          %neg3A_623 = arith.subf %neg3A_622, %masked_cumsum3A_611 : vector<16xf32>
          tpu.vector_store_idx %arg21[%sub3A_584], %neg3A_623 masked %and3A_596 {add = true} : memref<2048xf32, #tpu.memory_space<vmem>>[vector<16xi32>], vector<16xf32>, vector<16xi1>
          tpu.vector_store_idx %arg22[%sub3A_582], %masked_cumsum3A_614 masked %and3A_594 {add = true} : memref<2048xf32, #tpu.memory_space<vmem>>[vector<16xi32>], vector<16xf32>, vector<16xi1>
          %neg3A_624 = arith.constant 0.000000e+00 : f32
          %neg3A_625 = vector.broadcast %neg3A_624 : f32 to vector<16xf32>
          %neg3A_626 = arith.subf %neg3A_625, %masked_cumsum3A_614 : vector<16xf32>
          tpu.vector_store_idx %arg22[%sub3A_584], %neg3A_626 masked %and3A_596 {add = true} : memref<2048xf32, #tpu.memory_space<vmem>>[vector<16xi32>], vector<16xf32>, vector<16xi1>
          tpu.vector_store_idx %arg23[%sub3A_582], %masked_cumsum3A_617 masked %and3A_594 {add = true} : memref<2048xf32, #tpu.memory_space<vmem>>[vector<16xi32>], vector<16xf32>, vector<16xi1>
          %neg3A_627 = arith.constant 0.000000e+00 : f32
          %neg3A_628 = vector.broadcast %neg3A_627 : f32 to vector<16xf32>
          %neg3A_629 = arith.subf %neg3A_628, %masked_cumsum3A_617 : vector<16xf32>
          tpu.vector_store_idx %arg23[%sub3A_584], %neg3A_629 masked %and3A_596 {add = true} : memref<2048xf32, #tpu.memory_space<vmem>>[vector<16xi32>], vector<16xf32>, vector<16xi1>
          %scan3A_630 = arith.constant 0 : i32
          scf.yield %scan3A_630 : i32
        }
        %scan3A_149 = arith.constant 16 : i32
      } else {
      }
      %eq3A_110 = arith.constant 1 : i32
      %eq3A_111 = arith.cmpi eq, %and3A_102, %eq3A_110 : i32
      %convert_element_type3A_112 = arith.extui %eq3A_111 : i1 to i32
      %cond3A_113 = arith.constant 0 : i32
      %cond3A_114 = arith.cmpi ne, %convert_element_type3A_112, %cond3A_113 : i32
      scf.if %cond3A_114 {
        %dma_wait3A = arith.constant 0 : i32
        %dma_wait3A_116 = tpu.memref_slice %arg15[%dma_wait3A] : memref<2064xi32, #tpu.memory_space<vmem>> -> memref<2048xi32, #tpu.memory_space<vmem>>
        %dma_wait3A_117 = arith.constant 0 : i32
        %dma_wait3A_118 = tpu.memref_slice %arg6[%dma_wait3A_117] : memref<4194304xi32, #tpu.memory_space<hbm>> -> memref<2048xi32, #tpu.memory_space<hbm>>
        %dma_wait3A_119 = arith.constant 0 : i32
        %dma_wait3A_120 = tpu.memref_slice %arg15[%dma_wait3A_119] : memref<2064xi32, #tpu.memory_space<vmem>> -> memref<2048xi32, #tpu.memory_space<vmem>>
        %dma_wait3A_121 = arith.constant 0 : i32
        %dma_wait3A_122 = tpu.memref_slice %arg6[%dma_wait3A_121] : memref<4194304xi32, #tpu.memory_space<hbm>> -> memref<2048xi32, #tpu.memory_space<hbm>>
        tpu.wait_dma2 semaphore(%arg28 : memref<!tpu.dma_semaphore, #tpu.memory_space<semaphore_mem>>) src(%dma_wait3A_122 : memref<2048xi32, #tpu.memory_space<hbm>>) dst(%dma_wait3A_120 : memref<2048xi32, #tpu.memory_space<vmem>>)
        %dma_wait3A_123 = arith.constant 0 : i32
        %dma_wait3A_124 = tpu.memref_slice %arg5[%dma_wait3A_123] : memref<4194304xf32, #tpu.memory_space<hbm>> -> memref<2048xf32, #tpu.memory_space<hbm>>
        %dma_wait3A_125 = arith.constant 0 : i32
        %dma_wait3A_126 = tpu.memref_slice %arg5[%dma_wait3A_125] : memref<4194304xf32, #tpu.memory_space<hbm>> -> memref<2048xf32, #tpu.memory_space<hbm>>
        tpu.wait_dma2 semaphore(%arg28 : memref<!tpu.dma_semaphore, #tpu.memory_space<semaphore_mem>>) src(%dma_wait3A_126 : memref<2048xf32, #tpu.memory_space<hbm>>) dst(%arg16 : memref<2048xf32, #tpu.memory_space<vmem>>)
        %dma_wait3A_127 = arith.constant 0 : i32
        %dma_wait3A_128 = tpu.memref_slice %arg2[%dma_wait3A_127] : memref<4194304xf32, #tpu.memory_space<hbm>> -> memref<2048xf32, #tpu.memory_space<hbm>>
        %dma_wait3A_129 = arith.constant 0 : i32
        %dma_wait3A_130 = tpu.memref_slice %arg2[%dma_wait3A_129] : memref<4194304xf32, #tpu.memory_space<hbm>> -> memref<2048xf32, #tpu.memory_space<hbm>>
        tpu.wait_dma2 semaphore(%arg28 : memref<!tpu.dma_semaphore, #tpu.memory_space<semaphore_mem>>) src(%dma_wait3A_130 : memref<2048xf32, #tpu.memory_space<hbm>>) dst(%arg17 : memref<2048xf32, #tpu.memory_space<vmem>>)
        %dma_wait3A_131 = arith.constant 0 : i32
        %dma_wait3A_132 = tpu.memref_slice %arg3[%dma_wait3A_131] : memref<4194304xf32, #tpu.memory_space<hbm>> -> memref<2048xf32, #tpu.memory_space<hbm>>
        %dma_wait3A_133 = arith.constant 0 : i32
        %dma_wait3A_134 = tpu.memref_slice %arg3[%dma_wait3A_133] : memref<4194304xf32, #tpu.memory_space<hbm>> -> memref<2048xf32, #tpu.memory_space<hbm>>
        tpu.wait_dma2 semaphore(%arg28 : memref<!tpu.dma_semaphore, #tpu.memory_space<semaphore_mem>>) src(%dma_wait3A_134 : memref<2048xf32, #tpu.memory_space<hbm>>) dst(%arg18 : memref<2048xf32, #tpu.memory_space<vmem>>)
        %dma_wait3A_135 = arith.constant 0 : i32
        %dma_wait3A_136 = tpu.memref_slice %arg4[%dma_wait3A_135] : memref<4194304xf32, #tpu.memory_space<hbm>> -> memref<2048xf32, #tpu.memory_space<hbm>>
        %dma_wait3A_137 = arith.constant 0 : i32
        %dma_wait3A_138 = tpu.memref_slice %arg4[%dma_wait3A_137] : memref<4194304xf32, #tpu.memory_space<hbm>> -> memref<2048xf32, #tpu.memory_space<hbm>>
        tpu.wait_dma2 semaphore(%arg28 : memref<!tpu.dma_semaphore, #tpu.memory_space<semaphore_mem>>) src(%dma_wait3A_138 : memref<2048xf32, #tpu.memory_space<hbm>>) dst(%arg19 : memref<2048xf32, #tpu.memory_space<vmem>>)
        %lt3A_139 = arith.cmpi slt, %add3A_104, %select_n3A_61 : i32
        %convert_element_type3A_140 = arith.extui %lt3A_139 : i1 to i32
        %cond3A_141 = arith.constant 0 : i32
        %cond3A_142 = arith.cmpi ne, %convert_element_type3A_140, %cond3A_141 : i32
        scf.if %cond3A_142 {
          %mul3A_150 = arith.constant 2048 : i32
          %mul3A_151 = arith.muli %add3A_104, %mul3A_150 : i32
          %dma_start3A = arith.constant 0 : i32
          %dma_start3A_152 = tpu.memref_slice %arg10[%dma_start3A] : memref<2064xi32, #tpu.memory_space<vmem>> -> memref<2048xi32, #tpu.memory_space<vmem>>
          %dma_start3A_153 = tpu.memref_slice %arg6[%mul3A_151] : memref<4194304xi32, #tpu.memory_space<hbm>> -> memref<2048xi32, #tpu.memory_space<hbm>>
          %dma_start3A_154 = arith.constant 0 : i32
          %dma_start3A_155 = tpu.memref_slice %arg10[%dma_start3A_154] : memref<2064xi32, #tpu.memory_space<vmem>> -> memref<2048xi32, #tpu.memory_space<vmem>>
          %dma_start3A_156 = tpu.memref_slice %arg6[%mul3A_151] : memref<4194304xi32, #tpu.memory_space<hbm>> -> memref<2048xi32, #tpu.memory_space<hbm>>
          tpu.enqueue_dma source(%dma_start3A_156 : memref<2048xi32, #tpu.memory_space<hbm>>) target(%dma_start3A_155 : memref<2048xi32, #tpu.memory_space<vmem>>) target_semaphore(%arg27 : memref<!tpu.dma_semaphore, #tpu.memory_space<semaphore_mem>>)
          %dma_start3A_157 = tpu.memref_slice %arg5[%mul3A_151] : memref<4194304xf32, #tpu.memory_space<hbm>> -> memref<2048xf32, #tpu.memory_space<hbm>>
          %dma_start3A_158 = tpu.memref_slice %arg5[%mul3A_151] : memref<4194304xf32, #tpu.memory_space<hbm>> -> memref<2048xf32, #tpu.memory_space<hbm>>
          tpu.enqueue_dma source(%dma_start3A_158 : memref<2048xf32, #tpu.memory_space<hbm>>) target(%arg11 : memref<2048xf32, #tpu.memory_space<vmem>>) target_semaphore(%arg27 : memref<!tpu.dma_semaphore, #tpu.memory_space<semaphore_mem>>)
          %dma_start3A_159 = tpu.memref_slice %arg2[%mul3A_151] : memref<4194304xf32, #tpu.memory_space<hbm>> -> memref<2048xf32, #tpu.memory_space<hbm>>
          %dma_start3A_160 = tpu.memref_slice %arg2[%mul3A_151] : memref<4194304xf32, #tpu.memory_space<hbm>> -> memref<2048xf32, #tpu.memory_space<hbm>>
          tpu.enqueue_dma source(%dma_start3A_160 : memref<2048xf32, #tpu.memory_space<hbm>>) target(%arg12 : memref<2048xf32, #tpu.memory_space<vmem>>) target_semaphore(%arg27 : memref<!tpu.dma_semaphore, #tpu.memory_space<semaphore_mem>>)
          %dma_start3A_161 = tpu.memref_slice %arg3[%mul3A_151] : memref<4194304xf32, #tpu.memory_space<hbm>> -> memref<2048xf32, #tpu.memory_space<hbm>>
          %dma_start3A_162 = tpu.memref_slice %arg3[%mul3A_151] : memref<4194304xf32, #tpu.memory_space<hbm>> -> memref<2048xf32, #tpu.memory_space<hbm>>
          tpu.enqueue_dma source(%dma_start3A_162 : memref<2048xf32, #tpu.memory_space<hbm>>) target(%arg13 : memref<2048xf32, #tpu.memory_space<vmem>>) target_semaphore(%arg27 : memref<!tpu.dma_semaphore, #tpu.memory_space<semaphore_mem>>)
          %dma_start3A_163 = tpu.memref_slice %arg4[%mul3A_151] : memref<4194304xf32, #tpu.memory_space<hbm>> -> memref<2048xf32, #tpu.memory_space<hbm>>
          %dma_start3A_164 = tpu.memref_slice %arg4[%mul3A_151] : memref<4194304xf32, #tpu.memory_space<hbm>> -> memref<2048xf32, #tpu.memory_space<hbm>>
          tpu.enqueue_dma source(%dma_start3A_164 : memref<2048xf32, #tpu.memory_space<hbm>>) target(%arg14 : memref<2048xf32, #tpu.memory_space<vmem>>) target_semaphore(%arg27 : memref<!tpu.dma_semaphore, #tpu.memory_space<semaphore_mem>>)
        } else {
        }
        %scan3A_143 = arith.constant 0 : i32
        %scan3A_144 = arith.constant 0 : i32
        %scan3A_145 = arith.constant 16 : i32
        %scan3A_146 = arith.addi %scan3A_144, %scan3A_145 : i32
        %scan3A_147 = arith.constant 1 : i32
        %scan3A_148 = scf.for %scan3A_150 = %scan3A_144 to %scan3A_146 step %scan3A_147 iter_args(%scan3A_151 = %scan3A_143) -> (i32)  : i32 {
          %mul3A_152 = arith.constant 128 : i32
          %mul3A_153 = arith.muli %scan3A_150, %mul3A_152 : i32
          %add3A_154 = arith.constant 0 : i32
          %add3A_155 = arith.addi %mul3A_153, %add3A_154 : i32
          %get3A_156 = arith.index_cast %add3A_155 : i32 to index
          %get3A_157 = tpu.vector_load %arg15[%get3A_156] {strides = array<i32>} : memref<2064xi32, #tpu.memory_space<vmem>>, vector<16xi32>,
          %add3A_158 = arith.constant 1 : i32
          %add3A_159 = arith.addi %add3A_155, %add3A_158 : i32
          %get3A_160 = arith.index_cast %add3A_159 : i32 to index
          %get3A_161 = tpu.vector_load %arg15[%get3A_160] {strides = array<i32>} : memref<2064xi32, #tpu.memory_space<vmem>>, vector<16xi32>,
          %get3A_162 = arith.index_cast %add3A_155 : i32 to index
          %get3A_163 = tpu.vector_load %arg16[%get3A_162] {strides = array<i32>} : memref<2048xf32, #tpu.memory_space<vmem>>, vector<16xf32>,
          %ne3A_164 = arith.cmpi ne, %get3A_157, %get3A_161 : vector<16xi32>
          %sub3A_165 = vector.broadcast %mul3A_2 : i32 to vector<16xi32>
          %sub3A_166 = arith.subi %get3A_157, %sub3A_165 : vector<16xi32>
          %sub3A_167 = vector.broadcast %mul3A_2 : i32 to vector<16xi32>
          %sub3A_168 = arith.subi %get3A_161, %sub3A_167 : vector<16xi32>
          %bitcast3A = vector.bitcast %sub3A_166 : vector<16xi32> to vector<16xi32>
          %lt3A_169 = arith.constant 2048 : i32
          %lt3A_170 = vector.broadcast %lt3A_169 : i32 to vector<16xi32>
          %lt3A_171 = arith.cmpi ult, %bitcast3A, %lt3A_170 : vector<16xi32>
          %bitcast3A_172 = vector.bitcast %sub3A_168 : vector<16xi32> to vector<16xi32>
          %lt3A_173 = arith.constant 2048 : i32
          %lt3A_174 = vector.broadcast %lt3A_173 : i32 to vector<16xi32>
          %lt3A_175 = arith.cmpi ult, %bitcast3A_172, %lt3A_174 : vector<16xi32>
          %or3A = arith.ori %ne3A_164, %eq3A_66 : vector<16xi1>
          %and3A_176 = arith.andi %or3A, %lt3A_171 : vector<16xi1>
          %and3A_177 = arith.andi %ne3A_164, %lt3A_68 : vector<16xi1>
          %and3A_178 = arith.andi %and3A_177, %lt3A_175 : vector<16xi1>
          %get3A_179 = arith.index_cast %add3A_155 : i32 to index
          %get3A_180 = tpu.vector_load %arg17[%get3A_179] {strides = array<i32>} : memref<2048xf32, #tpu.memory_space<vmem>>, vector<16xf32>,
          %mul3A_181 = arith.mulf %get3A_163, %get3A_180 : vector<16xf32>
          %get3A_182 = arith.index_cast %add3A_155 : i32 to index
          %get3A_183 = tpu.vector_load %arg18[%get3A_182] {strides = array<i32>} : memref<2048xf32, #tpu.memory_space<vmem>>, vector<16xf32>,
          %mul3A_184 = arith.mulf %get3A_163, %get3A_183 : vector<16xf32>
          %get3A_185 = arith.index_cast %add3A_155 : i32 to index
          %get3A_186 = tpu.vector_load %arg19[%get3A_185] {strides = array<i32>} : memref<2048xf32, #tpu.memory_space<vmem>>, vector<16xf32>,
          %mul3A_187 = arith.mulf %get3A_163, %get3A_186 : vector<16xf32>
          %broadcast_in_dim3A_188 = arith.constant true
          %broadcast_in_dim3A_189 = vector.broadcast %broadcast_in_dim3A_188 : i1 to vector<16xi1>
          %masked_cumsum3A = tpu.scan <sum>, %mul3A_181 masked %broadcast_in_dim3A_189 : vector<16xf32>, vector<16xi1> -> vector<16xf32>
          %broadcast_in_dim3A_190 = arith.constant true
          %broadcast_in_dim3A_191 = vector.broadcast %broadcast_in_dim3A_190 : i1 to vector<16xi1>
          %masked_cumsum3A_192 = tpu.scan <sum>, %mul3A_184 masked %broadcast_in_dim3A_191 : vector<16xf32>, vector<16xi1> -> vector<16xf32>
          %broadcast_in_dim3A_193 = arith.constant true
          %broadcast_in_dim3A_194 = vector.broadcast %broadcast_in_dim3A_193 : i1 to vector<16xi1>
          %masked_cumsum3A_195 = tpu.scan <sum>, %mul3A_187 masked %broadcast_in_dim3A_194 : vector<16xf32>, vector<16xi1> -> vector<16xf32>
          %broadcast_in_dim3A_196 = arith.constant true
          %broadcast_in_dim3A_197 = vector.broadcast %broadcast_in_dim3A_196 : i1 to vector<16xi1>
          %masked_cumsum3A_198 = tpu.scan <sum>, %get3A_163 masked %broadcast_in_dim3A_197 : vector<16xf32>, vector<16xi1> -> vector<16xf32>
          tpu.vector_store_idx %arg20[%sub3A_166], %masked_cumsum3A masked %and3A_176 {add = true} : memref<2048xf32, #tpu.memory_space<vmem>>[vector<16xi32>], vector<16xf32>, vector<16xi1>
          %neg3A = arith.constant 0.000000e+00 : f32
          %neg3A_199 = vector.broadcast %neg3A : f32 to vector<16xf32>
          %neg3A_200 = arith.subf %neg3A_199, %masked_cumsum3A : vector<16xf32>
          tpu.vector_store_idx %arg20[%sub3A_168], %neg3A_200 masked %and3A_178 {add = true} : memref<2048xf32, #tpu.memory_space<vmem>>[vector<16xi32>], vector<16xf32>, vector<16xi1>
          tpu.vector_store_idx %arg21[%sub3A_166], %masked_cumsum3A_192 masked %and3A_176 {add = true} : memref<2048xf32, #tpu.memory_space<vmem>>[vector<16xi32>], vector<16xf32>, vector<16xi1>
          %neg3A_201 = arith.constant 0.000000e+00 : f32
          %neg3A_202 = vector.broadcast %neg3A_201 : f32 to vector<16xf32>
          %neg3A_203 = arith.subf %neg3A_202, %masked_cumsum3A_192 : vector<16xf32>
          tpu.vector_store_idx %arg21[%sub3A_168], %neg3A_203 masked %and3A_178 {add = true} : memref<2048xf32, #tpu.memory_space<vmem>>[vector<16xi32>], vector<16xf32>, vector<16xi1>
          tpu.vector_store_idx %arg22[%sub3A_166], %masked_cumsum3A_195 masked %and3A_176 {add = true} : memref<2048xf32, #tpu.memory_space<vmem>>[vector<16xi32>], vector<16xf32>, vector<16xi1>
          %neg3A_204 = arith.constant 0.000000e+00 : f32
          %neg3A_205 = vector.broadcast %neg3A_204 : f32 to vector<16xf32>
          %neg3A_206 = arith.subf %neg3A_205, %masked_cumsum3A_195 : vector<16xf32>
          tpu.vector_store_idx %arg22[%sub3A_168], %neg3A_206 masked %and3A_178 {add = true} : memref<2048xf32, #tpu.memory_space<vmem>>[vector<16xi32>], vector<16xf32>, vector<16xi1>
          tpu.vector_store_idx %arg23[%sub3A_166], %masked_cumsum3A_198 masked %and3A_176 {add = true} : memref<2048xf32, #tpu.memory_space<vmem>>[vector<16xi32>], vector<16xf32>, vector<16xi1>
          %neg3A_207 = arith.constant 0.000000e+00 : f32
          %neg3A_208 = vector.broadcast %neg3A_207 : f32 to vector<16xf32>
          %neg3A_209 = arith.subf %neg3A_208, %masked_cumsum3A_198 : vector<16xf32>
          tpu.vector_store_idx %arg23[%sub3A_168], %neg3A_209 masked %and3A_178 {add = true} : memref<2048xf32, #tpu.memory_space<vmem>>[vector<16xi32>], vector<16xf32>, vector<16xi1>
          %add3A_210 = arith.constant 16 : i32
          %add3A_211 = arith.addi %mul3A_153, %add3A_210 : i32
          %get3A_212 = arith.index_cast %add3A_211 : i32 to index
          %get3A_213 = tpu.vector_load %arg15[%get3A_212] {strides = array<i32>} : memref<2064xi32, #tpu.memory_space<vmem>>, vector<16xi32>,
          %add3A_214 = arith.constant 1 : i32
          %add3A_215 = arith.addi %add3A_211, %add3A_214 : i32
          %get3A_216 = arith.index_cast %add3A_215 : i32 to index
          %get3A_217 = tpu.vector_load %arg15[%get3A_216] {strides = array<i32>} : memref<2064xi32, #tpu.memory_space<vmem>>, vector<16xi32>,
          %get3A_218 = arith.index_cast %add3A_211 : i32 to index
          %get3A_219 = tpu.vector_load %arg16[%get3A_218] {strides = array<i32>} : memref<2048xf32, #tpu.memory_space<vmem>>, vector<16xf32>,
          %ne3A_220 = arith.cmpi ne, %get3A_213, %get3A_217 : vector<16xi32>
          %sub3A_221 = vector.broadcast %mul3A_2 : i32 to vector<16xi32>
          %sub3A_222 = arith.subi %get3A_213, %sub3A_221 : vector<16xi32>
          %sub3A_223 = vector.broadcast %mul3A_2 : i32 to vector<16xi32>
          %sub3A_224 = arith.subi %get3A_217, %sub3A_223 : vector<16xi32>
          %bitcast3A_225 = vector.bitcast %sub3A_222 : vector<16xi32> to vector<16xi32>
          %lt3A_226 = arith.constant 2048 : i32
          %lt3A_227 = vector.broadcast %lt3A_226 : i32 to vector<16xi32>
          %lt3A_228 = arith.cmpi ult, %bitcast3A_225, %lt3A_227 : vector<16xi32>
          %bitcast3A_229 = vector.bitcast %sub3A_224 : vector<16xi32> to vector<16xi32>
          %lt3A_230 = arith.constant 2048 : i32
          %lt3A_231 = vector.broadcast %lt3A_230 : i32 to vector<16xi32>
          %lt3A_232 = arith.cmpi ult, %bitcast3A_229, %lt3A_231 : vector<16xi32>
          %or3A_233 = arith.ori %ne3A_220, %eq3A_66 : vector<16xi1>
          %and3A_234 = arith.andi %or3A_233, %lt3A_228 : vector<16xi1>
          %and3A_235 = arith.andi %ne3A_220, %lt3A_68 : vector<16xi1>
          %and3A_236 = arith.andi %and3A_235, %lt3A_232 : vector<16xi1>
          %get3A_237 = arith.index_cast %add3A_211 : i32 to index
          %get3A_238 = tpu.vector_load %arg17[%get3A_237] {strides = array<i32>} : memref<2048xf32, #tpu.memory_space<vmem>>, vector<16xf32>,
          %mul3A_239 = arith.mulf %get3A_219, %get3A_238 : vector<16xf32>
          %get3A_240 = arith.index_cast %add3A_211 : i32 to index
          %get3A_241 = tpu.vector_load %arg18[%get3A_240] {strides = array<i32>} : memref<2048xf32, #tpu.memory_space<vmem>>, vector<16xf32>,
          %mul3A_242 = arith.mulf %get3A_219, %get3A_241 : vector<16xf32>
          %get3A_243 = arith.index_cast %add3A_211 : i32 to index
          %get3A_244 = tpu.vector_load %arg19[%get3A_243] {strides = array<i32>} : memref<2048xf32, #tpu.memory_space<vmem>>, vector<16xf32>,
          %mul3A_245 = arith.mulf %get3A_219, %get3A_244 : vector<16xf32>
          %broadcast_in_dim3A_246 = arith.constant true
          %broadcast_in_dim3A_247 = vector.broadcast %broadcast_in_dim3A_246 : i1 to vector<16xi1>
          %masked_cumsum3A_248 = tpu.scan <sum>, %mul3A_239 masked %broadcast_in_dim3A_247 : vector<16xf32>, vector<16xi1> -> vector<16xf32>
          %broadcast_in_dim3A_249 = arith.constant true
          %broadcast_in_dim3A_250 = vector.broadcast %broadcast_in_dim3A_249 : i1 to vector<16xi1>
          %masked_cumsum3A_251 = tpu.scan <sum>, %mul3A_242 masked %broadcast_in_dim3A_250 : vector<16xf32>, vector<16xi1> -> vector<16xf32>
          %broadcast_in_dim3A_252 = arith.constant true
          %broadcast_in_dim3A_253 = vector.broadcast %broadcast_in_dim3A_252 : i1 to vector<16xi1>
          %masked_cumsum3A_254 = tpu.scan <sum>, %mul3A_245 masked %broadcast_in_dim3A_253 : vector<16xf32>, vector<16xi1> -> vector<16xf32>
          %broadcast_in_dim3A_255 = arith.constant true
          %broadcast_in_dim3A_256 = vector.broadcast %broadcast_in_dim3A_255 : i1 to vector<16xi1>
          %masked_cumsum3A_257 = tpu.scan <sum>, %get3A_219 masked %broadcast_in_dim3A_256 : vector<16xf32>, vector<16xi1> -> vector<16xf32>
          tpu.vector_store_idx %arg20[%sub3A_222], %masked_cumsum3A_248 masked %and3A_234 {add = true} : memref<2048xf32, #tpu.memory_space<vmem>>[vector<16xi32>], vector<16xf32>, vector<16xi1>
          %neg3A_258 = arith.constant 0.000000e+00 : f32
          %neg3A_259 = vector.broadcast %neg3A_258 : f32 to vector<16xf32>
          %neg3A_260 = arith.subf %neg3A_259, %masked_cumsum3A_248 : vector<16xf32>
          tpu.vector_store_idx %arg20[%sub3A_224], %neg3A_260 masked %and3A_236 {add = true} : memref<2048xf32, #tpu.memory_space<vmem>>[vector<16xi32>], vector<16xf32>, vector<16xi1>
          tpu.vector_store_idx %arg21[%sub3A_222], %masked_cumsum3A_251 masked %and3A_234 {add = true} : memref<2048xf32, #tpu.memory_space<vmem>>[vector<16xi32>], vector<16xf32>, vector<16xi1>
          %neg3A_261 = arith.constant 0.000000e+00 : f32
          %neg3A_262 = vector.broadcast %neg3A_261 : f32 to vector<16xf32>
          %neg3A_263 = arith.subf %neg3A_262, %masked_cumsum3A_251 : vector<16xf32>
          tpu.vector_store_idx %arg21[%sub3A_224], %neg3A_263 masked %and3A_236 {add = true} : memref<2048xf32, #tpu.memory_space<vmem>>[vector<16xi32>], vector<16xf32>, vector<16xi1>
          tpu.vector_store_idx %arg22[%sub3A_222], %masked_cumsum3A_254 masked %and3A_234 {add = true} : memref<2048xf32, #tpu.memory_space<vmem>>[vector<16xi32>], vector<16xf32>, vector<16xi1>
          %neg3A_264 = arith.constant 0.000000e+00 : f32
          %neg3A_265 = vector.broadcast %neg3A_264 : f32 to vector<16xf32>
          %neg3A_266 = arith.subf %neg3A_265, %masked_cumsum3A_254 : vector<16xf32>
          tpu.vector_store_idx %arg22[%sub3A_224], %neg3A_266 masked %and3A_236 {add = true} : memref<2048xf32, #tpu.memory_space<vmem>>[vector<16xi32>], vector<16xf32>, vector<16xi1>
          tpu.vector_store_idx %arg23[%sub3A_222], %masked_cumsum3A_257 masked %and3A_234 {add = true} : memref<2048xf32, #tpu.memory_space<vmem>>[vector<16xi32>], vector<16xf32>, vector<16xi1>
          %neg3A_267 = arith.constant 0.000000e+00 : f32
          %neg3A_268 = vector.broadcast %neg3A_267 : f32 to vector<16xf32>
          %neg3A_269 = arith.subf %neg3A_268, %masked_cumsum3A_257 : vector<16xf32>
          tpu.vector_store_idx %arg23[%sub3A_224], %neg3A_269 masked %and3A_236 {add = true} : memref<2048xf32, #tpu.memory_space<vmem>>[vector<16xi32>], vector<16xf32>, vector<16xi1>
          %add3A_270 = arith.constant 32 : i32
          %add3A_271 = arith.addi %mul3A_153, %add3A_270 : i32
          %get3A_272 = arith.index_cast %add3A_271 : i32 to index
          %get3A_273 = tpu.vector_load %arg15[%get3A_272] {strides = array<i32>} : memref<2064xi32, #tpu.memory_space<vmem>>, vector<16xi32>,
          %add3A_274 = arith.constant 1 : i32
          %add3A_275 = arith.addi %add3A_271, %add3A_274 : i32
          %get3A_276 = arith.index_cast %add3A_275 : i32 to index
          %get3A_277 = tpu.vector_load %arg15[%get3A_276] {strides = array<i32>} : memref<2064xi32, #tpu.memory_space<vmem>>, vector<16xi32>,
          %get3A_278 = arith.index_cast %add3A_271 : i32 to index
          %get3A_279 = tpu.vector_load %arg16[%get3A_278] {strides = array<i32>} : memref<2048xf32, #tpu.memory_space<vmem>>, vector<16xf32>,
          %ne3A_280 = arith.cmpi ne, %get3A_273, %get3A_277 : vector<16xi32>
          %sub3A_281 = vector.broadcast %mul3A_2 : i32 to vector<16xi32>
          %sub3A_282 = arith.subi %get3A_273, %sub3A_281 : vector<16xi32>
          %sub3A_283 = vector.broadcast %mul3A_2 : i32 to vector<16xi32>
          %sub3A_284 = arith.subi %get3A_277, %sub3A_283 : vector<16xi32>
          %bitcast3A_285 = vector.bitcast %sub3A_282 : vector<16xi32> to vector<16xi32>
          %lt3A_286 = arith.constant 2048 : i32
          %lt3A_287 = vector.broadcast %lt3A_286 : i32 to vector<16xi32>
          %lt3A_288 = arith.cmpi ult, %bitcast3A_285, %lt3A_287 : vector<16xi32>
          %bitcast3A_289 = vector.bitcast %sub3A_284 : vector<16xi32> to vector<16xi32>
          %lt3A_290 = arith.constant 2048 : i32
          %lt3A_291 = vector.broadcast %lt3A_290 : i32 to vector<16xi32>
          %lt3A_292 = arith.cmpi ult, %bitcast3A_289, %lt3A_291 : vector<16xi32>
          %or3A_293 = arith.ori %ne3A_280, %eq3A_66 : vector<16xi1>
          %and3A_294 = arith.andi %or3A_293, %lt3A_288 : vector<16xi1>
          %and3A_295 = arith.andi %ne3A_280, %lt3A_68 : vector<16xi1>
          %and3A_296 = arith.andi %and3A_295, %lt3A_292 : vector<16xi1>
          %get3A_297 = arith.index_cast %add3A_271 : i32 to index
          %get3A_298 = tpu.vector_load %arg17[%get3A_297] {strides = array<i32>} : memref<2048xf32, #tpu.memory_space<vmem>>, vector<16xf32>,
          %mul3A_299 = arith.mulf %get3A_279, %get3A_298 : vector<16xf32>
          %get3A_300 = arith.index_cast %add3A_271 : i32 to index
          %get3A_301 = tpu.vector_load %arg18[%get3A_300] {strides = array<i32>} : memref<2048xf32, #tpu.memory_space<vmem>>, vector<16xf32>,
          %mul3A_302 = arith.mulf %get3A_279, %get3A_301 : vector<16xf32>
          %get3A_303 = arith.index_cast %add3A_271 : i32 to index
          %get3A_304 = tpu.vector_load %arg19[%get3A_303] {strides = array<i32>} : memref<2048xf32, #tpu.memory_space<vmem>>, vector<16xf32>,
          %mul3A_305 = arith.mulf %get3A_279, %get3A_304 : vector<16xf32>
          %broadcast_in_dim3A_306 = arith.constant true
          %broadcast_in_dim3A_307 = vector.broadcast %broadcast_in_dim3A_306 : i1 to vector<16xi1>
          %masked_cumsum3A_308 = tpu.scan <sum>, %mul3A_299 masked %broadcast_in_dim3A_307 : vector<16xf32>, vector<16xi1> -> vector<16xf32>
          %broadcast_in_dim3A_309 = arith.constant true
          %broadcast_in_dim3A_310 = vector.broadcast %broadcast_in_dim3A_309 : i1 to vector<16xi1>
          %masked_cumsum3A_311 = tpu.scan <sum>, %mul3A_302 masked %broadcast_in_dim3A_310 : vector<16xf32>, vector<16xi1> -> vector<16xf32>
          %broadcast_in_dim3A_312 = arith.constant true
          %broadcast_in_dim3A_313 = vector.broadcast %broadcast_in_dim3A_312 : i1 to vector<16xi1>
          %masked_cumsum3A_314 = tpu.scan <sum>, %mul3A_305 masked %broadcast_in_dim3A_313 : vector<16xf32>, vector<16xi1> -> vector<16xf32>
          %broadcast_in_dim3A_315 = arith.constant true
          %broadcast_in_dim3A_316 = vector.broadcast %broadcast_in_dim3A_315 : i1 to vector<16xi1>
          %masked_cumsum3A_317 = tpu.scan <sum>, %get3A_279 masked %broadcast_in_dim3A_316 : vector<16xf32>, vector<16xi1> -> vector<16xf32>
          tpu.vector_store_idx %arg20[%sub3A_282], %masked_cumsum3A_308 masked %and3A_294 {add = true} : memref<2048xf32, #tpu.memory_space<vmem>>[vector<16xi32>], vector<16xf32>, vector<16xi1>
          %neg3A_318 = arith.constant 0.000000e+00 : f32
          %neg3A_319 = vector.broadcast %neg3A_318 : f32 to vector<16xf32>
          %neg3A_320 = arith.subf %neg3A_319, %masked_cumsum3A_308 : vector<16xf32>
          tpu.vector_store_idx %arg20[%sub3A_284], %neg3A_320 masked %and3A_296 {add = true} : memref<2048xf32, #tpu.memory_space<vmem>>[vector<16xi32>], vector<16xf32>, vector<16xi1>
          tpu.vector_store_idx %arg21[%sub3A_282], %masked_cumsum3A_311 masked %and3A_294 {add = true} : memref<2048xf32, #tpu.memory_space<vmem>>[vector<16xi32>], vector<16xf32>, vector<16xi1>
          %neg3A_321 = arith.constant 0.000000e+00 : f32
          %neg3A_322 = vector.broadcast %neg3A_321 : f32 to vector<16xf32>
          %neg3A_323 = arith.subf %neg3A_322, %masked_cumsum3A_311 : vector<16xf32>
          tpu.vector_store_idx %arg21[%sub3A_284], %neg3A_323 masked %and3A_296 {add = true} : memref<2048xf32, #tpu.memory_space<vmem>>[vector<16xi32>], vector<16xf32>, vector<16xi1>
          tpu.vector_store_idx %arg22[%sub3A_282], %masked_cumsum3A_314 masked %and3A_294 {add = true} : memref<2048xf32, #tpu.memory_space<vmem>>[vector<16xi32>], vector<16xf32>, vector<16xi1>
          %neg3A_324 = arith.constant 0.000000e+00 : f32
          %neg3A_325 = vector.broadcast %neg3A_324 : f32 to vector<16xf32>
          %neg3A_326 = arith.subf %neg3A_325, %masked_cumsum3A_314 : vector<16xf32>
          tpu.vector_store_idx %arg22[%sub3A_284], %neg3A_326 masked %and3A_296 {add = true} : memref<2048xf32, #tpu.memory_space<vmem>>[vector<16xi32>], vector<16xf32>, vector<16xi1>
          tpu.vector_store_idx %arg23[%sub3A_282], %masked_cumsum3A_317 masked %and3A_294 {add = true} : memref<2048xf32, #tpu.memory_space<vmem>>[vector<16xi32>], vector<16xf32>, vector<16xi1>
          %neg3A_327 = arith.constant 0.000000e+00 : f32
          %neg3A_328 = vector.broadcast %neg3A_327 : f32 to vector<16xf32>
          %neg3A_329 = arith.subf %neg3A_328, %masked_cumsum3A_317 : vector<16xf32>
          tpu.vector_store_idx %arg23[%sub3A_284], %neg3A_329 masked %and3A_296 {add = true} : memref<2048xf32, #tpu.memory_space<vmem>>[vector<16xi32>], vector<16xf32>, vector<16xi1>
          %add3A_330 = arith.constant 48 : i32
          %add3A_331 = arith.addi %mul3A_153, %add3A_330 : i32
          %get3A_332 = arith.index_cast %add3A_331 : i32 to index
          %get3A_333 = tpu.vector_load %arg15[%get3A_332] {strides = array<i32>} : memref<2064xi32, #tpu.memory_space<vmem>>, vector<16xi32>,
          %add3A_334 = arith.constant 1 : i32
          %add3A_335 = arith.addi %add3A_331, %add3A_334 : i32
          %get3A_336 = arith.index_cast %add3A_335 : i32 to index
          %get3A_337 = tpu.vector_load %arg15[%get3A_336] {strides = array<i32>} : memref<2064xi32, #tpu.memory_space<vmem>>, vector<16xi32>,
          %get3A_338 = arith.index_cast %add3A_331 : i32 to index
          %get3A_339 = tpu.vector_load %arg16[%get3A_338] {strides = array<i32>} : memref<2048xf32, #tpu.memory_space<vmem>>, vector<16xf32>,
          %ne3A_340 = arith.cmpi ne, %get3A_333, %get3A_337 : vector<16xi32>
          %sub3A_341 = vector.broadcast %mul3A_2 : i32 to vector<16xi32>
          %sub3A_342 = arith.subi %get3A_333, %sub3A_341 : vector<16xi32>
          %sub3A_343 = vector.broadcast %mul3A_2 : i32 to vector<16xi32>
          %sub3A_344 = arith.subi %get3A_337, %sub3A_343 : vector<16xi32>
          %bitcast3A_345 = vector.bitcast %sub3A_342 : vector<16xi32> to vector<16xi32>
          %lt3A_346 = arith.constant 2048 : i32
          %lt3A_347 = vector.broadcast %lt3A_346 : i32 to vector<16xi32>
          %lt3A_348 = arith.cmpi ult, %bitcast3A_345, %lt3A_347 : vector<16xi32>
          %bitcast3A_349 = vector.bitcast %sub3A_344 : vector<16xi32> to vector<16xi32>
          %lt3A_350 = arith.constant 2048 : i32
          %lt3A_351 = vector.broadcast %lt3A_350 : i32 to vector<16xi32>
          %lt3A_352 = arith.cmpi ult, %bitcast3A_349, %lt3A_351 : vector<16xi32>
          %or3A_353 = arith.ori %ne3A_340, %eq3A_66 : vector<16xi1>
          %and3A_354 = arith.andi %or3A_353, %lt3A_348 : vector<16xi1>
          %and3A_355 = arith.andi %ne3A_340, %lt3A_68 : vector<16xi1>
          %and3A_356 = arith.andi %and3A_355, %lt3A_352 : vector<16xi1>
          %get3A_357 = arith.index_cast %add3A_331 : i32 to index
          %get3A_358 = tpu.vector_load %arg17[%get3A_357] {strides = array<i32>} : memref<2048xf32, #tpu.memory_space<vmem>>, vector<16xf32>,
          %mul3A_359 = arith.mulf %get3A_339, %get3A_358 : vector<16xf32>
          %get3A_360 = arith.index_cast %add3A_331 : i32 to index
          %get3A_361 = tpu.vector_load %arg18[%get3A_360] {strides = array<i32>} : memref<2048xf32, #tpu.memory_space<vmem>>, vector<16xf32>,
          %mul3A_362 = arith.mulf %get3A_339, %get3A_361 : vector<16xf32>
          %get3A_363 = arith.index_cast %add3A_331 : i32 to index
          %get3A_364 = tpu.vector_load %arg19[%get3A_363] {strides = array<i32>} : memref<2048xf32, #tpu.memory_space<vmem>>, vector<16xf32>,
          %mul3A_365 = arith.mulf %get3A_339, %get3A_364 : vector<16xf32>
          %broadcast_in_dim3A_366 = arith.constant true
          %broadcast_in_dim3A_367 = vector.broadcast %broadcast_in_dim3A_366 : i1 to vector<16xi1>
          %masked_cumsum3A_368 = tpu.scan <sum>, %mul3A_359 masked %broadcast_in_dim3A_367 : vector<16xf32>, vector<16xi1> -> vector<16xf32>
          %broadcast_in_dim3A_369 = arith.constant true
          %broadcast_in_dim3A_370 = vector.broadcast %broadcast_in_dim3A_369 : i1 to vector<16xi1>
          %masked_cumsum3A_371 = tpu.scan <sum>, %mul3A_362 masked %broadcast_in_dim3A_370 : vector<16xf32>, vector<16xi1> -> vector<16xf32>
          %broadcast_in_dim3A_372 = arith.constant true
          %broadcast_in_dim3A_373 = vector.broadcast %broadcast_in_dim3A_372 : i1 to vector<16xi1>
          %masked_cumsum3A_374 = tpu.scan <sum>, %mul3A_365 masked %broadcast_in_dim3A_373 : vector<16xf32>, vector<16xi1> -> vector<16xf32>
          %broadcast_in_dim3A_375 = arith.constant true
          %broadcast_in_dim3A_376 = vector.broadcast %broadcast_in_dim3A_375 : i1 to vector<16xi1>
          %masked_cumsum3A_377 = tpu.scan <sum>, %get3A_339 masked %broadcast_in_dim3A_376 : vector<16xf32>, vector<16xi1> -> vector<16xf32>
          tpu.vector_store_idx %arg20[%sub3A_342], %masked_cumsum3A_368 masked %and3A_354 {add = true} : memref<2048xf32, #tpu.memory_space<vmem>>[vector<16xi32>], vector<16xf32>, vector<16xi1>
          %neg3A_378 = arith.constant 0.000000e+00 : f32
          %neg3A_379 = vector.broadcast %neg3A_378 : f32 to vector<16xf32>
          %neg3A_380 = arith.subf %neg3A_379, %masked_cumsum3A_368 : vector<16xf32>
          tpu.vector_store_idx %arg20[%sub3A_344], %neg3A_380 masked %and3A_356 {add = true} : memref<2048xf32, #tpu.memory_space<vmem>>[vector<16xi32>], vector<16xf32>, vector<16xi1>
          tpu.vector_store_idx %arg21[%sub3A_342], %masked_cumsum3A_371 masked %and3A_354 {add = true} : memref<2048xf32, #tpu.memory_space<vmem>>[vector<16xi32>], vector<16xf32>, vector<16xi1>
          %neg3A_381 = arith.constant 0.000000e+00 : f32
          %neg3A_382 = vector.broadcast %neg3A_381 : f32 to vector<16xf32>
          %neg3A_383 = arith.subf %neg3A_382, %masked_cumsum3A_371 : vector<16xf32>
          tpu.vector_store_idx %arg21[%sub3A_344], %neg3A_383 masked %and3A_356 {add = true} : memref<2048xf32, #tpu.memory_space<vmem>>[vector<16xi32>], vector<16xf32>, vector<16xi1>
          tpu.vector_store_idx %arg22[%sub3A_342], %masked_cumsum3A_374 masked %and3A_354 {add = true} : memref<2048xf32, #tpu.memory_space<vmem>>[vector<16xi32>], vector<16xf32>, vector<16xi1>
          %neg3A_384 = arith.constant 0.000000e+00 : f32
          %neg3A_385 = vector.broadcast %neg3A_384 : f32 to vector<16xf32>
          %neg3A_386 = arith.subf %neg3A_385, %masked_cumsum3A_374 : vector<16xf32>
          tpu.vector_store_idx %arg22[%sub3A_344], %neg3A_386 masked %and3A_356 {add = true} : memref<2048xf32, #tpu.memory_space<vmem>>[vector<16xi32>], vector<16xf32>, vector<16xi1>
          tpu.vector_store_idx %arg23[%sub3A_342], %masked_cumsum3A_377 masked %and3A_354 {add = true} : memref<2048xf32, #tpu.memory_space<vmem>>[vector<16xi32>], vector<16xf32>, vector<16xi1>
          %neg3A_387 = arith.constant 0.000000e+00 : f32
          %neg3A_388 = vector.broadcast %neg3A_387 : f32 to vector<16xf32>
          %neg3A_389 = arith.subf %neg3A_388, %masked_cumsum3A_377 : vector<16xf32>
          tpu.vector_store_idx %arg23[%sub3A_344], %neg3A_389 masked %and3A_356 {add = true} : memref<2048xf32, #tpu.memory_space<vmem>>[vector<16xi32>], vector<16xf32>, vector<16xi1>
          %add3A_390 = arith.constant 64 : i32
          %add3A_391 = arith.addi %mul3A_153, %add3A_390 : i32
          %get3A_392 = arith.index_cast %add3A_391 : i32 to index
          %get3A_393 = tpu.vector_load %arg15[%get3A_392] {strides = array<i32>} : memref<2064xi32, #tpu.memory_space<vmem>>, vector<16xi32>,
          %add3A_394 = arith.constant 1 : i32
          %add3A_395 = arith.addi %add3A_391, %add3A_394 : i32
          %get3A_396 = arith.index_cast %add3A_395 : i32 to index
          %get3A_397 = tpu.vector_load %arg15[%get3A_396] {strides = array<i32>} : memref<2064xi32, #tpu.memory_space<vmem>>, vector<16xi32>,
          %get3A_398 = arith.index_cast %add3A_391 : i32 to index
          %get3A_399 = tpu.vector_load %arg16[%get3A_398] {strides = array<i32>} : memref<2048xf32, #tpu.memory_space<vmem>>, vector<16xf32>,
          %ne3A_400 = arith.cmpi ne, %get3A_393, %get3A_397 : vector<16xi32>
          %sub3A_401 = vector.broadcast %mul3A_2 : i32 to vector<16xi32>
          %sub3A_402 = arith.subi %get3A_393, %sub3A_401 : vector<16xi32>
          %sub3A_403 = vector.broadcast %mul3A_2 : i32 to vector<16xi32>
          %sub3A_404 = arith.subi %get3A_397, %sub3A_403 : vector<16xi32>
          %bitcast3A_405 = vector.bitcast %sub3A_402 : vector<16xi32> to vector<16xi32>
          %lt3A_406 = arith.constant 2048 : i32
          %lt3A_407 = vector.broadcast %lt3A_406 : i32 to vector<16xi32>
          %lt3A_408 = arith.cmpi ult, %bitcast3A_405, %lt3A_407 : vector<16xi32>
          %bitcast3A_409 = vector.bitcast %sub3A_404 : vector<16xi32> to vector<16xi32>
          %lt3A_410 = arith.constant 2048 : i32
          %lt3A_411 = vector.broadcast %lt3A_410 : i32 to vector<16xi32>
          %lt3A_412 = arith.cmpi ult, %bitcast3A_409, %lt3A_411 : vector<16xi32>
          %or3A_413 = arith.ori %ne3A_400, %eq3A_66 : vector<16xi1>
          %and3A_414 = arith.andi %or3A_413, %lt3A_408 : vector<16xi1>
          %and3A_415 = arith.andi %ne3A_400, %lt3A_68 : vector<16xi1>
          %and3A_416 = arith.andi %and3A_415, %lt3A_412 : vector<16xi1>
          %get3A_417 = arith.index_cast %add3A_391 : i32 to index
          %get3A_418 = tpu.vector_load %arg17[%get3A_417] {strides = array<i32>} : memref<2048xf32, #tpu.memory_space<vmem>>, vector<16xf32>,
          %mul3A_419 = arith.mulf %get3A_399, %get3A_418 : vector<16xf32>
          %get3A_420 = arith.index_cast %add3A_391 : i32 to index
          %get3A_421 = tpu.vector_load %arg18[%get3A_420] {strides = array<i32>} : memref<2048xf32, #tpu.memory_space<vmem>>, vector<16xf32>,
          %mul3A_422 = arith.mulf %get3A_399, %get3A_421 : vector<16xf32>
          %get3A_423 = arith.index_cast %add3A_391 : i32 to index
          %get3A_424 = tpu.vector_load %arg19[%get3A_423] {strides = array<i32>} : memref<2048xf32, #tpu.memory_space<vmem>>, vector<16xf32>,
          %mul3A_425 = arith.mulf %get3A_399, %get3A_424 : vector<16xf32>
          %broadcast_in_dim3A_426 = arith.constant true
          %broadcast_in_dim3A_427 = vector.broadcast %broadcast_in_dim3A_426 : i1 to vector<16xi1>
          %masked_cumsum3A_428 = tpu.scan <sum>, %mul3A_419 masked %broadcast_in_dim3A_427 : vector<16xf32>, vector<16xi1> -> vector<16xf32>
          %broadcast_in_dim3A_429 = arith.constant true
          %broadcast_in_dim3A_430 = vector.broadcast %broadcast_in_dim3A_429 : i1 to vector<16xi1>
          %masked_cumsum3A_431 = tpu.scan <sum>, %mul3A_422 masked %broadcast_in_dim3A_430 : vector<16xf32>, vector<16xi1> -> vector<16xf32>
          %broadcast_in_dim3A_432 = arith.constant true
          %broadcast_in_dim3A_433 = vector.broadcast %broadcast_in_dim3A_432 : i1 to vector<16xi1>
          %masked_cumsum3A_434 = tpu.scan <sum>, %mul3A_425 masked %broadcast_in_dim3A_433 : vector<16xf32>, vector<16xi1> -> vector<16xf32>
          %broadcast_in_dim3A_435 = arith.constant true
          %broadcast_in_dim3A_436 = vector.broadcast %broadcast_in_dim3A_435 : i1 to vector<16xi1>
          %masked_cumsum3A_437 = tpu.scan <sum>, %get3A_399 masked %broadcast_in_dim3A_436 : vector<16xf32>, vector<16xi1> -> vector<16xf32>
          tpu.vector_store_idx %arg20[%sub3A_402], %masked_cumsum3A_428 masked %and3A_414 {add = true} : memref<2048xf32, #tpu.memory_space<vmem>>[vector<16xi32>], vector<16xf32>, vector<16xi1>
          %neg3A_438 = arith.constant 0.000000e+00 : f32
          %neg3A_439 = vector.broadcast %neg3A_438 : f32 to vector<16xf32>
          %neg3A_440 = arith.subf %neg3A_439, %masked_cumsum3A_428 : vector<16xf32>
          tpu.vector_store_idx %arg20[%sub3A_404], %neg3A_440 masked %and3A_416 {add = true} : memref<2048xf32, #tpu.memory_space<vmem>>[vector<16xi32>], vector<16xf32>, vector<16xi1>
          tpu.vector_store_idx %arg21[%sub3A_402], %masked_cumsum3A_431 masked %and3A_414 {add = true} : memref<2048xf32, #tpu.memory_space<vmem>>[vector<16xi32>], vector<16xf32>, vector<16xi1>
          %neg3A_441 = arith.constant 0.000000e+00 : f32
          %neg3A_442 = vector.broadcast %neg3A_441 : f32 to vector<16xf32>
          %neg3A_443 = arith.subf %neg3A_442, %masked_cumsum3A_431 : vector<16xf32>
          tpu.vector_store_idx %arg21[%sub3A_404], %neg3A_443 masked %and3A_416 {add = true} : memref<2048xf32, #tpu.memory_space<vmem>>[vector<16xi32>], vector<16xf32>, vector<16xi1>
          tpu.vector_store_idx %arg22[%sub3A_402], %masked_cumsum3A_434 masked %and3A_414 {add = true} : memref<2048xf32, #tpu.memory_space<vmem>>[vector<16xi32>], vector<16xf32>, vector<16xi1>
          %neg3A_444 = arith.constant 0.000000e+00 : f32
          %neg3A_445 = vector.broadcast %neg3A_444 : f32 to vector<16xf32>
          %neg3A_446 = arith.subf %neg3A_445, %masked_cumsum3A_434 : vector<16xf32>
          tpu.vector_store_idx %arg22[%sub3A_404], %neg3A_446 masked %and3A_416 {add = true} : memref<2048xf32, #tpu.memory_space<vmem>>[vector<16xi32>], vector<16xf32>, vector<16xi1>
          tpu.vector_store_idx %arg23[%sub3A_402], %masked_cumsum3A_437 masked %and3A_414 {add = true} : memref<2048xf32, #tpu.memory_space<vmem>>[vector<16xi32>], vector<16xf32>, vector<16xi1>
          %neg3A_447 = arith.constant 0.000000e+00 : f32
          %neg3A_448 = vector.broadcast %neg3A_447 : f32 to vector<16xf32>
          %neg3A_449 = arith.subf %neg3A_448, %masked_cumsum3A_437 : vector<16xf32>
          tpu.vector_store_idx %arg23[%sub3A_404], %neg3A_449 masked %and3A_416 {add = true} : memref<2048xf32, #tpu.memory_space<vmem>>[vector<16xi32>], vector<16xf32>, vector<16xi1>
          %add3A_450 = arith.constant 80 : i32
          %add3A_451 = arith.addi %mul3A_153, %add3A_450 : i32
          %get3A_452 = arith.index_cast %add3A_451 : i32 to index
          %get3A_453 = tpu.vector_load %arg15[%get3A_452] {strides = array<i32>} : memref<2064xi32, #tpu.memory_space<vmem>>, vector<16xi32>,
          %add3A_454 = arith.constant 1 : i32
          %add3A_455 = arith.addi %add3A_451, %add3A_454 : i32
          %get3A_456 = arith.index_cast %add3A_455 : i32 to index
          %get3A_457 = tpu.vector_load %arg15[%get3A_456] {strides = array<i32>} : memref<2064xi32, #tpu.memory_space<vmem>>, vector<16xi32>,
          %get3A_458 = arith.index_cast %add3A_451 : i32 to index
          %get3A_459 = tpu.vector_load %arg16[%get3A_458] {strides = array<i32>} : memref<2048xf32, #tpu.memory_space<vmem>>, vector<16xf32>,
          %ne3A_460 = arith.cmpi ne, %get3A_453, %get3A_457 : vector<16xi32>
          %sub3A_461 = vector.broadcast %mul3A_2 : i32 to vector<16xi32>
          %sub3A_462 = arith.subi %get3A_453, %sub3A_461 : vector<16xi32>
          %sub3A_463 = vector.broadcast %mul3A_2 : i32 to vector<16xi32>
          %sub3A_464 = arith.subi %get3A_457, %sub3A_463 : vector<16xi32>
          %bitcast3A_465 = vector.bitcast %sub3A_462 : vector<16xi32> to vector<16xi32>
          %lt3A_466 = arith.constant 2048 : i32
          %lt3A_467 = vector.broadcast %lt3A_466 : i32 to vector<16xi32>
          %lt3A_468 = arith.cmpi ult, %bitcast3A_465, %lt3A_467 : vector<16xi32>
          %bitcast3A_469 = vector.bitcast %sub3A_464 : vector<16xi32> to vector<16xi32>
          %lt3A_470 = arith.constant 2048 : i32
          %lt3A_471 = vector.broadcast %lt3A_470 : i32 to vector<16xi32>
          %lt3A_472 = arith.cmpi ult, %bitcast3A_469, %lt3A_471 : vector<16xi32>
          %or3A_473 = arith.ori %ne3A_460, %eq3A_66 : vector<16xi1>
          %and3A_474 = arith.andi %or3A_473, %lt3A_468 : vector<16xi1>
          %and3A_475 = arith.andi %ne3A_460, %lt3A_68 : vector<16xi1>
          %and3A_476 = arith.andi %and3A_475, %lt3A_472 : vector<16xi1>
          %get3A_477 = arith.index_cast %add3A_451 : i32 to index
          %get3A_478 = tpu.vector_load %arg17[%get3A_477] {strides = array<i32>} : memref<2048xf32, #tpu.memory_space<vmem>>, vector<16xf32>,
          %mul3A_479 = arith.mulf %get3A_459, %get3A_478 : vector<16xf32>
          %get3A_480 = arith.index_cast %add3A_451 : i32 to index
          %get3A_481 = tpu.vector_load %arg18[%get3A_480] {strides = array<i32>} : memref<2048xf32, #tpu.memory_space<vmem>>, vector<16xf32>,
          %mul3A_482 = arith.mulf %get3A_459, %get3A_481 : vector<16xf32>
          %get3A_483 = arith.index_cast %add3A_451 : i32 to index
          %get3A_484 = tpu.vector_load %arg19[%get3A_483] {strides = array<i32>} : memref<2048xf32, #tpu.memory_space<vmem>>, vector<16xf32>,
          %mul3A_485 = arith.mulf %get3A_459, %get3A_484 : vector<16xf32>
          %broadcast_in_dim3A_486 = arith.constant true
          %broadcast_in_dim3A_487 = vector.broadcast %broadcast_in_dim3A_486 : i1 to vector<16xi1>
          %masked_cumsum3A_488 = tpu.scan <sum>, %mul3A_479 masked %broadcast_in_dim3A_487 : vector<16xf32>, vector<16xi1> -> vector<16xf32>
          %broadcast_in_dim3A_489 = arith.constant true
          %broadcast_in_dim3A_490 = vector.broadcast %broadcast_in_dim3A_489 : i1 to vector<16xi1>
          %masked_cumsum3A_491 = tpu.scan <sum>, %mul3A_482 masked %broadcast_in_dim3A_490 : vector<16xf32>, vector<16xi1> -> vector<16xf32>
          %broadcast_in_dim3A_492 = arith.constant true
          %broadcast_in_dim3A_493 = vector.broadcast %broadcast_in_dim3A_492 : i1 to vector<16xi1>
          %masked_cumsum3A_494 = tpu.scan <sum>, %mul3A_485 masked %broadcast_in_dim3A_493 : vector<16xf32>, vector<16xi1> -> vector<16xf32>
          %broadcast_in_dim3A_495 = arith.constant true
          %broadcast_in_dim3A_496 = vector.broadcast %broadcast_in_dim3A_495 : i1 to vector<16xi1>
          %masked_cumsum3A_497 = tpu.scan <sum>, %get3A_459 masked %broadcast_in_dim3A_496 : vector<16xf32>, vector<16xi1> -> vector<16xf32>
          tpu.vector_store_idx %arg20[%sub3A_462], %masked_cumsum3A_488 masked %and3A_474 {add = true} : memref<2048xf32, #tpu.memory_space<vmem>>[vector<16xi32>], vector<16xf32>, vector<16xi1>
          %neg3A_498 = arith.constant 0.000000e+00 : f32
          %neg3A_499 = vector.broadcast %neg3A_498 : f32 to vector<16xf32>
          %neg3A_500 = arith.subf %neg3A_499, %masked_cumsum3A_488 : vector<16xf32>
          tpu.vector_store_idx %arg20[%sub3A_464], %neg3A_500 masked %and3A_476 {add = true} : memref<2048xf32, #tpu.memory_space<vmem>>[vector<16xi32>], vector<16xf32>, vector<16xi1>
          tpu.vector_store_idx %arg21[%sub3A_462], %masked_cumsum3A_491 masked %and3A_474 {add = true} : memref<2048xf32, #tpu.memory_space<vmem>>[vector<16xi32>], vector<16xf32>, vector<16xi1>
          %neg3A_501 = arith.constant 0.000000e+00 : f32
          %neg3A_502 = vector.broadcast %neg3A_501 : f32 to vector<16xf32>
          %neg3A_503 = arith.subf %neg3A_502, %masked_cumsum3A_491 : vector<16xf32>
          tpu.vector_store_idx %arg21[%sub3A_464], %neg3A_503 masked %and3A_476 {add = true} : memref<2048xf32, #tpu.memory_space<vmem>>[vector<16xi32>], vector<16xf32>, vector<16xi1>
          tpu.vector_store_idx %arg22[%sub3A_462], %masked_cumsum3A_494 masked %and3A_474 {add = true} : memref<2048xf32, #tpu.memory_space<vmem>>[vector<16xi32>], vector<16xf32>, vector<16xi1>
          %neg3A_504 = arith.constant 0.000000e+00 : f32
          %neg3A_505 = vector.broadcast %neg3A_504 : f32 to vector<16xf32>
          %neg3A_506 = arith.subf %neg3A_505, %masked_cumsum3A_494 : vector<16xf32>
          tpu.vector_store_idx %arg22[%sub3A_464], %neg3A_506 masked %and3A_476 {add = true} : memref<2048xf32, #tpu.memory_space<vmem>>[vector<16xi32>], vector<16xf32>, vector<16xi1>
          tpu.vector_store_idx %arg23[%sub3A_462], %masked_cumsum3A_497 masked %and3A_474 {add = true} : memref<2048xf32, #tpu.memory_space<vmem>>[vector<16xi32>], vector<16xf32>, vector<16xi1>
          %neg3A_507 = arith.constant 0.000000e+00 : f32
          %neg3A_508 = vector.broadcast %neg3A_507 : f32 to vector<16xf32>
          %neg3A_509 = arith.subf %neg3A_508, %masked_cumsum3A_497 : vector<16xf32>
          tpu.vector_store_idx %arg23[%sub3A_464], %neg3A_509 masked %and3A_476 {add = true} : memref<2048xf32, #tpu.memory_space<vmem>>[vector<16xi32>], vector<16xf32>, vector<16xi1>
          %add3A_510 = arith.constant 96 : i32
          %add3A_511 = arith.addi %mul3A_153, %add3A_510 : i32
          %get3A_512 = arith.index_cast %add3A_511 : i32 to index
          %get3A_513 = tpu.vector_load %arg15[%get3A_512] {strides = array<i32>} : memref<2064xi32, #tpu.memory_space<vmem>>, vector<16xi32>,
          %add3A_514 = arith.constant 1 : i32
          %add3A_515 = arith.addi %add3A_511, %add3A_514 : i32
          %get3A_516 = arith.index_cast %add3A_515 : i32 to index
          %get3A_517 = tpu.vector_load %arg15[%get3A_516] {strides = array<i32>} : memref<2064xi32, #tpu.memory_space<vmem>>, vector<16xi32>,
          %get3A_518 = arith.index_cast %add3A_511 : i32 to index
          %get3A_519 = tpu.vector_load %arg16[%get3A_518] {strides = array<i32>} : memref<2048xf32, #tpu.memory_space<vmem>>, vector<16xf32>,
          %ne3A_520 = arith.cmpi ne, %get3A_513, %get3A_517 : vector<16xi32>
          %sub3A_521 = vector.broadcast %mul3A_2 : i32 to vector<16xi32>
          %sub3A_522 = arith.subi %get3A_513, %sub3A_521 : vector<16xi32>
          %sub3A_523 = vector.broadcast %mul3A_2 : i32 to vector<16xi32>
          %sub3A_524 = arith.subi %get3A_517, %sub3A_523 : vector<16xi32>
          %bitcast3A_525 = vector.bitcast %sub3A_522 : vector<16xi32> to vector<16xi32>
          %lt3A_526 = arith.constant 2048 : i32
          %lt3A_527 = vector.broadcast %lt3A_526 : i32 to vector<16xi32>
          %lt3A_528 = arith.cmpi ult, %bitcast3A_525, %lt3A_527 : vector<16xi32>
          %bitcast3A_529 = vector.bitcast %sub3A_524 : vector<16xi32> to vector<16xi32>
          %lt3A_530 = arith.constant 2048 : i32
          %lt3A_531 = vector.broadcast %lt3A_530 : i32 to vector<16xi32>
          %lt3A_532 = arith.cmpi ult, %bitcast3A_529, %lt3A_531 : vector<16xi32>
          %or3A_533 = arith.ori %ne3A_520, %eq3A_66 : vector<16xi1>
          %and3A_534 = arith.andi %or3A_533, %lt3A_528 : vector<16xi1>
          %and3A_535 = arith.andi %ne3A_520, %lt3A_68 : vector<16xi1>
          %and3A_536 = arith.andi %and3A_535, %lt3A_532 : vector<16xi1>
          %get3A_537 = arith.index_cast %add3A_511 : i32 to index
          %get3A_538 = tpu.vector_load %arg17[%get3A_537] {strides = array<i32>} : memref<2048xf32, #tpu.memory_space<vmem>>, vector<16xf32>,
          %mul3A_539 = arith.mulf %get3A_519, %get3A_538 : vector<16xf32>
          %get3A_540 = arith.index_cast %add3A_511 : i32 to index
          %get3A_541 = tpu.vector_load %arg18[%get3A_540] {strides = array<i32>} : memref<2048xf32, #tpu.memory_space<vmem>>, vector<16xf32>,
          %mul3A_542 = arith.mulf %get3A_519, %get3A_541 : vector<16xf32>
          %get3A_543 = arith.index_cast %add3A_511 : i32 to index
          %get3A_544 = tpu.vector_load %arg19[%get3A_543] {strides = array<i32>} : memref<2048xf32, #tpu.memory_space<vmem>>, vector<16xf32>,
          %mul3A_545 = arith.mulf %get3A_519, %get3A_544 : vector<16xf32>
          %broadcast_in_dim3A_546 = arith.constant true
          %broadcast_in_dim3A_547 = vector.broadcast %broadcast_in_dim3A_546 : i1 to vector<16xi1>
          %masked_cumsum3A_548 = tpu.scan <sum>, %mul3A_539 masked %broadcast_in_dim3A_547 : vector<16xf32>, vector<16xi1> -> vector<16xf32>
          %broadcast_in_dim3A_549 = arith.constant true
          %broadcast_in_dim3A_550 = vector.broadcast %broadcast_in_dim3A_549 : i1 to vector<16xi1>
          %masked_cumsum3A_551 = tpu.scan <sum>, %mul3A_542 masked %broadcast_in_dim3A_550 : vector<16xf32>, vector<16xi1> -> vector<16xf32>
          %broadcast_in_dim3A_552 = arith.constant true
          %broadcast_in_dim3A_553 = vector.broadcast %broadcast_in_dim3A_552 : i1 to vector<16xi1>
          %masked_cumsum3A_554 = tpu.scan <sum>, %mul3A_545 masked %broadcast_in_dim3A_553 : vector<16xf32>, vector<16xi1> -> vector<16xf32>
          %broadcast_in_dim3A_555 = arith.constant true
          %broadcast_in_dim3A_556 = vector.broadcast %broadcast_in_dim3A_555 : i1 to vector<16xi1>
          %masked_cumsum3A_557 = tpu.scan <sum>, %get3A_519 masked %broadcast_in_dim3A_556 : vector<16xf32>, vector<16xi1> -> vector<16xf32>
          tpu.vector_store_idx %arg20[%sub3A_522], %masked_cumsum3A_548 masked %and3A_534 {add = true} : memref<2048xf32, #tpu.memory_space<vmem>>[vector<16xi32>], vector<16xf32>, vector<16xi1>
          %neg3A_558 = arith.constant 0.000000e+00 : f32
          %neg3A_559 = vector.broadcast %neg3A_558 : f32 to vector<16xf32>
          %neg3A_560 = arith.subf %neg3A_559, %masked_cumsum3A_548 : vector<16xf32>
          tpu.vector_store_idx %arg20[%sub3A_524], %neg3A_560 masked %and3A_536 {add = true} : memref<2048xf32, #tpu.memory_space<vmem>>[vector<16xi32>], vector<16xf32>, vector<16xi1>
          tpu.vector_store_idx %arg21[%sub3A_522], %masked_cumsum3A_551 masked %and3A_534 {add = true} : memref<2048xf32, #tpu.memory_space<vmem>>[vector<16xi32>], vector<16xf32>, vector<16xi1>
          %neg3A_561 = arith.constant 0.000000e+00 : f32
          %neg3A_562 = vector.broadcast %neg3A_561 : f32 to vector<16xf32>
          %neg3A_563 = arith.subf %neg3A_562, %masked_cumsum3A_551 : vector<16xf32>
          tpu.vector_store_idx %arg21[%sub3A_524], %neg3A_563 masked %and3A_536 {add = true} : memref<2048xf32, #tpu.memory_space<vmem>>[vector<16xi32>], vector<16xf32>, vector<16xi1>
          tpu.vector_store_idx %arg22[%sub3A_522], %masked_cumsum3A_554 masked %and3A_534 {add = true} : memref<2048xf32, #tpu.memory_space<vmem>>[vector<16xi32>], vector<16xf32>, vector<16xi1>
          %neg3A_564 = arith.constant 0.000000e+00 : f32
          %neg3A_565 = vector.broadcast %neg3A_564 : f32 to vector<16xf32>
          %neg3A_566 = arith.subf %neg3A_565, %masked_cumsum3A_554 : vector<16xf32>
          tpu.vector_store_idx %arg22[%sub3A_524], %neg3A_566 masked %and3A_536 {add = true} : memref<2048xf32, #tpu.memory_space<vmem>>[vector<16xi32>], vector<16xf32>, vector<16xi1>
          tpu.vector_store_idx %arg23[%sub3A_522], %masked_cumsum3A_557 masked %and3A_534 {add = true} : memref<2048xf32, #tpu.memory_space<vmem>>[vector<16xi32>], vector<16xf32>, vector<16xi1>
          %neg3A_567 = arith.constant 0.000000e+00 : f32
          %neg3A_568 = vector.broadcast %neg3A_567 : f32 to vector<16xf32>
          %neg3A_569 = arith.subf %neg3A_568, %masked_cumsum3A_557 : vector<16xf32>
          tpu.vector_store_idx %arg23[%sub3A_524], %neg3A_569 masked %and3A_536 {add = true} : memref<2048xf32, #tpu.memory_space<vmem>>[vector<16xi32>], vector<16xf32>, vector<16xi1>
          %add3A_570 = arith.constant 112 : i32
          %add3A_571 = arith.addi %mul3A_153, %add3A_570 : i32
          %get3A_572 = arith.index_cast %add3A_571 : i32 to index
          %get3A_573 = tpu.vector_load %arg15[%get3A_572] {strides = array<i32>} : memref<2064xi32, #tpu.memory_space<vmem>>, vector<16xi32>,
          %add3A_574 = arith.constant 1 : i32
          %add3A_575 = arith.addi %add3A_571, %add3A_574 : i32
          %get3A_576 = arith.index_cast %add3A_575 : i32 to index
          %get3A_577 = tpu.vector_load %arg15[%get3A_576] {strides = array<i32>} : memref<2064xi32, #tpu.memory_space<vmem>>, vector<16xi32>,
          %get3A_578 = arith.index_cast %add3A_571 : i32 to index
          %get3A_579 = tpu.vector_load %arg16[%get3A_578] {strides = array<i32>} : memref<2048xf32, #tpu.memory_space<vmem>>, vector<16xf32>,
          %ne3A_580 = arith.cmpi ne, %get3A_573, %get3A_577 : vector<16xi32>
          %sub3A_581 = vector.broadcast %mul3A_2 : i32 to vector<16xi32>
          %sub3A_582 = arith.subi %get3A_573, %sub3A_581 : vector<16xi32>
          %sub3A_583 = vector.broadcast %mul3A_2 : i32 to vector<16xi32>
          %sub3A_584 = arith.subi %get3A_577, %sub3A_583 : vector<16xi32>
          %bitcast3A_585 = vector.bitcast %sub3A_582 : vector<16xi32> to vector<16xi32>
          %lt3A_586 = arith.constant 2048 : i32
          %lt3A_587 = vector.broadcast %lt3A_586 : i32 to vector<16xi32>
          %lt3A_588 = arith.cmpi ult, %bitcast3A_585, %lt3A_587 : vector<16xi32>
          %bitcast3A_589 = vector.bitcast %sub3A_584 : vector<16xi32> to vector<16xi32>
          %lt3A_590 = arith.constant 2048 : i32
          %lt3A_591 = vector.broadcast %lt3A_590 : i32 to vector<16xi32>
          %lt3A_592 = arith.cmpi ult, %bitcast3A_589, %lt3A_591 : vector<16xi32>
          %or3A_593 = arith.ori %ne3A_580, %eq3A_66 : vector<16xi1>
          %and3A_594 = arith.andi %or3A_593, %lt3A_588 : vector<16xi1>
          %and3A_595 = arith.andi %ne3A_580, %lt3A_68 : vector<16xi1>
          %and3A_596 = arith.andi %and3A_595, %lt3A_592 : vector<16xi1>
          %get3A_597 = arith.index_cast %add3A_571 : i32 to index
          %get3A_598 = tpu.vector_load %arg17[%get3A_597] {strides = array<i32>} : memref<2048xf32, #tpu.memory_space<vmem>>, vector<16xf32>,
          %mul3A_599 = arith.mulf %get3A_579, %get3A_598 : vector<16xf32>
          %get3A_600 = arith.index_cast %add3A_571 : i32 to index
          %get3A_601 = tpu.vector_load %arg18[%get3A_600] {strides = array<i32>} : memref<2048xf32, #tpu.memory_space<vmem>>, vector<16xf32>,
          %mul3A_602 = arith.mulf %get3A_579, %get3A_601 : vector<16xf32>
          %get3A_603 = arith.index_cast %add3A_571 : i32 to index
          %get3A_604 = tpu.vector_load %arg19[%get3A_603] {strides = array<i32>} : memref<2048xf32, #tpu.memory_space<vmem>>, vector<16xf32>,
          %mul3A_605 = arith.mulf %get3A_579, %get3A_604 : vector<16xf32>
          %broadcast_in_dim3A_606 = arith.constant true
          %broadcast_in_dim3A_607 = vector.broadcast %broadcast_in_dim3A_606 : i1 to vector<16xi1>
          %masked_cumsum3A_608 = tpu.scan <sum>, %mul3A_599 masked %broadcast_in_dim3A_607 : vector<16xf32>, vector<16xi1> -> vector<16xf32>
          %broadcast_in_dim3A_609 = arith.constant true
          %broadcast_in_dim3A_610 = vector.broadcast %broadcast_in_dim3A_609 : i1 to vector<16xi1>
          %masked_cumsum3A_611 = tpu.scan <sum>, %mul3A_602 masked %broadcast_in_dim3A_610 : vector<16xf32>, vector<16xi1> -> vector<16xf32>
          %broadcast_in_dim3A_612 = arith.constant true
          %broadcast_in_dim3A_613 = vector.broadcast %broadcast_in_dim3A_612 : i1 to vector<16xi1>
          %masked_cumsum3A_614 = tpu.scan <sum>, %mul3A_605 masked %broadcast_in_dim3A_613 : vector<16xf32>, vector<16xi1> -> vector<16xf32>
          %broadcast_in_dim3A_615 = arith.constant true
          %broadcast_in_dim3A_616 = vector.broadcast %broadcast_in_dim3A_615 : i1 to vector<16xi1>
          %masked_cumsum3A_617 = tpu.scan <sum>, %get3A_579 masked %broadcast_in_dim3A_616 : vector<16xf32>, vector<16xi1> -> vector<16xf32>
          tpu.vector_store_idx %arg20[%sub3A_582], %masked_cumsum3A_608 masked %and3A_594 {add = true} : memref<2048xf32, #tpu.memory_space<vmem>>[vector<16xi32>], vector<16xf32>, vector<16xi1>
          %neg3A_618 = arith.constant 0.000000e+00 : f32
          %neg3A_619 = vector.broadcast %neg3A_618 : f32 to vector<16xf32>
          %neg3A_620 = arith.subf %neg3A_619, %masked_cumsum3A_608 : vector<16xf32>
          tpu.vector_store_idx %arg20[%sub3A_584], %neg3A_620 masked %and3A_596 {add = true} : memref<2048xf32, #tpu.memory_space<vmem>>[vector<16xi32>], vector<16xf32>, vector<16xi1>
          tpu.vector_store_idx %arg21[%sub3A_582], %masked_cumsum3A_611 masked %and3A_594 {add = true} : memref<2048xf32, #tpu.memory_space<vmem>>[vector<16xi32>], vector<16xf32>, vector<16xi1>
          %neg3A_621 = arith.constant 0.000000e+00 : f32
          %neg3A_622 = vector.broadcast %neg3A_621 : f32 to vector<16xf32>
          %neg3A_623 = arith.subf %neg3A_622, %masked_cumsum3A_611 : vector<16xf32>
          tpu.vector_store_idx %arg21[%sub3A_584], %neg3A_623 masked %and3A_596 {add = true} : memref<2048xf32, #tpu.memory_space<vmem>>[vector<16xi32>], vector<16xf32>, vector<16xi1>
          tpu.vector_store_idx %arg22[%sub3A_582], %masked_cumsum3A_614 masked %and3A_594 {add = true} : memref<2048xf32, #tpu.memory_space<vmem>>[vector<16xi32>], vector<16xf32>, vector<16xi1>
          %neg3A_624 = arith.constant 0.000000e+00 : f32
          %neg3A_625 = vector.broadcast %neg3A_624 : f32 to vector<16xf32>
          %neg3A_626 = arith.subf %neg3A_625, %masked_cumsum3A_614 : vector<16xf32>
          tpu.vector_store_idx %arg22[%sub3A_584], %neg3A_626 masked %and3A_596 {add = true} : memref<2048xf32, #tpu.memory_space<vmem>>[vector<16xi32>], vector<16xf32>, vector<16xi1>
          tpu.vector_store_idx %arg23[%sub3A_582], %masked_cumsum3A_617 masked %and3A_594 {add = true} : memref<2048xf32, #tpu.memory_space<vmem>>[vector<16xi32>], vector<16xf32>, vector<16xi1>
          %neg3A_627 = arith.constant 0.000000e+00 : f32
          %neg3A_628 = vector.broadcast %neg3A_627 : f32 to vector<16xf32>
          %neg3A_629 = arith.subf %neg3A_628, %masked_cumsum3A_617 : vector<16xf32>
          tpu.vector_store_idx %arg23[%sub3A_584], %neg3A_629 masked %and3A_596 {add = true} : memref<2048xf32, #tpu.memory_space<vmem>>[vector<16xi32>], vector<16xf32>, vector<16xi1>
          %scan3A_630 = arith.constant 0 : i32
          scf.yield %scan3A_630 : i32
        }
        %scan3A_149 = arith.constant 16 : i32
      } else {
      }
      %while3A_115 = arith.constant 0 : i32
      scf.yield %while3A_115 : i32
    }
    %while3A_79 = arith.constant 1 : i32
    %while3A_80 = scf.for %while3A_98 = %while3A_76 to %while3A_72 step %while3A_79 iter_args(%while3A_99 = %while3A_78) -> (i32)  : i32 {
      %sub3A_100 = arith.subi %while3A_98, %select_n3A : i32
      %and3A_101 = arith.constant 1 : i32
      %and3A_102 = arith.andi %sub3A_100, %and3A_101 : i32
      %add3A_103 = arith.constant 1 : i32
      %add3A_104 = arith.addi %while3A_98, %add3A_103 : i32
      %eq3A_105 = arith.constant 0 : i32
      %eq3A_106 = arith.cmpi eq, %and3A_102, %eq3A_105 : i32
      %convert_element_type3A_107 = arith.extui %eq3A_106 : i1 to i32
      %cond3A_108 = arith.constant 0 : i32
      %cond3A_109 = arith.cmpi ne, %convert_element_type3A_107, %cond3A_108 : i32
      scf.if %cond3A_109 {
        %dma_wait3A = arith.constant 0 : i32
        %dma_wait3A_116 = tpu.memref_slice %arg10[%dma_wait3A] : memref<2064xi32, #tpu.memory_space<vmem>> -> memref<2048xi32, #tpu.memory_space<vmem>>
        %dma_wait3A_117 = arith.constant 0 : i32
        %dma_wait3A_118 = tpu.memref_slice %arg6[%dma_wait3A_117] : memref<4194304xi32, #tpu.memory_space<hbm>> -> memref<2048xi32, #tpu.memory_space<hbm>>
        %dma_wait3A_119 = arith.constant 0 : i32
        %dma_wait3A_120 = tpu.memref_slice %arg10[%dma_wait3A_119] : memref<2064xi32, #tpu.memory_space<vmem>> -> memref<2048xi32, #tpu.memory_space<vmem>>
        %dma_wait3A_121 = arith.constant 0 : i32
        %dma_wait3A_122 = tpu.memref_slice %arg6[%dma_wait3A_121] : memref<4194304xi32, #tpu.memory_space<hbm>> -> memref<2048xi32, #tpu.memory_space<hbm>>
        tpu.wait_dma2 semaphore(%arg27 : memref<!tpu.dma_semaphore, #tpu.memory_space<semaphore_mem>>) src(%dma_wait3A_122 : memref<2048xi32, #tpu.memory_space<hbm>>) dst(%dma_wait3A_120 : memref<2048xi32, #tpu.memory_space<vmem>>)
        %dma_wait3A_123 = arith.constant 0 : i32
        %dma_wait3A_124 = tpu.memref_slice %arg5[%dma_wait3A_123] : memref<4194304xf32, #tpu.memory_space<hbm>> -> memref<2048xf32, #tpu.memory_space<hbm>>
        %dma_wait3A_125 = arith.constant 0 : i32
        %dma_wait3A_126 = tpu.memref_slice %arg5[%dma_wait3A_125] : memref<4194304xf32, #tpu.memory_space<hbm>> -> memref<2048xf32, #tpu.memory_space<hbm>>
        tpu.wait_dma2 semaphore(%arg27 : memref<!tpu.dma_semaphore, #tpu.memory_space<semaphore_mem>>) src(%dma_wait3A_126 : memref<2048xf32, #tpu.memory_space<hbm>>) dst(%arg11 : memref<2048xf32, #tpu.memory_space<vmem>>)
        %dma_wait3A_127 = arith.constant 0 : i32
        %dma_wait3A_128 = tpu.memref_slice %arg2[%dma_wait3A_127] : memref<4194304xf32, #tpu.memory_space<hbm>> -> memref<2048xf32, #tpu.memory_space<hbm>>
        %dma_wait3A_129 = arith.constant 0 : i32
        %dma_wait3A_130 = tpu.memref_slice %arg2[%dma_wait3A_129] : memref<4194304xf32, #tpu.memory_space<hbm>> -> memref<2048xf32, #tpu.memory_space<hbm>>
        tpu.wait_dma2 semaphore(%arg27 : memref<!tpu.dma_semaphore, #tpu.memory_space<semaphore_mem>>) src(%dma_wait3A_130 : memref<2048xf32, #tpu.memory_space<hbm>>) dst(%arg12 : memref<2048xf32, #tpu.memory_space<vmem>>)
        %dma_wait3A_131 = arith.constant 0 : i32
        %dma_wait3A_132 = tpu.memref_slice %arg3[%dma_wait3A_131] : memref<4194304xf32, #tpu.memory_space<hbm>> -> memref<2048xf32, #tpu.memory_space<hbm>>
        %dma_wait3A_133 = arith.constant 0 : i32
        %dma_wait3A_134 = tpu.memref_slice %arg3[%dma_wait3A_133] : memref<4194304xf32, #tpu.memory_space<hbm>> -> memref<2048xf32, #tpu.memory_space<hbm>>
        tpu.wait_dma2 semaphore(%arg27 : memref<!tpu.dma_semaphore, #tpu.memory_space<semaphore_mem>>) src(%dma_wait3A_134 : memref<2048xf32, #tpu.memory_space<hbm>>) dst(%arg13 : memref<2048xf32, #tpu.memory_space<vmem>>)
        %dma_wait3A_135 = arith.constant 0 : i32
        %dma_wait3A_136 = tpu.memref_slice %arg4[%dma_wait3A_135] : memref<4194304xf32, #tpu.memory_space<hbm>> -> memref<2048xf32, #tpu.memory_space<hbm>>
        %dma_wait3A_137 = arith.constant 0 : i32
        %dma_wait3A_138 = tpu.memref_slice %arg4[%dma_wait3A_137] : memref<4194304xf32, #tpu.memory_space<hbm>> -> memref<2048xf32, #tpu.memory_space<hbm>>
        tpu.wait_dma2 semaphore(%arg27 : memref<!tpu.dma_semaphore, #tpu.memory_space<semaphore_mem>>) src(%dma_wait3A_138 : memref<2048xf32, #tpu.memory_space<hbm>>) dst(%arg14 : memref<2048xf32, #tpu.memory_space<vmem>>)
        %lt3A_139 = arith.cmpi slt, %add3A_104, %select_n3A_61 : i32
        %convert_element_type3A_140 = arith.extui %lt3A_139 : i1 to i32
        %cond3A_141 = arith.constant 0 : i32
        %cond3A_142 = arith.cmpi ne, %convert_element_type3A_140, %cond3A_141 : i32
        scf.if %cond3A_142 {
          %mul3A_150 = arith.constant 2048 : i32
          %mul3A_151 = arith.muli %add3A_104, %mul3A_150 : i32
          %dma_start3A = arith.constant 0 : i32
          %dma_start3A_152 = tpu.memref_slice %arg15[%dma_start3A] : memref<2064xi32, #tpu.memory_space<vmem>> -> memref<2048xi32, #tpu.memory_space<vmem>>
          %dma_start3A_153 = tpu.memref_slice %arg6[%mul3A_151] : memref<4194304xi32, #tpu.memory_space<hbm>> -> memref<2048xi32, #tpu.memory_space<hbm>>
          %dma_start3A_154 = arith.constant 0 : i32
          %dma_start3A_155 = tpu.memref_slice %arg15[%dma_start3A_154] : memref<2064xi32, #tpu.memory_space<vmem>> -> memref<2048xi32, #tpu.memory_space<vmem>>
          %dma_start3A_156 = tpu.memref_slice %arg6[%mul3A_151] : memref<4194304xi32, #tpu.memory_space<hbm>> -> memref<2048xi32, #tpu.memory_space<hbm>>
          tpu.enqueue_dma source(%dma_start3A_156 : memref<2048xi32, #tpu.memory_space<hbm>>) target(%dma_start3A_155 : memref<2048xi32, #tpu.memory_space<vmem>>) target_semaphore(%arg28 : memref<!tpu.dma_semaphore, #tpu.memory_space<semaphore_mem>>)
          %dma_start3A_157 = tpu.memref_slice %arg5[%mul3A_151] : memref<4194304xf32, #tpu.memory_space<hbm>> -> memref<2048xf32, #tpu.memory_space<hbm>>
          %dma_start3A_158 = tpu.memref_slice %arg5[%mul3A_151] : memref<4194304xf32, #tpu.memory_space<hbm>> -> memref<2048xf32, #tpu.memory_space<hbm>>
          tpu.enqueue_dma source(%dma_start3A_158 : memref<2048xf32, #tpu.memory_space<hbm>>) target(%arg16 : memref<2048xf32, #tpu.memory_space<vmem>>) target_semaphore(%arg28 : memref<!tpu.dma_semaphore, #tpu.memory_space<semaphore_mem>>)
          %dma_start3A_159 = tpu.memref_slice %arg2[%mul3A_151] : memref<4194304xf32, #tpu.memory_space<hbm>> -> memref<2048xf32, #tpu.memory_space<hbm>>
          %dma_start3A_160 = tpu.memref_slice %arg2[%mul3A_151] : memref<4194304xf32, #tpu.memory_space<hbm>> -> memref<2048xf32, #tpu.memory_space<hbm>>
          tpu.enqueue_dma source(%dma_start3A_160 : memref<2048xf32, #tpu.memory_space<hbm>>) target(%arg17 : memref<2048xf32, #tpu.memory_space<vmem>>) target_semaphore(%arg28 : memref<!tpu.dma_semaphore, #tpu.memory_space<semaphore_mem>>)
          %dma_start3A_161 = tpu.memref_slice %arg3[%mul3A_151] : memref<4194304xf32, #tpu.memory_space<hbm>> -> memref<2048xf32, #tpu.memory_space<hbm>>
          %dma_start3A_162 = tpu.memref_slice %arg3[%mul3A_151] : memref<4194304xf32, #tpu.memory_space<hbm>> -> memref<2048xf32, #tpu.memory_space<hbm>>
          tpu.enqueue_dma source(%dma_start3A_162 : memref<2048xf32, #tpu.memory_space<hbm>>) target(%arg18 : memref<2048xf32, #tpu.memory_space<vmem>>) target_semaphore(%arg28 : memref<!tpu.dma_semaphore, #tpu.memory_space<semaphore_mem>>)
          %dma_start3A_163 = tpu.memref_slice %arg4[%mul3A_151] : memref<4194304xf32, #tpu.memory_space<hbm>> -> memref<2048xf32, #tpu.memory_space<hbm>>
          %dma_start3A_164 = tpu.memref_slice %arg4[%mul3A_151] : memref<4194304xf32, #tpu.memory_space<hbm>> -> memref<2048xf32, #tpu.memory_space<hbm>>
          tpu.enqueue_dma source(%dma_start3A_164 : memref<2048xf32, #tpu.memory_space<hbm>>) target(%arg19 : memref<2048xf32, #tpu.memory_space<vmem>>) target_semaphore(%arg28 : memref<!tpu.dma_semaphore, #tpu.memory_space<semaphore_mem>>)
        } else {
        }
        %scan3A_143 = arith.constant 0 : i32
        %scan3A_144 = arith.constant 0 : i32
        %scan3A_145 = arith.constant 16 : i32
        %scan3A_146 = arith.addi %scan3A_144, %scan3A_145 : i32
        %scan3A_147 = arith.constant 1 : i32
        %scan3A_148 = scf.for %scan3A_150 = %scan3A_144 to %scan3A_146 step %scan3A_147 iter_args(%scan3A_151 = %scan3A_143) -> (i32)  : i32 {
          %mul3A_152 = arith.constant 128 : i32
          %mul3A_153 = arith.muli %scan3A_150, %mul3A_152 : i32
          %add3A_154 = arith.constant 0 : i32
          %add3A_155 = arith.addi %mul3A_153, %add3A_154 : i32
          %get3A_156 = arith.index_cast %add3A_155 : i32 to index
          %get3A_157 = tpu.vector_load %arg10[%get3A_156] {strides = array<i32>} : memref<2064xi32, #tpu.memory_space<vmem>>, vector<16xi32>,
          %add3A_158 = arith.constant 1 : i32
          %add3A_159 = arith.addi %add3A_155, %add3A_158 : i32
          %get3A_160 = arith.index_cast %add3A_159 : i32 to index
          %get3A_161 = tpu.vector_load %arg10[%get3A_160] {strides = array<i32>} : memref<2064xi32, #tpu.memory_space<vmem>>, vector<16xi32>,
          %get3A_162 = arith.index_cast %add3A_155 : i32 to index
          %get3A_163 = tpu.vector_load %arg11[%get3A_162] {strides = array<i32>} : memref<2048xf32, #tpu.memory_space<vmem>>, vector<16xf32>,
          %ne3A_164 = arith.cmpi ne, %get3A_157, %get3A_161 : vector<16xi32>
          %sub3A_165 = vector.broadcast %mul3A_2 : i32 to vector<16xi32>
          %sub3A_166 = arith.subi %get3A_157, %sub3A_165 : vector<16xi32>
          %sub3A_167 = vector.broadcast %mul3A_2 : i32 to vector<16xi32>
          %sub3A_168 = arith.subi %get3A_161, %sub3A_167 : vector<16xi32>
          %bitcast3A = vector.bitcast %sub3A_166 : vector<16xi32> to vector<16xi32>
          %lt3A_169 = arith.constant 2048 : i32
          %lt3A_170 = vector.broadcast %lt3A_169 : i32 to vector<16xi32>
          %lt3A_171 = arith.cmpi ult, %bitcast3A, %lt3A_170 : vector<16xi32>
          %bitcast3A_172 = vector.bitcast %sub3A_168 : vector<16xi32> to vector<16xi32>
          %lt3A_173 = arith.constant 2048 : i32
          %lt3A_174 = vector.broadcast %lt3A_173 : i32 to vector<16xi32>
          %lt3A_175 = arith.cmpi ult, %bitcast3A_172, %lt3A_174 : vector<16xi32>
          %or3A = arith.ori %ne3A_164, %eq3A_66 : vector<16xi1>
          %and3A_176 = arith.andi %or3A, %lt3A_171 : vector<16xi1>
          %and3A_177 = arith.andi %ne3A_164, %lt3A_68 : vector<16xi1>
          %and3A_178 = arith.andi %and3A_177, %lt3A_175 : vector<16xi1>
          %get3A_179 = arith.index_cast %add3A_155 : i32 to index
          %get3A_180 = tpu.vector_load %arg12[%get3A_179] {strides = array<i32>} : memref<2048xf32, #tpu.memory_space<vmem>>, vector<16xf32>,
          %mul3A_181 = arith.mulf %get3A_163, %get3A_180 : vector<16xf32>
          %get3A_182 = arith.index_cast %add3A_155 : i32 to index
          %get3A_183 = tpu.vector_load %arg13[%get3A_182] {strides = array<i32>} : memref<2048xf32, #tpu.memory_space<vmem>>, vector<16xf32>,
          %mul3A_184 = arith.mulf %get3A_163, %get3A_183 : vector<16xf32>
          %get3A_185 = arith.index_cast %add3A_155 : i32 to index
          %get3A_186 = tpu.vector_load %arg14[%get3A_185] {strides = array<i32>} : memref<2048xf32, #tpu.memory_space<vmem>>, vector<16xf32>,
          %mul3A_187 = arith.mulf %get3A_163, %get3A_186 : vector<16xf32>
          %broadcast_in_dim3A_188 = arith.constant true
          %broadcast_in_dim3A_189 = vector.broadcast %broadcast_in_dim3A_188 : i1 to vector<16xi1>
          %masked_cumsum3A = tpu.scan <sum>, %mul3A_181 masked %broadcast_in_dim3A_189 : vector<16xf32>, vector<16xi1> -> vector<16xf32>
          %broadcast_in_dim3A_190 = arith.constant true
          %broadcast_in_dim3A_191 = vector.broadcast %broadcast_in_dim3A_190 : i1 to vector<16xi1>
          %masked_cumsum3A_192 = tpu.scan <sum>, %mul3A_184 masked %broadcast_in_dim3A_191 : vector<16xf32>, vector<16xi1> -> vector<16xf32>
          %broadcast_in_dim3A_193 = arith.constant true
          %broadcast_in_dim3A_194 = vector.broadcast %broadcast_in_dim3A_193 : i1 to vector<16xi1>
          %masked_cumsum3A_195 = tpu.scan <sum>, %mul3A_187 masked %broadcast_in_dim3A_194 : vector<16xf32>, vector<16xi1> -> vector<16xf32>
          %broadcast_in_dim3A_196 = arith.constant true
          %broadcast_in_dim3A_197 = vector.broadcast %broadcast_in_dim3A_196 : i1 to vector<16xi1>
          %masked_cumsum3A_198 = tpu.scan <sum>, %get3A_163 masked %broadcast_in_dim3A_197 : vector<16xf32>, vector<16xi1> -> vector<16xf32>
          tpu.vector_store_idx %arg20[%sub3A_166], %masked_cumsum3A masked %and3A_176 {add = true} : memref<2048xf32, #tpu.memory_space<vmem>>[vector<16xi32>], vector<16xf32>, vector<16xi1>
          %neg3A = arith.constant 0.000000e+00 : f32
          %neg3A_199 = vector.broadcast %neg3A : f32 to vector<16xf32>
          %neg3A_200 = arith.subf %neg3A_199, %masked_cumsum3A : vector<16xf32>
          tpu.vector_store_idx %arg20[%sub3A_168], %neg3A_200 masked %and3A_178 {add = true} : memref<2048xf32, #tpu.memory_space<vmem>>[vector<16xi32>], vector<16xf32>, vector<16xi1>
          tpu.vector_store_idx %arg21[%sub3A_166], %masked_cumsum3A_192 masked %and3A_176 {add = true} : memref<2048xf32, #tpu.memory_space<vmem>>[vector<16xi32>], vector<16xf32>, vector<16xi1>
          %neg3A_201 = arith.constant 0.000000e+00 : f32
          %neg3A_202 = vector.broadcast %neg3A_201 : f32 to vector<16xf32>
          %neg3A_203 = arith.subf %neg3A_202, %masked_cumsum3A_192 : vector<16xf32>
          tpu.vector_store_idx %arg21[%sub3A_168], %neg3A_203 masked %and3A_178 {add = true} : memref<2048xf32, #tpu.memory_space<vmem>>[vector<16xi32>], vector<16xf32>, vector<16xi1>
          tpu.vector_store_idx %arg22[%sub3A_166], %masked_cumsum3A_195 masked %and3A_176 {add = true} : memref<2048xf32, #tpu.memory_space<vmem>>[vector<16xi32>], vector<16xf32>, vector<16xi1>
          %neg3A_204 = arith.constant 0.000000e+00 : f32
          %neg3A_205 = vector.broadcast %neg3A_204 : f32 to vector<16xf32>
          %neg3A_206 = arith.subf %neg3A_205, %masked_cumsum3A_195 : vector<16xf32>
          tpu.vector_store_idx %arg22[%sub3A_168], %neg3A_206 masked %and3A_178 {add = true} : memref<2048xf32, #tpu.memory_space<vmem>>[vector<16xi32>], vector<16xf32>, vector<16xi1>
          tpu.vector_store_idx %arg23[%sub3A_166], %masked_cumsum3A_198 masked %and3A_176 {add = true} : memref<2048xf32, #tpu.memory_space<vmem>>[vector<16xi32>], vector<16xf32>, vector<16xi1>
          %neg3A_207 = arith.constant 0.000000e+00 : f32
          %neg3A_208 = vector.broadcast %neg3A_207 : f32 to vector<16xf32>
          %neg3A_209 = arith.subf %neg3A_208, %masked_cumsum3A_198 : vector<16xf32>
          tpu.vector_store_idx %arg23[%sub3A_168], %neg3A_209 masked %and3A_178 {add = true} : memref<2048xf32, #tpu.memory_space<vmem>>[vector<16xi32>], vector<16xf32>, vector<16xi1>
          %add3A_210 = arith.constant 16 : i32
          %add3A_211 = arith.addi %mul3A_153, %add3A_210 : i32
          %get3A_212 = arith.index_cast %add3A_211 : i32 to index
          %get3A_213 = tpu.vector_load %arg10[%get3A_212] {strides = array<i32>} : memref<2064xi32, #tpu.memory_space<vmem>>, vector<16xi32>,
          %add3A_214 = arith.constant 1 : i32
          %add3A_215 = arith.addi %add3A_211, %add3A_214 : i32
          %get3A_216 = arith.index_cast %add3A_215 : i32 to index
          %get3A_217 = tpu.vector_load %arg10[%get3A_216] {strides = array<i32>} : memref<2064xi32, #tpu.memory_space<vmem>>, vector<16xi32>,
          %get3A_218 = arith.index_cast %add3A_211 : i32 to index
          %get3A_219 = tpu.vector_load %arg11[%get3A_218] {strides = array<i32>} : memref<2048xf32, #tpu.memory_space<vmem>>, vector<16xf32>,
          %ne3A_220 = arith.cmpi ne, %get3A_213, %get3A_217 : vector<16xi32>
          %sub3A_221 = vector.broadcast %mul3A_2 : i32 to vector<16xi32>
          %sub3A_222 = arith.subi %get3A_213, %sub3A_221 : vector<16xi32>
          %sub3A_223 = vector.broadcast %mul3A_2 : i32 to vector<16xi32>
          %sub3A_224 = arith.subi %get3A_217, %sub3A_223 : vector<16xi32>
          %bitcast3A_225 = vector.bitcast %sub3A_222 : vector<16xi32> to vector<16xi32>
          %lt3A_226 = arith.constant 2048 : i32
          %lt3A_227 = vector.broadcast %lt3A_226 : i32 to vector<16xi32>
          %lt3A_228 = arith.cmpi ult, %bitcast3A_225, %lt3A_227 : vector<16xi32>
          %bitcast3A_229 = vector.bitcast %sub3A_224 : vector<16xi32> to vector<16xi32>
          %lt3A_230 = arith.constant 2048 : i32
          %lt3A_231 = vector.broadcast %lt3A_230 : i32 to vector<16xi32>
          %lt3A_232 = arith.cmpi ult, %bitcast3A_229, %lt3A_231 : vector<16xi32>
          %or3A_233 = arith.ori %ne3A_220, %eq3A_66 : vector<16xi1>
          %and3A_234 = arith.andi %or3A_233, %lt3A_228 : vector<16xi1>
          %and3A_235 = arith.andi %ne3A_220, %lt3A_68 : vector<16xi1>
          %and3A_236 = arith.andi %and3A_235, %lt3A_232 : vector<16xi1>
          %get3A_237 = arith.index_cast %add3A_211 : i32 to index
          %get3A_238 = tpu.vector_load %arg12[%get3A_237] {strides = array<i32>} : memref<2048xf32, #tpu.memory_space<vmem>>, vector<16xf32>,
          %mul3A_239 = arith.mulf %get3A_219, %get3A_238 : vector<16xf32>
          %get3A_240 = arith.index_cast %add3A_211 : i32 to index
          %get3A_241 = tpu.vector_load %arg13[%get3A_240] {strides = array<i32>} : memref<2048xf32, #tpu.memory_space<vmem>>, vector<16xf32>,
          %mul3A_242 = arith.mulf %get3A_219, %get3A_241 : vector<16xf32>
          %get3A_243 = arith.index_cast %add3A_211 : i32 to index
          %get3A_244 = tpu.vector_load %arg14[%get3A_243] {strides = array<i32>} : memref<2048xf32, #tpu.memory_space<vmem>>, vector<16xf32>,
          %mul3A_245 = arith.mulf %get3A_219, %get3A_244 : vector<16xf32>
          %broadcast_in_dim3A_246 = arith.constant true
          %broadcast_in_dim3A_247 = vector.broadcast %broadcast_in_dim3A_246 : i1 to vector<16xi1>
          %masked_cumsum3A_248 = tpu.scan <sum>, %mul3A_239 masked %broadcast_in_dim3A_247 : vector<16xf32>, vector<16xi1> -> vector<16xf32>
          %broadcast_in_dim3A_249 = arith.constant true
          %broadcast_in_dim3A_250 = vector.broadcast %broadcast_in_dim3A_249 : i1 to vector<16xi1>
          %masked_cumsum3A_251 = tpu.scan <sum>, %mul3A_242 masked %broadcast_in_dim3A_250 : vector<16xf32>, vector<16xi1> -> vector<16xf32>
          %broadcast_in_dim3A_252 = arith.constant true
          %broadcast_in_dim3A_253 = vector.broadcast %broadcast_in_dim3A_252 : i1 to vector<16xi1>
          %masked_cumsum3A_254 = tpu.scan <sum>, %mul3A_245 masked %broadcast_in_dim3A_253 : vector<16xf32>, vector<16xi1> -> vector<16xf32>
          %broadcast_in_dim3A_255 = arith.constant true
          %broadcast_in_dim3A_256 = vector.broadcast %broadcast_in_dim3A_255 : i1 to vector<16xi1>
          %masked_cumsum3A_257 = tpu.scan <sum>, %get3A_219 masked %broadcast_in_dim3A_256 : vector<16xf32>, vector<16xi1> -> vector<16xf32>
          tpu.vector_store_idx %arg20[%sub3A_222], %masked_cumsum3A_248 masked %and3A_234 {add = true} : memref<2048xf32, #tpu.memory_space<vmem>>[vector<16xi32>], vector<16xf32>, vector<16xi1>
          %neg3A_258 = arith.constant 0.000000e+00 : f32
          %neg3A_259 = vector.broadcast %neg3A_258 : f32 to vector<16xf32>
          %neg3A_260 = arith.subf %neg3A_259, %masked_cumsum3A_248 : vector<16xf32>
          tpu.vector_store_idx %arg20[%sub3A_224], %neg3A_260 masked %and3A_236 {add = true} : memref<2048xf32, #tpu.memory_space<vmem>>[vector<16xi32>], vector<16xf32>, vector<16xi1>
          tpu.vector_store_idx %arg21[%sub3A_222], %masked_cumsum3A_251 masked %and3A_234 {add = true} : memref<2048xf32, #tpu.memory_space<vmem>>[vector<16xi32>], vector<16xf32>, vector<16xi1>
          %neg3A_261 = arith.constant 0.000000e+00 : f32
          %neg3A_262 = vector.broadcast %neg3A_261 : f32 to vector<16xf32>
          %neg3A_263 = arith.subf %neg3A_262, %masked_cumsum3A_251 : vector<16xf32>
          tpu.vector_store_idx %arg21[%sub3A_224], %neg3A_263 masked %and3A_236 {add = true} : memref<2048xf32, #tpu.memory_space<vmem>>[vector<16xi32>], vector<16xf32>, vector<16xi1>
          tpu.vector_store_idx %arg22[%sub3A_222], %masked_cumsum3A_254 masked %and3A_234 {add = true} : memref<2048xf32, #tpu.memory_space<vmem>>[vector<16xi32>], vector<16xf32>, vector<16xi1>
          %neg3A_264 = arith.constant 0.000000e+00 : f32
          %neg3A_265 = vector.broadcast %neg3A_264 : f32 to vector<16xf32>
          %neg3A_266 = arith.subf %neg3A_265, %masked_cumsum3A_254 : vector<16xf32>
          tpu.vector_store_idx %arg22[%sub3A_224], %neg3A_266 masked %and3A_236 {add = true} : memref<2048xf32, #tpu.memory_space<vmem>>[vector<16xi32>], vector<16xf32>, vector<16xi1>
          tpu.vector_store_idx %arg23[%sub3A_222], %masked_cumsum3A_257 masked %and3A_234 {add = true} : memref<2048xf32, #tpu.memory_space<vmem>>[vector<16xi32>], vector<16xf32>, vector<16xi1>
          %neg3A_267 = arith.constant 0.000000e+00 : f32
          %neg3A_268 = vector.broadcast %neg3A_267 : f32 to vector<16xf32>
          %neg3A_269 = arith.subf %neg3A_268, %masked_cumsum3A_257 : vector<16xf32>
          tpu.vector_store_idx %arg23[%sub3A_224], %neg3A_269 masked %and3A_236 {add = true} : memref<2048xf32, #tpu.memory_space<vmem>>[vector<16xi32>], vector<16xf32>, vector<16xi1>
          %add3A_270 = arith.constant 32 : i32
          %add3A_271 = arith.addi %mul3A_153, %add3A_270 : i32
          %get3A_272 = arith.index_cast %add3A_271 : i32 to index
          %get3A_273 = tpu.vector_load %arg10[%get3A_272] {strides = array<i32>} : memref<2064xi32, #tpu.memory_space<vmem>>, vector<16xi32>,
          %add3A_274 = arith.constant 1 : i32
          %add3A_275 = arith.addi %add3A_271, %add3A_274 : i32
          %get3A_276 = arith.index_cast %add3A_275 : i32 to index
          %get3A_277 = tpu.vector_load %arg10[%get3A_276] {strides = array<i32>} : memref<2064xi32, #tpu.memory_space<vmem>>, vector<16xi32>,
          %get3A_278 = arith.index_cast %add3A_271 : i32 to index
          %get3A_279 = tpu.vector_load %arg11[%get3A_278] {strides = array<i32>} : memref<2048xf32, #tpu.memory_space<vmem>>, vector<16xf32>,
          %ne3A_280 = arith.cmpi ne, %get3A_273, %get3A_277 : vector<16xi32>
          %sub3A_281 = vector.broadcast %mul3A_2 : i32 to vector<16xi32>
          %sub3A_282 = arith.subi %get3A_273, %sub3A_281 : vector<16xi32>
          %sub3A_283 = vector.broadcast %mul3A_2 : i32 to vector<16xi32>
          %sub3A_284 = arith.subi %get3A_277, %sub3A_283 : vector<16xi32>
          %bitcast3A_285 = vector.bitcast %sub3A_282 : vector<16xi32> to vector<16xi32>
          %lt3A_286 = arith.constant 2048 : i32
          %lt3A_287 = vector.broadcast %lt3A_286 : i32 to vector<16xi32>
          %lt3A_288 = arith.cmpi ult, %bitcast3A_285, %lt3A_287 : vector<16xi32>
          %bitcast3A_289 = vector.bitcast %sub3A_284 : vector<16xi32> to vector<16xi32>
          %lt3A_290 = arith.constant 2048 : i32
          %lt3A_291 = vector.broadcast %lt3A_290 : i32 to vector<16xi32>
          %lt3A_292 = arith.cmpi ult, %bitcast3A_289, %lt3A_291 : vector<16xi32>
          %or3A_293 = arith.ori %ne3A_280, %eq3A_66 : vector<16xi1>
          %and3A_294 = arith.andi %or3A_293, %lt3A_288 : vector<16xi1>
          %and3A_295 = arith.andi %ne3A_280, %lt3A_68 : vector<16xi1>
          %and3A_296 = arith.andi %and3A_295, %lt3A_292 : vector<16xi1>
          %get3A_297 = arith.index_cast %add3A_271 : i32 to index
          %get3A_298 = tpu.vector_load %arg12[%get3A_297] {strides = array<i32>} : memref<2048xf32, #tpu.memory_space<vmem>>, vector<16xf32>,
          %mul3A_299 = arith.mulf %get3A_279, %get3A_298 : vector<16xf32>
          %get3A_300 = arith.index_cast %add3A_271 : i32 to index
          %get3A_301 = tpu.vector_load %arg13[%get3A_300] {strides = array<i32>} : memref<2048xf32, #tpu.memory_space<vmem>>, vector<16xf32>,
          %mul3A_302 = arith.mulf %get3A_279, %get3A_301 : vector<16xf32>
          %get3A_303 = arith.index_cast %add3A_271 : i32 to index
          %get3A_304 = tpu.vector_load %arg14[%get3A_303] {strides = array<i32>} : memref<2048xf32, #tpu.memory_space<vmem>>, vector<16xf32>,
          %mul3A_305 = arith.mulf %get3A_279, %get3A_304 : vector<16xf32>
          %broadcast_in_dim3A_306 = arith.constant true
          %broadcast_in_dim3A_307 = vector.broadcast %broadcast_in_dim3A_306 : i1 to vector<16xi1>
          %masked_cumsum3A_308 = tpu.scan <sum>, %mul3A_299 masked %broadcast_in_dim3A_307 : vector<16xf32>, vector<16xi1> -> vector<16xf32>
          %broadcast_in_dim3A_309 = arith.constant true
          %broadcast_in_dim3A_310 = vector.broadcast %broadcast_in_dim3A_309 : i1 to vector<16xi1>
          %masked_cumsum3A_311 = tpu.scan <sum>, %mul3A_302 masked %broadcast_in_dim3A_310 : vector<16xf32>, vector<16xi1> -> vector<16xf32>
          %broadcast_in_dim3A_312 = arith.constant true
          %broadcast_in_dim3A_313 = vector.broadcast %broadcast_in_dim3A_312 : i1 to vector<16xi1>
          %masked_cumsum3A_314 = tpu.scan <sum>, %mul3A_305 masked %broadcast_in_dim3A_313 : vector<16xf32>, vector<16xi1> -> vector<16xf32>
          %broadcast_in_dim3A_315 = arith.constant true
          %broadcast_in_dim3A_316 = vector.broadcast %broadcast_in_dim3A_315 : i1 to vector<16xi1>
          %masked_cumsum3A_317 = tpu.scan <sum>, %get3A_279 masked %broadcast_in_dim3A_316 : vector<16xf32>, vector<16xi1> -> vector<16xf32>
          tpu.vector_store_idx %arg20[%sub3A_282], %masked_cumsum3A_308 masked %and3A_294 {add = true} : memref<2048xf32, #tpu.memory_space<vmem>>[vector<16xi32>], vector<16xf32>, vector<16xi1>
          %neg3A_318 = arith.constant 0.000000e+00 : f32
          %neg3A_319 = vector.broadcast %neg3A_318 : f32 to vector<16xf32>
          %neg3A_320 = arith.subf %neg3A_319, %masked_cumsum3A_308 : vector<16xf32>
          tpu.vector_store_idx %arg20[%sub3A_284], %neg3A_320 masked %and3A_296 {add = true} : memref<2048xf32, #tpu.memory_space<vmem>>[vector<16xi32>], vector<16xf32>, vector<16xi1>
          tpu.vector_store_idx %arg21[%sub3A_282], %masked_cumsum3A_311 masked %and3A_294 {add = true} : memref<2048xf32, #tpu.memory_space<vmem>>[vector<16xi32>], vector<16xf32>, vector<16xi1>
          %neg3A_321 = arith.constant 0.000000e+00 : f32
          %neg3A_322 = vector.broadcast %neg3A_321 : f32 to vector<16xf32>
          %neg3A_323 = arith.subf %neg3A_322, %masked_cumsum3A_311 : vector<16xf32>
          tpu.vector_store_idx %arg21[%sub3A_284], %neg3A_323 masked %and3A_296 {add = true} : memref<2048xf32, #tpu.memory_space<vmem>>[vector<16xi32>], vector<16xf32>, vector<16xi1>
          tpu.vector_store_idx %arg22[%sub3A_282], %masked_cumsum3A_314 masked %and3A_294 {add = true} : memref<2048xf32, #tpu.memory_space<vmem>>[vector<16xi32>], vector<16xf32>, vector<16xi1>
          %neg3A_324 = arith.constant 0.000000e+00 : f32
          %neg3A_325 = vector.broadcast %neg3A_324 : f32 to vector<16xf32>
          %neg3A_326 = arith.subf %neg3A_325, %masked_cumsum3A_314 : vector<16xf32>
          tpu.vector_store_idx %arg22[%sub3A_284], %neg3A_326 masked %and3A_296 {add = true} : memref<2048xf32, #tpu.memory_space<vmem>>[vector<16xi32>], vector<16xf32>, vector<16xi1>
          tpu.vector_store_idx %arg23[%sub3A_282], %masked_cumsum3A_317 masked %and3A_294 {add = true} : memref<2048xf32, #tpu.memory_space<vmem>>[vector<16xi32>], vector<16xf32>, vector<16xi1>
          %neg3A_327 = arith.constant 0.000000e+00 : f32
          %neg3A_328 = vector.broadcast %neg3A_327 : f32 to vector<16xf32>
          %neg3A_329 = arith.subf %neg3A_328, %masked_cumsum3A_317 : vector<16xf32>
          tpu.vector_store_idx %arg23[%sub3A_284], %neg3A_329 masked %and3A_296 {add = true} : memref<2048xf32, #tpu.memory_space<vmem>>[vector<16xi32>], vector<16xf32>, vector<16xi1>
          %add3A_330 = arith.constant 48 : i32
          %add3A_331 = arith.addi %mul3A_153, %add3A_330 : i32
          %get3A_332 = arith.index_cast %add3A_331 : i32 to index
          %get3A_333 = tpu.vector_load %arg10[%get3A_332] {strides = array<i32>} : memref<2064xi32, #tpu.memory_space<vmem>>, vector<16xi32>,
          %add3A_334 = arith.constant 1 : i32
          %add3A_335 = arith.addi %add3A_331, %add3A_334 : i32
          %get3A_336 = arith.index_cast %add3A_335 : i32 to index
          %get3A_337 = tpu.vector_load %arg10[%get3A_336] {strides = array<i32>} : memref<2064xi32, #tpu.memory_space<vmem>>, vector<16xi32>,
          %get3A_338 = arith.index_cast %add3A_331 : i32 to index
          %get3A_339 = tpu.vector_load %arg11[%get3A_338] {strides = array<i32>} : memref<2048xf32, #tpu.memory_space<vmem>>, vector<16xf32>,
          %ne3A_340 = arith.cmpi ne, %get3A_333, %get3A_337 : vector<16xi32>
          %sub3A_341 = vector.broadcast %mul3A_2 : i32 to vector<16xi32>
          %sub3A_342 = arith.subi %get3A_333, %sub3A_341 : vector<16xi32>
          %sub3A_343 = vector.broadcast %mul3A_2 : i32 to vector<16xi32>
          %sub3A_344 = arith.subi %get3A_337, %sub3A_343 : vector<16xi32>
          %bitcast3A_345 = vector.bitcast %sub3A_342 : vector<16xi32> to vector<16xi32>
          %lt3A_346 = arith.constant 2048 : i32
          %lt3A_347 = vector.broadcast %lt3A_346 : i32 to vector<16xi32>
          %lt3A_348 = arith.cmpi ult, %bitcast3A_345, %lt3A_347 : vector<16xi32>
          %bitcast3A_349 = vector.bitcast %sub3A_344 : vector<16xi32> to vector<16xi32>
          %lt3A_350 = arith.constant 2048 : i32
          %lt3A_351 = vector.broadcast %lt3A_350 : i32 to vector<16xi32>
          %lt3A_352 = arith.cmpi ult, %bitcast3A_349, %lt3A_351 : vector<16xi32>
          %or3A_353 = arith.ori %ne3A_340, %eq3A_66 : vector<16xi1>
          %and3A_354 = arith.andi %or3A_353, %lt3A_348 : vector<16xi1>
          %and3A_355 = arith.andi %ne3A_340, %lt3A_68 : vector<16xi1>
          %and3A_356 = arith.andi %and3A_355, %lt3A_352 : vector<16xi1>
          %get3A_357 = arith.index_cast %add3A_331 : i32 to index
          %get3A_358 = tpu.vector_load %arg12[%get3A_357] {strides = array<i32>} : memref<2048xf32, #tpu.memory_space<vmem>>, vector<16xf32>,
          %mul3A_359 = arith.mulf %get3A_339, %get3A_358 : vector<16xf32>
          %get3A_360 = arith.index_cast %add3A_331 : i32 to index
          %get3A_361 = tpu.vector_load %arg13[%get3A_360] {strides = array<i32>} : memref<2048xf32, #tpu.memory_space<vmem>>, vector<16xf32>,
          %mul3A_362 = arith.mulf %get3A_339, %get3A_361 : vector<16xf32>
          %get3A_363 = arith.index_cast %add3A_331 : i32 to index
          %get3A_364 = tpu.vector_load %arg14[%get3A_363] {strides = array<i32>} : memref<2048xf32, #tpu.memory_space<vmem>>, vector<16xf32>,
          %mul3A_365 = arith.mulf %get3A_339, %get3A_364 : vector<16xf32>
          %broadcast_in_dim3A_366 = arith.constant true
          %broadcast_in_dim3A_367 = vector.broadcast %broadcast_in_dim3A_366 : i1 to vector<16xi1>
          %masked_cumsum3A_368 = tpu.scan <sum>, %mul3A_359 masked %broadcast_in_dim3A_367 : vector<16xf32>, vector<16xi1> -> vector<16xf32>
          %broadcast_in_dim3A_369 = arith.constant true
          %broadcast_in_dim3A_370 = vector.broadcast %broadcast_in_dim3A_369 : i1 to vector<16xi1>
          %masked_cumsum3A_371 = tpu.scan <sum>, %mul3A_362 masked %broadcast_in_dim3A_370 : vector<16xf32>, vector<16xi1> -> vector<16xf32>
          %broadcast_in_dim3A_372 = arith.constant true
          %broadcast_in_dim3A_373 = vector.broadcast %broadcast_in_dim3A_372 : i1 to vector<16xi1>
          %masked_cumsum3A_374 = tpu.scan <sum>, %mul3A_365 masked %broadcast_in_dim3A_373 : vector<16xf32>, vector<16xi1> -> vector<16xf32>
          %broadcast_in_dim3A_375 = arith.constant true
          %broadcast_in_dim3A_376 = vector.broadcast %broadcast_in_dim3A_375 : i1 to vector<16xi1>
          %masked_cumsum3A_377 = tpu.scan <sum>, %get3A_339 masked %broadcast_in_dim3A_376 : vector<16xf32>, vector<16xi1> -> vector<16xf32>
          tpu.vector_store_idx %arg20[%sub3A_342], %masked_cumsum3A_368 masked %and3A_354 {add = true} : memref<2048xf32, #tpu.memory_space<vmem>>[vector<16xi32>], vector<16xf32>, vector<16xi1>
          %neg3A_378 = arith.constant 0.000000e+00 : f32
          %neg3A_379 = vector.broadcast %neg3A_378 : f32 to vector<16xf32>
          %neg3A_380 = arith.subf %neg3A_379, %masked_cumsum3A_368 : vector<16xf32>
          tpu.vector_store_idx %arg20[%sub3A_344], %neg3A_380 masked %and3A_356 {add = true} : memref<2048xf32, #tpu.memory_space<vmem>>[vector<16xi32>], vector<16xf32>, vector<16xi1>
          tpu.vector_store_idx %arg21[%sub3A_342], %masked_cumsum3A_371 masked %and3A_354 {add = true} : memref<2048xf32, #tpu.memory_space<vmem>>[vector<16xi32>], vector<16xf32>, vector<16xi1>
          %neg3A_381 = arith.constant 0.000000e+00 : f32
          %neg3A_382 = vector.broadcast %neg3A_381 : f32 to vector<16xf32>
          %neg3A_383 = arith.subf %neg3A_382, %masked_cumsum3A_371 : vector<16xf32>
          tpu.vector_store_idx %arg21[%sub3A_344], %neg3A_383 masked %and3A_356 {add = true} : memref<2048xf32, #tpu.memory_space<vmem>>[vector<16xi32>], vector<16xf32>, vector<16xi1>
          tpu.vector_store_idx %arg22[%sub3A_342], %masked_cumsum3A_374 masked %and3A_354 {add = true} : memref<2048xf32, #tpu.memory_space<vmem>>[vector<16xi32>], vector<16xf32>, vector<16xi1>
          %neg3A_384 = arith.constant 0.000000e+00 : f32
          %neg3A_385 = vector.broadcast %neg3A_384 : f32 to vector<16xf32>
          %neg3A_386 = arith.subf %neg3A_385, %masked_cumsum3A_374 : vector<16xf32>
          tpu.vector_store_idx %arg22[%sub3A_344], %neg3A_386 masked %and3A_356 {add = true} : memref<2048xf32, #tpu.memory_space<vmem>>[vector<16xi32>], vector<16xf32>, vector<16xi1>
          tpu.vector_store_idx %arg23[%sub3A_342], %masked_cumsum3A_377 masked %and3A_354 {add = true} : memref<2048xf32, #tpu.memory_space<vmem>>[vector<16xi32>], vector<16xf32>, vector<16xi1>
          %neg3A_387 = arith.constant 0.000000e+00 : f32
          %neg3A_388 = vector.broadcast %neg3A_387 : f32 to vector<16xf32>
          %neg3A_389 = arith.subf %neg3A_388, %masked_cumsum3A_377 : vector<16xf32>
          tpu.vector_store_idx %arg23[%sub3A_344], %neg3A_389 masked %and3A_356 {add = true} : memref<2048xf32, #tpu.memory_space<vmem>>[vector<16xi32>], vector<16xf32>, vector<16xi1>
          %add3A_390 = arith.constant 64 : i32
          %add3A_391 = arith.addi %mul3A_153, %add3A_390 : i32
          %get3A_392 = arith.index_cast %add3A_391 : i32 to index
          %get3A_393 = tpu.vector_load %arg10[%get3A_392] {strides = array<i32>} : memref<2064xi32, #tpu.memory_space<vmem>>, vector<16xi32>,
          %add3A_394 = arith.constant 1 : i32
          %add3A_395 = arith.addi %add3A_391, %add3A_394 : i32
          %get3A_396 = arith.index_cast %add3A_395 : i32 to index
          %get3A_397 = tpu.vector_load %arg10[%get3A_396] {strides = array<i32>} : memref<2064xi32, #tpu.memory_space<vmem>>, vector<16xi32>,
          %get3A_398 = arith.index_cast %add3A_391 : i32 to index
          %get3A_399 = tpu.vector_load %arg11[%get3A_398] {strides = array<i32>} : memref<2048xf32, #tpu.memory_space<vmem>>, vector<16xf32>,
          %ne3A_400 = arith.cmpi ne, %get3A_393, %get3A_397 : vector<16xi32>
          %sub3A_401 = vector.broadcast %mul3A_2 : i32 to vector<16xi32>
          %sub3A_402 = arith.subi %get3A_393, %sub3A_401 : vector<16xi32>
          %sub3A_403 = vector.broadcast %mul3A_2 : i32 to vector<16xi32>
          %sub3A_404 = arith.subi %get3A_397, %sub3A_403 : vector<16xi32>
          %bitcast3A_405 = vector.bitcast %sub3A_402 : vector<16xi32> to vector<16xi32>
          %lt3A_406 = arith.constant 2048 : i32
          %lt3A_407 = vector.broadcast %lt3A_406 : i32 to vector<16xi32>
          %lt3A_408 = arith.cmpi ult, %bitcast3A_405, %lt3A_407 : vector<16xi32>
          %bitcast3A_409 = vector.bitcast %sub3A_404 : vector<16xi32> to vector<16xi32>
          %lt3A_410 = arith.constant 2048 : i32
          %lt3A_411 = vector.broadcast %lt3A_410 : i32 to vector<16xi32>
          %lt3A_412 = arith.cmpi ult, %bitcast3A_409, %lt3A_411 : vector<16xi32>
          %or3A_413 = arith.ori %ne3A_400, %eq3A_66 : vector<16xi1>
          %and3A_414 = arith.andi %or3A_413, %lt3A_408 : vector<16xi1>
          %and3A_415 = arith.andi %ne3A_400, %lt3A_68 : vector<16xi1>
          %and3A_416 = arith.andi %and3A_415, %lt3A_412 : vector<16xi1>
          %get3A_417 = arith.index_cast %add3A_391 : i32 to index
          %get3A_418 = tpu.vector_load %arg12[%get3A_417] {strides = array<i32>} : memref<2048xf32, #tpu.memory_space<vmem>>, vector<16xf32>,
          %mul3A_419 = arith.mulf %get3A_399, %get3A_418 : vector<16xf32>
          %get3A_420 = arith.index_cast %add3A_391 : i32 to index
          %get3A_421 = tpu.vector_load %arg13[%get3A_420] {strides = array<i32>} : memref<2048xf32, #tpu.memory_space<vmem>>, vector<16xf32>,
          %mul3A_422 = arith.mulf %get3A_399, %get3A_421 : vector<16xf32>
          %get3A_423 = arith.index_cast %add3A_391 : i32 to index
          %get3A_424 = tpu.vector_load %arg14[%get3A_423] {strides = array<i32>} : memref<2048xf32, #tpu.memory_space<vmem>>, vector<16xf32>,
          %mul3A_425 = arith.mulf %get3A_399, %get3A_424 : vector<16xf32>
          %broadcast_in_dim3A_426 = arith.constant true
          %broadcast_in_dim3A_427 = vector.broadcast %broadcast_in_dim3A_426 : i1 to vector<16xi1>
          %masked_cumsum3A_428 = tpu.scan <sum>, %mul3A_419 masked %broadcast_in_dim3A_427 : vector<16xf32>, vector<16xi1> -> vector<16xf32>
          %broadcast_in_dim3A_429 = arith.constant true
          %broadcast_in_dim3A_430 = vector.broadcast %broadcast_in_dim3A_429 : i1 to vector<16xi1>
          %masked_cumsum3A_431 = tpu.scan <sum>, %mul3A_422 masked %broadcast_in_dim3A_430 : vector<16xf32>, vector<16xi1> -> vector<16xf32>
          %broadcast_in_dim3A_432 = arith.constant true
          %broadcast_in_dim3A_433 = vector.broadcast %broadcast_in_dim3A_432 : i1 to vector<16xi1>
          %masked_cumsum3A_434 = tpu.scan <sum>, %mul3A_425 masked %broadcast_in_dim3A_433 : vector<16xf32>, vector<16xi1> -> vector<16xf32>
          %broadcast_in_dim3A_435 = arith.constant true
          %broadcast_in_dim3A_436 = vector.broadcast %broadcast_in_dim3A_435 : i1 to vector<16xi1>
          %masked_cumsum3A_437 = tpu.scan <sum>, %get3A_399 masked %broadcast_in_dim3A_436 : vector<16xf32>, vector<16xi1> -> vector<16xf32>
          tpu.vector_store_idx %arg20[%sub3A_402], %masked_cumsum3A_428 masked %and3A_414 {add = true} : memref<2048xf32, #tpu.memory_space<vmem>>[vector<16xi32>], vector<16xf32>, vector<16xi1>
          %neg3A_438 = arith.constant 0.000000e+00 : f32
          %neg3A_439 = vector.broadcast %neg3A_438 : f32 to vector<16xf32>
          %neg3A_440 = arith.subf %neg3A_439, %masked_cumsum3A_428 : vector<16xf32>
          tpu.vector_store_idx %arg20[%sub3A_404], %neg3A_440 masked %and3A_416 {add = true} : memref<2048xf32, #tpu.memory_space<vmem>>[vector<16xi32>], vector<16xf32>, vector<16xi1>
          tpu.vector_store_idx %arg21[%sub3A_402], %masked_cumsum3A_431 masked %and3A_414 {add = true} : memref<2048xf32, #tpu.memory_space<vmem>>[vector<16xi32>], vector<16xf32>, vector<16xi1>
          %neg3A_441 = arith.constant 0.000000e+00 : f32
          %neg3A_442 = vector.broadcast %neg3A_441 : f32 to vector<16xf32>
          %neg3A_443 = arith.subf %neg3A_442, %masked_cumsum3A_431 : vector<16xf32>
          tpu.vector_store_idx %arg21[%sub3A_404], %neg3A_443 masked %and3A_416 {add = true} : memref<2048xf32, #tpu.memory_space<vmem>>[vector<16xi32>], vector<16xf32>, vector<16xi1>
          tpu.vector_store_idx %arg22[%sub3A_402], %masked_cumsum3A_434 masked %and3A_414 {add = true} : memref<2048xf32, #tpu.memory_space<vmem>>[vector<16xi32>], vector<16xf32>, vector<16xi1>
          %neg3A_444 = arith.constant 0.000000e+00 : f32
          %neg3A_445 = vector.broadcast %neg3A_444 : f32 to vector<16xf32>
          %neg3A_446 = arith.subf %neg3A_445, %masked_cumsum3A_434 : vector<16xf32>
          tpu.vector_store_idx %arg22[%sub3A_404], %neg3A_446 masked %and3A_416 {add = true} : memref<2048xf32, #tpu.memory_space<vmem>>[vector<16xi32>], vector<16xf32>, vector<16xi1>
          tpu.vector_store_idx %arg23[%sub3A_402], %masked_cumsum3A_437 masked %and3A_414 {add = true} : memref<2048xf32, #tpu.memory_space<vmem>>[vector<16xi32>], vector<16xf32>, vector<16xi1>
          %neg3A_447 = arith.constant 0.000000e+00 : f32
          %neg3A_448 = vector.broadcast %neg3A_447 : f32 to vector<16xf32>
          %neg3A_449 = arith.subf %neg3A_448, %masked_cumsum3A_437 : vector<16xf32>
          tpu.vector_store_idx %arg23[%sub3A_404], %neg3A_449 masked %and3A_416 {add = true} : memref<2048xf32, #tpu.memory_space<vmem>>[vector<16xi32>], vector<16xf32>, vector<16xi1>
          %add3A_450 = arith.constant 80 : i32
          %add3A_451 = arith.addi %mul3A_153, %add3A_450 : i32
          %get3A_452 = arith.index_cast %add3A_451 : i32 to index
          %get3A_453 = tpu.vector_load %arg10[%get3A_452] {strides = array<i32>} : memref<2064xi32, #tpu.memory_space<vmem>>, vector<16xi32>,
          %add3A_454 = arith.constant 1 : i32
          %add3A_455 = arith.addi %add3A_451, %add3A_454 : i32
          %get3A_456 = arith.index_cast %add3A_455 : i32 to index
          %get3A_457 = tpu.vector_load %arg10[%get3A_456] {strides = array<i32>} : memref<2064xi32, #tpu.memory_space<vmem>>, vector<16xi32>,
          %get3A_458 = arith.index_cast %add3A_451 : i32 to index
          %get3A_459 = tpu.vector_load %arg11[%get3A_458] {strides = array<i32>} : memref<2048xf32, #tpu.memory_space<vmem>>, vector<16xf32>,
          %ne3A_460 = arith.cmpi ne, %get3A_453, %get3A_457 : vector<16xi32>
          %sub3A_461 = vector.broadcast %mul3A_2 : i32 to vector<16xi32>
          %sub3A_462 = arith.subi %get3A_453, %sub3A_461 : vector<16xi32>
          %sub3A_463 = vector.broadcast %mul3A_2 : i32 to vector<16xi32>
          %sub3A_464 = arith.subi %get3A_457, %sub3A_463 : vector<16xi32>
          %bitcast3A_465 = vector.bitcast %sub3A_462 : vector<16xi32> to vector<16xi32>
          %lt3A_466 = arith.constant 2048 : i32
          %lt3A_467 = vector.broadcast %lt3A_466 : i32 to vector<16xi32>
          %lt3A_468 = arith.cmpi ult, %bitcast3A_465, %lt3A_467 : vector<16xi32>
          %bitcast3A_469 = vector.bitcast %sub3A_464 : vector<16xi32> to vector<16xi32>
          %lt3A_470 = arith.constant 2048 : i32
          %lt3A_471 = vector.broadcast %lt3A_470 : i32 to vector<16xi32>
          %lt3A_472 = arith.cmpi ult, %bitcast3A_469, %lt3A_471 : vector<16xi32>
          %or3A_473 = arith.ori %ne3A_460, %eq3A_66 : vector<16xi1>
          %and3A_474 = arith.andi %or3A_473, %lt3A_468 : vector<16xi1>
          %and3A_475 = arith.andi %ne3A_460, %lt3A_68 : vector<16xi1>
          %and3A_476 = arith.andi %and3A_475, %lt3A_472 : vector<16xi1>
          %get3A_477 = arith.index_cast %add3A_451 : i32 to index
          %get3A_478 = tpu.vector_load %arg12[%get3A_477] {strides = array<i32>} : memref<2048xf32, #tpu.memory_space<vmem>>, vector<16xf32>,
          %mul3A_479 = arith.mulf %get3A_459, %get3A_478 : vector<16xf32>
          %get3A_480 = arith.index_cast %add3A_451 : i32 to index
          %get3A_481 = tpu.vector_load %arg13[%get3A_480] {strides = array<i32>} : memref<2048xf32, #tpu.memory_space<vmem>>, vector<16xf32>,
          %mul3A_482 = arith.mulf %get3A_459, %get3A_481 : vector<16xf32>
          %get3A_483 = arith.index_cast %add3A_451 : i32 to index
          %get3A_484 = tpu.vector_load %arg14[%get3A_483] {strides = array<i32>} : memref<2048xf32, #tpu.memory_space<vmem>>, vector<16xf32>,
          %mul3A_485 = arith.mulf %get3A_459, %get3A_484 : vector<16xf32>
          %broadcast_in_dim3A_486 = arith.constant true
          %broadcast_in_dim3A_487 = vector.broadcast %broadcast_in_dim3A_486 : i1 to vector<16xi1>
          %masked_cumsum3A_488 = tpu.scan <sum>, %mul3A_479 masked %broadcast_in_dim3A_487 : vector<16xf32>, vector<16xi1> -> vector<16xf32>
          %broadcast_in_dim3A_489 = arith.constant true
          %broadcast_in_dim3A_490 = vector.broadcast %broadcast_in_dim3A_489 : i1 to vector<16xi1>
          %masked_cumsum3A_491 = tpu.scan <sum>, %mul3A_482 masked %broadcast_in_dim3A_490 : vector<16xf32>, vector<16xi1> -> vector<16xf32>
          %broadcast_in_dim3A_492 = arith.constant true
          %broadcast_in_dim3A_493 = vector.broadcast %broadcast_in_dim3A_492 : i1 to vector<16xi1>
          %masked_cumsum3A_494 = tpu.scan <sum>, %mul3A_485 masked %broadcast_in_dim3A_493 : vector<16xf32>, vector<16xi1> -> vector<16xf32>
          %broadcast_in_dim3A_495 = arith.constant true
          %broadcast_in_dim3A_496 = vector.broadcast %broadcast_in_dim3A_495 : i1 to vector<16xi1>
          %masked_cumsum3A_497 = tpu.scan <sum>, %get3A_459 masked %broadcast_in_dim3A_496 : vector<16xf32>, vector<16xi1> -> vector<16xf32>
          tpu.vector_store_idx %arg20[%sub3A_462], %masked_cumsum3A_488 masked %and3A_474 {add = true} : memref<2048xf32, #tpu.memory_space<vmem>>[vector<16xi32>], vector<16xf32>, vector<16xi1>
          %neg3A_498 = arith.constant 0.000000e+00 : f32
          %neg3A_499 = vector.broadcast %neg3A_498 : f32 to vector<16xf32>
          %neg3A_500 = arith.subf %neg3A_499, %masked_cumsum3A_488 : vector<16xf32>
          tpu.vector_store_idx %arg20[%sub3A_464], %neg3A_500 masked %and3A_476 {add = true} : memref<2048xf32, #tpu.memory_space<vmem>>[vector<16xi32>], vector<16xf32>, vector<16xi1>
          tpu.vector_store_idx %arg21[%sub3A_462], %masked_cumsum3A_491 masked %and3A_474 {add = true} : memref<2048xf32, #tpu.memory_space<vmem>>[vector<16xi32>], vector<16xf32>, vector<16xi1>
          %neg3A_501 = arith.constant 0.000000e+00 : f32
          %neg3A_502 = vector.broadcast %neg3A_501 : f32 to vector<16xf32>
          %neg3A_503 = arith.subf %neg3A_502, %masked_cumsum3A_491 : vector<16xf32>
          tpu.vector_store_idx %arg21[%sub3A_464], %neg3A_503 masked %and3A_476 {add = true} : memref<2048xf32, #tpu.memory_space<vmem>>[vector<16xi32>], vector<16xf32>, vector<16xi1>
          tpu.vector_store_idx %arg22[%sub3A_462], %masked_cumsum3A_494 masked %and3A_474 {add = true} : memref<2048xf32, #tpu.memory_space<vmem>>[vector<16xi32>], vector<16xf32>, vector<16xi1>
          %neg3A_504 = arith.constant 0.000000e+00 : f32
          %neg3A_505 = vector.broadcast %neg3A_504 : f32 to vector<16xf32>
          %neg3A_506 = arith.subf %neg3A_505, %masked_cumsum3A_494 : vector<16xf32>
          tpu.vector_store_idx %arg22[%sub3A_464], %neg3A_506 masked %and3A_476 {add = true} : memref<2048xf32, #tpu.memory_space<vmem>>[vector<16xi32>], vector<16xf32>, vector<16xi1>
          tpu.vector_store_idx %arg23[%sub3A_462], %masked_cumsum3A_497 masked %and3A_474 {add = true} : memref<2048xf32, #tpu.memory_space<vmem>>[vector<16xi32>], vector<16xf32>, vector<16xi1>
          %neg3A_507 = arith.constant 0.000000e+00 : f32
          %neg3A_508 = vector.broadcast %neg3A_507 : f32 to vector<16xf32>
          %neg3A_509 = arith.subf %neg3A_508, %masked_cumsum3A_497 : vector<16xf32>
          tpu.vector_store_idx %arg23[%sub3A_464], %neg3A_509 masked %and3A_476 {add = true} : memref<2048xf32, #tpu.memory_space<vmem>>[vector<16xi32>], vector<16xf32>, vector<16xi1>
          %add3A_510 = arith.constant 96 : i32
          %add3A_511 = arith.addi %mul3A_153, %add3A_510 : i32
          %get3A_512 = arith.index_cast %add3A_511 : i32 to index
          %get3A_513 = tpu.vector_load %arg10[%get3A_512] {strides = array<i32>} : memref<2064xi32, #tpu.memory_space<vmem>>, vector<16xi32>,
          %add3A_514 = arith.constant 1 : i32
          %add3A_515 = arith.addi %add3A_511, %add3A_514 : i32
          %get3A_516 = arith.index_cast %add3A_515 : i32 to index
          %get3A_517 = tpu.vector_load %arg10[%get3A_516] {strides = array<i32>} : memref<2064xi32, #tpu.memory_space<vmem>>, vector<16xi32>,
          %get3A_518 = arith.index_cast %add3A_511 : i32 to index
          %get3A_519 = tpu.vector_load %arg11[%get3A_518] {strides = array<i32>} : memref<2048xf32, #tpu.memory_space<vmem>>, vector<16xf32>,
          %ne3A_520 = arith.cmpi ne, %get3A_513, %get3A_517 : vector<16xi32>
          %sub3A_521 = vector.broadcast %mul3A_2 : i32 to vector<16xi32>
          %sub3A_522 = arith.subi %get3A_513, %sub3A_521 : vector<16xi32>
          %sub3A_523 = vector.broadcast %mul3A_2 : i32 to vector<16xi32>
          %sub3A_524 = arith.subi %get3A_517, %sub3A_523 : vector<16xi32>
          %bitcast3A_525 = vector.bitcast %sub3A_522 : vector<16xi32> to vector<16xi32>
          %lt3A_526 = arith.constant 2048 : i32
          %lt3A_527 = vector.broadcast %lt3A_526 : i32 to vector<16xi32>
          %lt3A_528 = arith.cmpi ult, %bitcast3A_525, %lt3A_527 : vector<16xi32>
          %bitcast3A_529 = vector.bitcast %sub3A_524 : vector<16xi32> to vector<16xi32>
          %lt3A_530 = arith.constant 2048 : i32
          %lt3A_531 = vector.broadcast %lt3A_530 : i32 to vector<16xi32>
          %lt3A_532 = arith.cmpi ult, %bitcast3A_529, %lt3A_531 : vector<16xi32>
          %or3A_533 = arith.ori %ne3A_520, %eq3A_66 : vector<16xi1>
          %and3A_534 = arith.andi %or3A_533, %lt3A_528 : vector<16xi1>
          %and3A_535 = arith.andi %ne3A_520, %lt3A_68 : vector<16xi1>
          %and3A_536 = arith.andi %and3A_535, %lt3A_532 : vector<16xi1>
          %get3A_537 = arith.index_cast %add3A_511 : i32 to index
          %get3A_538 = tpu.vector_load %arg12[%get3A_537] {strides = array<i32>} : memref<2048xf32, #tpu.memory_space<vmem>>, vector<16xf32>,
          %mul3A_539 = arith.mulf %get3A_519, %get3A_538 : vector<16xf32>
          %get3A_540 = arith.index_cast %add3A_511 : i32 to index
          %get3A_541 = tpu.vector_load %arg13[%get3A_540] {strides = array<i32>} : memref<2048xf32, #tpu.memory_space<vmem>>, vector<16xf32>,
          %mul3A_542 = arith.mulf %get3A_519, %get3A_541 : vector<16xf32>
          %get3A_543 = arith.index_cast %add3A_511 : i32 to index
          %get3A_544 = tpu.vector_load %arg14[%get3A_543] {strides = array<i32>} : memref<2048xf32, #tpu.memory_space<vmem>>, vector<16xf32>,
          %mul3A_545 = arith.mulf %get3A_519, %get3A_544 : vector<16xf32>
          %broadcast_in_dim3A_546 = arith.constant true
          %broadcast_in_dim3A_547 = vector.broadcast %broadcast_in_dim3A_546 : i1 to vector<16xi1>
          %masked_cumsum3A_548 = tpu.scan <sum>, %mul3A_539 masked %broadcast_in_dim3A_547 : vector<16xf32>, vector<16xi1> -> vector<16xf32>
          %broadcast_in_dim3A_549 = arith.constant true
          %broadcast_in_dim3A_550 = vector.broadcast %broadcast_in_dim3A_549 : i1 to vector<16xi1>
          %masked_cumsum3A_551 = tpu.scan <sum>, %mul3A_542 masked %broadcast_in_dim3A_550 : vector<16xf32>, vector<16xi1> -> vector<16xf32>
          %broadcast_in_dim3A_552 = arith.constant true
          %broadcast_in_dim3A_553 = vector.broadcast %broadcast_in_dim3A_552 : i1 to vector<16xi1>
          %masked_cumsum3A_554 = tpu.scan <sum>, %mul3A_545 masked %broadcast_in_dim3A_553 : vector<16xf32>, vector<16xi1> -> vector<16xf32>
          %broadcast_in_dim3A_555 = arith.constant true
          %broadcast_in_dim3A_556 = vector.broadcast %broadcast_in_dim3A_555 : i1 to vector<16xi1>
          %masked_cumsum3A_557 = tpu.scan <sum>, %get3A_519 masked %broadcast_in_dim3A_556 : vector<16xf32>, vector<16xi1> -> vector<16xf32>
          tpu.vector_store_idx %arg20[%sub3A_522], %masked_cumsum3A_548 masked %and3A_534 {add = true} : memref<2048xf32, #tpu.memory_space<vmem>>[vector<16xi32>], vector<16xf32>, vector<16xi1>
          %neg3A_558 = arith.constant 0.000000e+00 : f32
          %neg3A_559 = vector.broadcast %neg3A_558 : f32 to vector<16xf32>
          %neg3A_560 = arith.subf %neg3A_559, %masked_cumsum3A_548 : vector<16xf32>
          tpu.vector_store_idx %arg20[%sub3A_524], %neg3A_560 masked %and3A_536 {add = true} : memref<2048xf32, #tpu.memory_space<vmem>>[vector<16xi32>], vector<16xf32>, vector<16xi1>
          tpu.vector_store_idx %arg21[%sub3A_522], %masked_cumsum3A_551 masked %and3A_534 {add = true} : memref<2048xf32, #tpu.memory_space<vmem>>[vector<16xi32>], vector<16xf32>, vector<16xi1>
          %neg3A_561 = arith.constant 0.000000e+00 : f32
          %neg3A_562 = vector.broadcast %neg3A_561 : f32 to vector<16xf32>
          %neg3A_563 = arith.subf %neg3A_562, %masked_cumsum3A_551 : vector<16xf32>
          tpu.vector_store_idx %arg21[%sub3A_524], %neg3A_563 masked %and3A_536 {add = true} : memref<2048xf32, #tpu.memory_space<vmem>>[vector<16xi32>], vector<16xf32>, vector<16xi1>
          tpu.vector_store_idx %arg22[%sub3A_522], %masked_cumsum3A_554 masked %and3A_534 {add = true} : memref<2048xf32, #tpu.memory_space<vmem>>[vector<16xi32>], vector<16xf32>, vector<16xi1>
          %neg3A_564 = arith.constant 0.000000e+00 : f32
          %neg3A_565 = vector.broadcast %neg3A_564 : f32 to vector<16xf32>
          %neg3A_566 = arith.subf %neg3A_565, %masked_cumsum3A_554 : vector<16xf32>
          tpu.vector_store_idx %arg22[%sub3A_524], %neg3A_566 masked %and3A_536 {add = true} : memref<2048xf32, #tpu.memory_space<vmem>>[vector<16xi32>], vector<16xf32>, vector<16xi1>
          tpu.vector_store_idx %arg23[%sub3A_522], %masked_cumsum3A_557 masked %and3A_534 {add = true} : memref<2048xf32, #tpu.memory_space<vmem>>[vector<16xi32>], vector<16xf32>, vector<16xi1>
          %neg3A_567 = arith.constant 0.000000e+00 : f32
          %neg3A_568 = vector.broadcast %neg3A_567 : f32 to vector<16xf32>
          %neg3A_569 = arith.subf %neg3A_568, %masked_cumsum3A_557 : vector<16xf32>
          tpu.vector_store_idx %arg23[%sub3A_524], %neg3A_569 masked %and3A_536 {add = true} : memref<2048xf32, #tpu.memory_space<vmem>>[vector<16xi32>], vector<16xf32>, vector<16xi1>
          %add3A_570 = arith.constant 112 : i32
          %add3A_571 = arith.addi %mul3A_153, %add3A_570 : i32
          %get3A_572 = arith.index_cast %add3A_571 : i32 to index
          %get3A_573 = tpu.vector_load %arg10[%get3A_572] {strides = array<i32>} : memref<2064xi32, #tpu.memory_space<vmem>>, vector<16xi32>,
          %add3A_574 = arith.constant 1 : i32
          %add3A_575 = arith.addi %add3A_571, %add3A_574 : i32
          %get3A_576 = arith.index_cast %add3A_575 : i32 to index
          %get3A_577 = tpu.vector_load %arg10[%get3A_576] {strides = array<i32>} : memref<2064xi32, #tpu.memory_space<vmem>>, vector<16xi32>,
          %get3A_578 = arith.index_cast %add3A_571 : i32 to index
          %get3A_579 = tpu.vector_load %arg11[%get3A_578] {strides = array<i32>} : memref<2048xf32, #tpu.memory_space<vmem>>, vector<16xf32>,
          %ne3A_580 = arith.cmpi ne, %get3A_573, %get3A_577 : vector<16xi32>
          %sub3A_581 = vector.broadcast %mul3A_2 : i32 to vector<16xi32>
          %sub3A_582 = arith.subi %get3A_573, %sub3A_581 : vector<16xi32>
          %sub3A_583 = vector.broadcast %mul3A_2 : i32 to vector<16xi32>
          %sub3A_584 = arith.subi %get3A_577, %sub3A_583 : vector<16xi32>
          %bitcast3A_585 = vector.bitcast %sub3A_582 : vector<16xi32> to vector<16xi32>
          %lt3A_586 = arith.constant 2048 : i32
          %lt3A_587 = vector.broadcast %lt3A_586 : i32 to vector<16xi32>
          %lt3A_588 = arith.cmpi ult, %bitcast3A_585, %lt3A_587 : vector<16xi32>
          %bitcast3A_589 = vector.bitcast %sub3A_584 : vector<16xi32> to vector<16xi32>
          %lt3A_590 = arith.constant 2048 : i32
          %lt3A_591 = vector.broadcast %lt3A_590 : i32 to vector<16xi32>
          %lt3A_592 = arith.cmpi ult, %bitcast3A_589, %lt3A_591 : vector<16xi32>
          %or3A_593 = arith.ori %ne3A_580, %eq3A_66 : vector<16xi1>
          %and3A_594 = arith.andi %or3A_593, %lt3A_588 : vector<16xi1>
          %and3A_595 = arith.andi %ne3A_580, %lt3A_68 : vector<16xi1>
          %and3A_596 = arith.andi %and3A_595, %lt3A_592 : vector<16xi1>
          %get3A_597 = arith.index_cast %add3A_571 : i32 to index
          %get3A_598 = tpu.vector_load %arg12[%get3A_597] {strides = array<i32>} : memref<2048xf32, #tpu.memory_space<vmem>>, vector<16xf32>,
          %mul3A_599 = arith.mulf %get3A_579, %get3A_598 : vector<16xf32>
          %get3A_600 = arith.index_cast %add3A_571 : i32 to index
          %get3A_601 = tpu.vector_load %arg13[%get3A_600] {strides = array<i32>} : memref<2048xf32, #tpu.memory_space<vmem>>, vector<16xf32>,
          %mul3A_602 = arith.mulf %get3A_579, %get3A_601 : vector<16xf32>
          %get3A_603 = arith.index_cast %add3A_571 : i32 to index
          %get3A_604 = tpu.vector_load %arg14[%get3A_603] {strides = array<i32>} : memref<2048xf32, #tpu.memory_space<vmem>>, vector<16xf32>,
          %mul3A_605 = arith.mulf %get3A_579, %get3A_604 : vector<16xf32>
          %broadcast_in_dim3A_606 = arith.constant true
          %broadcast_in_dim3A_607 = vector.broadcast %broadcast_in_dim3A_606 : i1 to vector<16xi1>
          %masked_cumsum3A_608 = tpu.scan <sum>, %mul3A_599 masked %broadcast_in_dim3A_607 : vector<16xf32>, vector<16xi1> -> vector<16xf32>
          %broadcast_in_dim3A_609 = arith.constant true
          %broadcast_in_dim3A_610 = vector.broadcast %broadcast_in_dim3A_609 : i1 to vector<16xi1>
          %masked_cumsum3A_611 = tpu.scan <sum>, %mul3A_602 masked %broadcast_in_dim3A_610 : vector<16xf32>, vector<16xi1> -> vector<16xf32>
          %broadcast_in_dim3A_612 = arith.constant true
          %broadcast_in_dim3A_613 = vector.broadcast %broadcast_in_dim3A_612 : i1 to vector<16xi1>
          %masked_cumsum3A_614 = tpu.scan <sum>, %mul3A_605 masked %broadcast_in_dim3A_613 : vector<16xf32>, vector<16xi1> -> vector<16xf32>
          %broadcast_in_dim3A_615 = arith.constant true
          %broadcast_in_dim3A_616 = vector.broadcast %broadcast_in_dim3A_615 : i1 to vector<16xi1>
          %masked_cumsum3A_617 = tpu.scan <sum>, %get3A_579 masked %broadcast_in_dim3A_616 : vector<16xf32>, vector<16xi1> -> vector<16xf32>
          tpu.vector_store_idx %arg20[%sub3A_582], %masked_cumsum3A_608 masked %and3A_594 {add = true} : memref<2048xf32, #tpu.memory_space<vmem>>[vector<16xi32>], vector<16xf32>, vector<16xi1>
          %neg3A_618 = arith.constant 0.000000e+00 : f32
          %neg3A_619 = vector.broadcast %neg3A_618 : f32 to vector<16xf32>
          %neg3A_620 = arith.subf %neg3A_619, %masked_cumsum3A_608 : vector<16xf32>
          tpu.vector_store_idx %arg20[%sub3A_584], %neg3A_620 masked %and3A_596 {add = true} : memref<2048xf32, #tpu.memory_space<vmem>>[vector<16xi32>], vector<16xf32>, vector<16xi1>
          tpu.vector_store_idx %arg21[%sub3A_582], %masked_cumsum3A_611 masked %and3A_594 {add = true} : memref<2048xf32, #tpu.memory_space<vmem>>[vector<16xi32>], vector<16xf32>, vector<16xi1>
          %neg3A_621 = arith.constant 0.000000e+00 : f32
          %neg3A_622 = vector.broadcast %neg3A_621 : f32 to vector<16xf32>
          %neg3A_623 = arith.subf %neg3A_622, %masked_cumsum3A_611 : vector<16xf32>
          tpu.vector_store_idx %arg21[%sub3A_584], %neg3A_623 masked %and3A_596 {add = true} : memref<2048xf32, #tpu.memory_space<vmem>>[vector<16xi32>], vector<16xf32>, vector<16xi1>
          tpu.vector_store_idx %arg22[%sub3A_582], %masked_cumsum3A_614 masked %and3A_594 {add = true} : memref<2048xf32, #tpu.memory_space<vmem>>[vector<16xi32>], vector<16xf32>, vector<16xi1>
          %neg3A_624 = arith.constant 0.000000e+00 : f32
          %neg3A_625 = vector.broadcast %neg3A_624 : f32 to vector<16xf32>
          %neg3A_626 = arith.subf %neg3A_625, %masked_cumsum3A_614 : vector<16xf32>
          tpu.vector_store_idx %arg22[%sub3A_584], %neg3A_626 masked %and3A_596 {add = true} : memref<2048xf32, #tpu.memory_space<vmem>>[vector<16xi32>], vector<16xf32>, vector<16xi1>
          tpu.vector_store_idx %arg23[%sub3A_582], %masked_cumsum3A_617 masked %and3A_594 {add = true} : memref<2048xf32, #tpu.memory_space<vmem>>[vector<16xi32>], vector<16xf32>, vector<16xi1>
          %neg3A_627 = arith.constant 0.000000e+00 : f32
          %neg3A_628 = vector.broadcast %neg3A_627 : f32 to vector<16xf32>
          %neg3A_629 = arith.subf %neg3A_628, %masked_cumsum3A_617 : vector<16xf32>
          tpu.vector_store_idx %arg23[%sub3A_584], %neg3A_629 masked %and3A_596 {add = true} : memref<2048xf32, #tpu.memory_space<vmem>>[vector<16xi32>], vector<16xf32>, vector<16xi1>
          %scan3A_630 = arith.constant 0 : i32
          scf.yield %scan3A_630 : i32
        }
        %scan3A_149 = arith.constant 16 : i32
      } else {
      }
      %eq3A_110 = arith.constant 1 : i32
      %eq3A_111 = arith.cmpi eq, %and3A_102, %eq3A_110 : i32
      %convert_element_type3A_112 = arith.extui %eq3A_111 : i1 to i32
      %cond3A_113 = arith.constant 0 : i32
      %cond3A_114 = arith.cmpi ne, %convert_element_type3A_112, %cond3A_113 : i32
      scf.if %cond3A_114 {
        %dma_wait3A = arith.constant 0 : i32
        %dma_wait3A_116 = tpu.memref_slice %arg15[%dma_wait3A] : memref<2064xi32, #tpu.memory_space<vmem>> -> memref<2048xi32, #tpu.memory_space<vmem>>
        %dma_wait3A_117 = arith.constant 0 : i32
        %dma_wait3A_118 = tpu.memref_slice %arg6[%dma_wait3A_117] : memref<4194304xi32, #tpu.memory_space<hbm>> -> memref<2048xi32, #tpu.memory_space<hbm>>
        %dma_wait3A_119 = arith.constant 0 : i32
        %dma_wait3A_120 = tpu.memref_slice %arg15[%dma_wait3A_119] : memref<2064xi32, #tpu.memory_space<vmem>> -> memref<2048xi32, #tpu.memory_space<vmem>>
        %dma_wait3A_121 = arith.constant 0 : i32
        %dma_wait3A_122 = tpu.memref_slice %arg6[%dma_wait3A_121] : memref<4194304xi32, #tpu.memory_space<hbm>> -> memref<2048xi32, #tpu.memory_space<hbm>>
        tpu.wait_dma2 semaphore(%arg28 : memref<!tpu.dma_semaphore, #tpu.memory_space<semaphore_mem>>) src(%dma_wait3A_122 : memref<2048xi32, #tpu.memory_space<hbm>>) dst(%dma_wait3A_120 : memref<2048xi32, #tpu.memory_space<vmem>>)
        %dma_wait3A_123 = arith.constant 0 : i32
        %dma_wait3A_124 = tpu.memref_slice %arg5[%dma_wait3A_123] : memref<4194304xf32, #tpu.memory_space<hbm>> -> memref<2048xf32, #tpu.memory_space<hbm>>
        %dma_wait3A_125 = arith.constant 0 : i32
        %dma_wait3A_126 = tpu.memref_slice %arg5[%dma_wait3A_125] : memref<4194304xf32, #tpu.memory_space<hbm>> -> memref<2048xf32, #tpu.memory_space<hbm>>
        tpu.wait_dma2 semaphore(%arg28 : memref<!tpu.dma_semaphore, #tpu.memory_space<semaphore_mem>>) src(%dma_wait3A_126 : memref<2048xf32, #tpu.memory_space<hbm>>) dst(%arg16 : memref<2048xf32, #tpu.memory_space<vmem>>)
        %dma_wait3A_127 = arith.constant 0 : i32
        %dma_wait3A_128 = tpu.memref_slice %arg2[%dma_wait3A_127] : memref<4194304xf32, #tpu.memory_space<hbm>> -> memref<2048xf32, #tpu.memory_space<hbm>>
        %dma_wait3A_129 = arith.constant 0 : i32
        %dma_wait3A_130 = tpu.memref_slice %arg2[%dma_wait3A_129] : memref<4194304xf32, #tpu.memory_space<hbm>> -> memref<2048xf32, #tpu.memory_space<hbm>>
        tpu.wait_dma2 semaphore(%arg28 : memref<!tpu.dma_semaphore, #tpu.memory_space<semaphore_mem>>) src(%dma_wait3A_130 : memref<2048xf32, #tpu.memory_space<hbm>>) dst(%arg17 : memref<2048xf32, #tpu.memory_space<vmem>>)
        %dma_wait3A_131 = arith.constant 0 : i32
        %dma_wait3A_132 = tpu.memref_slice %arg3[%dma_wait3A_131] : memref<4194304xf32, #tpu.memory_space<hbm>> -> memref<2048xf32, #tpu.memory_space<hbm>>
        %dma_wait3A_133 = arith.constant 0 : i32
        %dma_wait3A_134 = tpu.memref_slice %arg3[%dma_wait3A_133] : memref<4194304xf32, #tpu.memory_space<hbm>> -> memref<2048xf32, #tpu.memory_space<hbm>>
        tpu.wait_dma2 semaphore(%arg28 : memref<!tpu.dma_semaphore, #tpu.memory_space<semaphore_mem>>) src(%dma_wait3A_134 : memref<2048xf32, #tpu.memory_space<hbm>>) dst(%arg18 : memref<2048xf32, #tpu.memory_space<vmem>>)
        %dma_wait3A_135 = arith.constant 0 : i32
        %dma_wait3A_136 = tpu.memref_slice %arg4[%dma_wait3A_135] : memref<4194304xf32, #tpu.memory_space<hbm>> -> memref<2048xf32, #tpu.memory_space<hbm>>
        %dma_wait3A_137 = arith.constant 0 : i32
        %dma_wait3A_138 = tpu.memref_slice %arg4[%dma_wait3A_137] : memref<4194304xf32, #tpu.memory_space<hbm>> -> memref<2048xf32, #tpu.memory_space<hbm>>
        tpu.wait_dma2 semaphore(%arg28 : memref<!tpu.dma_semaphore, #tpu.memory_space<semaphore_mem>>) src(%dma_wait3A_138 : memref<2048xf32, #tpu.memory_space<hbm>>) dst(%arg19 : memref<2048xf32, #tpu.memory_space<vmem>>)
        %lt3A_139 = arith.cmpi slt, %add3A_104, %select_n3A_61 : i32
        %convert_element_type3A_140 = arith.extui %lt3A_139 : i1 to i32
        %cond3A_141 = arith.constant 0 : i32
        %cond3A_142 = arith.cmpi ne, %convert_element_type3A_140, %cond3A_141 : i32
        scf.if %cond3A_142 {
          %mul3A_150 = arith.constant 2048 : i32
          %mul3A_151 = arith.muli %add3A_104, %mul3A_150 : i32
          %dma_start3A = arith.constant 0 : i32
          %dma_start3A_152 = tpu.memref_slice %arg10[%dma_start3A] : memref<2064xi32, #tpu.memory_space<vmem>> -> memref<2048xi32, #tpu.memory_space<vmem>>
          %dma_start3A_153 = tpu.memref_slice %arg6[%mul3A_151] : memref<4194304xi32, #tpu.memory_space<hbm>> -> memref<2048xi32, #tpu.memory_space<hbm>>
          %dma_start3A_154 = arith.constant 0 : i32
          %dma_start3A_155 = tpu.memref_slice %arg10[%dma_start3A_154] : memref<2064xi32, #tpu.memory_space<vmem>> -> memref<2048xi32, #tpu.memory_space<vmem>>
          %dma_start3A_156 = tpu.memref_slice %arg6[%mul3A_151] : memref<4194304xi32, #tpu.memory_space<hbm>> -> memref<2048xi32, #tpu.memory_space<hbm>>
          tpu.enqueue_dma source(%dma_start3A_156 : memref<2048xi32, #tpu.memory_space<hbm>>) target(%dma_start3A_155 : memref<2048xi32, #tpu.memory_space<vmem>>) target_semaphore(%arg27 : memref<!tpu.dma_semaphore, #tpu.memory_space<semaphore_mem>>)
          %dma_start3A_157 = tpu.memref_slice %arg5[%mul3A_151] : memref<4194304xf32, #tpu.memory_space<hbm>> -> memref<2048xf32, #tpu.memory_space<hbm>>
          %dma_start3A_158 = tpu.memref_slice %arg5[%mul3A_151] : memref<4194304xf32, #tpu.memory_space<hbm>> -> memref<2048xf32, #tpu.memory_space<hbm>>
          tpu.enqueue_dma source(%dma_start3A_158 : memref<2048xf32, #tpu.memory_space<hbm>>) target(%arg11 : memref<2048xf32, #tpu.memory_space<vmem>>) target_semaphore(%arg27 : memref<!tpu.dma_semaphore, #tpu.memory_space<semaphore_mem>>)
          %dma_start3A_159 = tpu.memref_slice %arg2[%mul3A_151] : memref<4194304xf32, #tpu.memory_space<hbm>> -> memref<2048xf32, #tpu.memory_space<hbm>>
          %dma_start3A_160 = tpu.memref_slice %arg2[%mul3A_151] : memref<4194304xf32, #tpu.memory_space<hbm>> -> memref<2048xf32, #tpu.memory_space<hbm>>
          tpu.enqueue_dma source(%dma_start3A_160 : memref<2048xf32, #tpu.memory_space<hbm>>) target(%arg12 : memref<2048xf32, #tpu.memory_space<vmem>>) target_semaphore(%arg27 : memref<!tpu.dma_semaphore, #tpu.memory_space<semaphore_mem>>)
          %dma_start3A_161 = tpu.memref_slice %arg3[%mul3A_151] : memref<4194304xf32, #tpu.memory_space<hbm>> -> memref<2048xf32, #tpu.memory_space<hbm>>
          %dma_start3A_162 = tpu.memref_slice %arg3[%mul3A_151] : memref<4194304xf32, #tpu.memory_space<hbm>> -> memref<2048xf32, #tpu.memory_space<hbm>>
          tpu.enqueue_dma source(%dma_start3A_162 : memref<2048xf32, #tpu.memory_space<hbm>>) target(%arg13 : memref<2048xf32, #tpu.memory_space<vmem>>) target_semaphore(%arg27 : memref<!tpu.dma_semaphore, #tpu.memory_space<semaphore_mem>>)
          %dma_start3A_163 = tpu.memref_slice %arg4[%mul3A_151] : memref<4194304xf32, #tpu.memory_space<hbm>> -> memref<2048xf32, #tpu.memory_space<hbm>>
          %dma_start3A_164 = tpu.memref_slice %arg4[%mul3A_151] : memref<4194304xf32, #tpu.memory_space<hbm>> -> memref<2048xf32, #tpu.memory_space<hbm>>
          tpu.enqueue_dma source(%dma_start3A_164 : memref<2048xf32, #tpu.memory_space<hbm>>) target(%arg14 : memref<2048xf32, #tpu.memory_space<vmem>>) target_semaphore(%arg27 : memref<!tpu.dma_semaphore, #tpu.memory_space<semaphore_mem>>)
        } else {
        }
        %scan3A_143 = arith.constant 0 : i32
        %scan3A_144 = arith.constant 0 : i32
        %scan3A_145 = arith.constant 16 : i32
        %scan3A_146 = arith.addi %scan3A_144, %scan3A_145 : i32
        %scan3A_147 = arith.constant 1 : i32
        %scan3A_148 = scf.for %scan3A_150 = %scan3A_144 to %scan3A_146 step %scan3A_147 iter_args(%scan3A_151 = %scan3A_143) -> (i32)  : i32 {
          %mul3A_152 = arith.constant 128 : i32
          %mul3A_153 = arith.muli %scan3A_150, %mul3A_152 : i32
          %add3A_154 = arith.constant 0 : i32
          %add3A_155 = arith.addi %mul3A_153, %add3A_154 : i32
          %get3A_156 = arith.index_cast %add3A_155 : i32 to index
          %get3A_157 = tpu.vector_load %arg15[%get3A_156] {strides = array<i32>} : memref<2064xi32, #tpu.memory_space<vmem>>, vector<16xi32>,
          %add3A_158 = arith.constant 1 : i32
          %add3A_159 = arith.addi %add3A_155, %add3A_158 : i32
          %get3A_160 = arith.index_cast %add3A_159 : i32 to index
          %get3A_161 = tpu.vector_load %arg15[%get3A_160] {strides = array<i32>} : memref<2064xi32, #tpu.memory_space<vmem>>, vector<16xi32>,
          %get3A_162 = arith.index_cast %add3A_155 : i32 to index
          %get3A_163 = tpu.vector_load %arg16[%get3A_162] {strides = array<i32>} : memref<2048xf32, #tpu.memory_space<vmem>>, vector<16xf32>,
          %ne3A_164 = arith.cmpi ne, %get3A_157, %get3A_161 : vector<16xi32>
          %sub3A_165 = vector.broadcast %mul3A_2 : i32 to vector<16xi32>
          %sub3A_166 = arith.subi %get3A_157, %sub3A_165 : vector<16xi32>
          %sub3A_167 = vector.broadcast %mul3A_2 : i32 to vector<16xi32>
          %sub3A_168 = arith.subi %get3A_161, %sub3A_167 : vector<16xi32>
          %bitcast3A = vector.bitcast %sub3A_166 : vector<16xi32> to vector<16xi32>
          %lt3A_169 = arith.constant 2048 : i32
          %lt3A_170 = vector.broadcast %lt3A_169 : i32 to vector<16xi32>
          %lt3A_171 = arith.cmpi ult, %bitcast3A, %lt3A_170 : vector<16xi32>
          %bitcast3A_172 = vector.bitcast %sub3A_168 : vector<16xi32> to vector<16xi32>
          %lt3A_173 = arith.constant 2048 : i32
          %lt3A_174 = vector.broadcast %lt3A_173 : i32 to vector<16xi32>
          %lt3A_175 = arith.cmpi ult, %bitcast3A_172, %lt3A_174 : vector<16xi32>
          %or3A = arith.ori %ne3A_164, %eq3A_66 : vector<16xi1>
          %and3A_176 = arith.andi %or3A, %lt3A_171 : vector<16xi1>
          %and3A_177 = arith.andi %ne3A_164, %lt3A_68 : vector<16xi1>
          %and3A_178 = arith.andi %and3A_177, %lt3A_175 : vector<16xi1>
          %get3A_179 = arith.index_cast %add3A_155 : i32 to index
          %get3A_180 = tpu.vector_load %arg17[%get3A_179] {strides = array<i32>} : memref<2048xf32, #tpu.memory_space<vmem>>, vector<16xf32>,
          %mul3A_181 = arith.mulf %get3A_163, %get3A_180 : vector<16xf32>
          %get3A_182 = arith.index_cast %add3A_155 : i32 to index
          %get3A_183 = tpu.vector_load %arg18[%get3A_182] {strides = array<i32>} : memref<2048xf32, #tpu.memory_space<vmem>>, vector<16xf32>,
          %mul3A_184 = arith.mulf %get3A_163, %get3A_183 : vector<16xf32>
          %get3A_185 = arith.index_cast %add3A_155 : i32 to index
          %get3A_186 = tpu.vector_load %arg19[%get3A_185] {strides = array<i32>} : memref<2048xf32, #tpu.memory_space<vmem>>, vector<16xf32>,
          %mul3A_187 = arith.mulf %get3A_163, %get3A_186 : vector<16xf32>
          %broadcast_in_dim3A_188 = arith.constant true
          %broadcast_in_dim3A_189 = vector.broadcast %broadcast_in_dim3A_188 : i1 to vector<16xi1>
          %masked_cumsum3A = tpu.scan <sum>, %mul3A_181 masked %broadcast_in_dim3A_189 : vector<16xf32>, vector<16xi1> -> vector<16xf32>
          %broadcast_in_dim3A_190 = arith.constant true
          %broadcast_in_dim3A_191 = vector.broadcast %broadcast_in_dim3A_190 : i1 to vector<16xi1>
          %masked_cumsum3A_192 = tpu.scan <sum>, %mul3A_184 masked %broadcast_in_dim3A_191 : vector<16xf32>, vector<16xi1> -> vector<16xf32>
          %broadcast_in_dim3A_193 = arith.constant true
          %broadcast_in_dim3A_194 = vector.broadcast %broadcast_in_dim3A_193 : i1 to vector<16xi1>
          %masked_cumsum3A_195 = tpu.scan <sum>, %mul3A_187 masked %broadcast_in_dim3A_194 : vector<16xf32>, vector<16xi1> -> vector<16xf32>
          %broadcast_in_dim3A_196 = arith.constant true
          %broadcast_in_dim3A_197 = vector.broadcast %broadcast_in_dim3A_196 : i1 to vector<16xi1>
          %masked_cumsum3A_198 = tpu.scan <sum>, %get3A_163 masked %broadcast_in_dim3A_197 : vector<16xf32>, vector<16xi1> -> vector<16xf32>
          tpu.vector_store_idx %arg20[%sub3A_166], %masked_cumsum3A masked %and3A_176 {add = true} : memref<2048xf32, #tpu.memory_space<vmem>>[vector<16xi32>], vector<16xf32>, vector<16xi1>
          %neg3A = arith.constant 0.000000e+00 : f32
          %neg3A_199 = vector.broadcast %neg3A : f32 to vector<16xf32>
          %neg3A_200 = arith.subf %neg3A_199, %masked_cumsum3A : vector<16xf32>
          tpu.vector_store_idx %arg20[%sub3A_168], %neg3A_200 masked %and3A_178 {add = true} : memref<2048xf32, #tpu.memory_space<vmem>>[vector<16xi32>], vector<16xf32>, vector<16xi1>
          tpu.vector_store_idx %arg21[%sub3A_166], %masked_cumsum3A_192 masked %and3A_176 {add = true} : memref<2048xf32, #tpu.memory_space<vmem>>[vector<16xi32>], vector<16xf32>, vector<16xi1>
          %neg3A_201 = arith.constant 0.000000e+00 : f32
          %neg3A_202 = vector.broadcast %neg3A_201 : f32 to vector<16xf32>
          %neg3A_203 = arith.subf %neg3A_202, %masked_cumsum3A_192 : vector<16xf32>
          tpu.vector_store_idx %arg21[%sub3A_168], %neg3A_203 masked %and3A_178 {add = true} : memref<2048xf32, #tpu.memory_space<vmem>>[vector<16xi32>], vector<16xf32>, vector<16xi1>
          tpu.vector_store_idx %arg22[%sub3A_166], %masked_cumsum3A_195 masked %and3A_176 {add = true} : memref<2048xf32, #tpu.memory_space<vmem>>[vector<16xi32>], vector<16xf32>, vector<16xi1>
          %neg3A_204 = arith.constant 0.000000e+00 : f32
          %neg3A_205 = vector.broadcast %neg3A_204 : f32 to vector<16xf32>
          %neg3A_206 = arith.subf %neg3A_205, %masked_cumsum3A_195 : vector<16xf32>
          tpu.vector_store_idx %arg22[%sub3A_168], %neg3A_206 masked %and3A_178 {add = true} : memref<2048xf32, #tpu.memory_space<vmem>>[vector<16xi32>], vector<16xf32>, vector<16xi1>
          tpu.vector_store_idx %arg23[%sub3A_166], %masked_cumsum3A_198 masked %and3A_176 {add = true} : memref<2048xf32, #tpu.memory_space<vmem>>[vector<16xi32>], vector<16xf32>, vector<16xi1>
          %neg3A_207 = arith.constant 0.000000e+00 : f32
          %neg3A_208 = vector.broadcast %neg3A_207 : f32 to vector<16xf32>
          %neg3A_209 = arith.subf %neg3A_208, %masked_cumsum3A_198 : vector<16xf32>
          tpu.vector_store_idx %arg23[%sub3A_168], %neg3A_209 masked %and3A_178 {add = true} : memref<2048xf32, #tpu.memory_space<vmem>>[vector<16xi32>], vector<16xf32>, vector<16xi1>
          %add3A_210 = arith.constant 16 : i32
          %add3A_211 = arith.addi %mul3A_153, %add3A_210 : i32
          %get3A_212 = arith.index_cast %add3A_211 : i32 to index
          %get3A_213 = tpu.vector_load %arg15[%get3A_212] {strides = array<i32>} : memref<2064xi32, #tpu.memory_space<vmem>>, vector<16xi32>,
          %add3A_214 = arith.constant 1 : i32
          %add3A_215 = arith.addi %add3A_211, %add3A_214 : i32
          %get3A_216 = arith.index_cast %add3A_215 : i32 to index
          %get3A_217 = tpu.vector_load %arg15[%get3A_216] {strides = array<i32>} : memref<2064xi32, #tpu.memory_space<vmem>>, vector<16xi32>,
          %get3A_218 = arith.index_cast %add3A_211 : i32 to index
          %get3A_219 = tpu.vector_load %arg16[%get3A_218] {strides = array<i32>} : memref<2048xf32, #tpu.memory_space<vmem>>, vector<16xf32>,
          %ne3A_220 = arith.cmpi ne, %get3A_213, %get3A_217 : vector<16xi32>
          %sub3A_221 = vector.broadcast %mul3A_2 : i32 to vector<16xi32>
          %sub3A_222 = arith.subi %get3A_213, %sub3A_221 : vector<16xi32>
          %sub3A_223 = vector.broadcast %mul3A_2 : i32 to vector<16xi32>
          %sub3A_224 = arith.subi %get3A_217, %sub3A_223 : vector<16xi32>
          %bitcast3A_225 = vector.bitcast %sub3A_222 : vector<16xi32> to vector<16xi32>
          %lt3A_226 = arith.constant 2048 : i32
          %lt3A_227 = vector.broadcast %lt3A_226 : i32 to vector<16xi32>
          %lt3A_228 = arith.cmpi ult, %bitcast3A_225, %lt3A_227 : vector<16xi32>
          %bitcast3A_229 = vector.bitcast %sub3A_224 : vector<16xi32> to vector<16xi32>
          %lt3A_230 = arith.constant 2048 : i32
          %lt3A_231 = vector.broadcast %lt3A_230 : i32 to vector<16xi32>
          %lt3A_232 = arith.cmpi ult, %bitcast3A_229, %lt3A_231 : vector<16xi32>
          %or3A_233 = arith.ori %ne3A_220, %eq3A_66 : vector<16xi1>
          %and3A_234 = arith.andi %or3A_233, %lt3A_228 : vector<16xi1>
          %and3A_235 = arith.andi %ne3A_220, %lt3A_68 : vector<16xi1>
          %and3A_236 = arith.andi %and3A_235, %lt3A_232 : vector<16xi1>
          %get3A_237 = arith.index_cast %add3A_211 : i32 to index
          %get3A_238 = tpu.vector_load %arg17[%get3A_237] {strides = array<i32>} : memref<2048xf32, #tpu.memory_space<vmem>>, vector<16xf32>,
          %mul3A_239 = arith.mulf %get3A_219, %get3A_238 : vector<16xf32>
          %get3A_240 = arith.index_cast %add3A_211 : i32 to index
          %get3A_241 = tpu.vector_load %arg18[%get3A_240] {strides = array<i32>} : memref<2048xf32, #tpu.memory_space<vmem>>, vector<16xf32>,
          %mul3A_242 = arith.mulf %get3A_219, %get3A_241 : vector<16xf32>
          %get3A_243 = arith.index_cast %add3A_211 : i32 to index
          %get3A_244 = tpu.vector_load %arg19[%get3A_243] {strides = array<i32>} : memref<2048xf32, #tpu.memory_space<vmem>>, vector<16xf32>,
          %mul3A_245 = arith.mulf %get3A_219, %get3A_244 : vector<16xf32>
          %broadcast_in_dim3A_246 = arith.constant true
          %broadcast_in_dim3A_247 = vector.broadcast %broadcast_in_dim3A_246 : i1 to vector<16xi1>
          %masked_cumsum3A_248 = tpu.scan <sum>, %mul3A_239 masked %broadcast_in_dim3A_247 : vector<16xf32>, vector<16xi1> -> vector<16xf32>
          %broadcast_in_dim3A_249 = arith.constant true
          %broadcast_in_dim3A_250 = vector.broadcast %broadcast_in_dim3A_249 : i1 to vector<16xi1>
          %masked_cumsum3A_251 = tpu.scan <sum>, %mul3A_242 masked %broadcast_in_dim3A_250 : vector<16xf32>, vector<16xi1> -> vector<16xf32>
          %broadcast_in_dim3A_252 = arith.constant true
          %broadcast_in_dim3A_253 = vector.broadcast %broadcast_in_dim3A_252 : i1 to vector<16xi1>
          %masked_cumsum3A_254 = tpu.scan <sum>, %mul3A_245 masked %broadcast_in_dim3A_253 : vector<16xf32>, vector<16xi1> -> vector<16xf32>
          %broadcast_in_dim3A_255 = arith.constant true
          %broadcast_in_dim3A_256 = vector.broadcast %broadcast_in_dim3A_255 : i1 to vector<16xi1>
          %masked_cumsum3A_257 = tpu.scan <sum>, %get3A_219 masked %broadcast_in_dim3A_256 : vector<16xf32>, vector<16xi1> -> vector<16xf32>
          tpu.vector_store_idx %arg20[%sub3A_222], %masked_cumsum3A_248 masked %and3A_234 {add = true} : memref<2048xf32, #tpu.memory_space<vmem>>[vector<16xi32>], vector<16xf32>, vector<16xi1>
          %neg3A_258 = arith.constant 0.000000e+00 : f32
          %neg3A_259 = vector.broadcast %neg3A_258 : f32 to vector<16xf32>
          %neg3A_260 = arith.subf %neg3A_259, %masked_cumsum3A_248 : vector<16xf32>
          tpu.vector_store_idx %arg20[%sub3A_224], %neg3A_260 masked %and3A_236 {add = true} : memref<2048xf32, #tpu.memory_space<vmem>>[vector<16xi32>], vector<16xf32>, vector<16xi1>
          tpu.vector_store_idx %arg21[%sub3A_222], %masked_cumsum3A_251 masked %and3A_234 {add = true} : memref<2048xf32, #tpu.memory_space<vmem>>[vector<16xi32>], vector<16xf32>, vector<16xi1>
          %neg3A_261 = arith.constant 0.000000e+00 : f32
          %neg3A_262 = vector.broadcast %neg3A_261 : f32 to vector<16xf32>
          %neg3A_263 = arith.subf %neg3A_262, %masked_cumsum3A_251 : vector<16xf32>
          tpu.vector_store_idx %arg21[%sub3A_224], %neg3A_263 masked %and3A_236 {add = true} : memref<2048xf32, #tpu.memory_space<vmem>>[vector<16xi32>], vector<16xf32>, vector<16xi1>
          tpu.vector_store_idx %arg22[%sub3A_222], %masked_cumsum3A_254 masked %and3A_234 {add = true} : memref<2048xf32, #tpu.memory_space<vmem>>[vector<16xi32>], vector<16xf32>, vector<16xi1>
          %neg3A_264 = arith.constant 0.000000e+00 : f32
          %neg3A_265 = vector.broadcast %neg3A_264 : f32 to vector<16xf32>
          %neg3A_266 = arith.subf %neg3A_265, %masked_cumsum3A_254 : vector<16xf32>
          tpu.vector_store_idx %arg22[%sub3A_224], %neg3A_266 masked %and3A_236 {add = true} : memref<2048xf32, #tpu.memory_space<vmem>>[vector<16xi32>], vector<16xf32>, vector<16xi1>
          tpu.vector_store_idx %arg23[%sub3A_222], %masked_cumsum3A_257 masked %and3A_234 {add = true} : memref<2048xf32, #tpu.memory_space<vmem>>[vector<16xi32>], vector<16xf32>, vector<16xi1>
          %neg3A_267 = arith.constant 0.000000e+00 : f32
          %neg3A_268 = vector.broadcast %neg3A_267 : f32 to vector<16xf32>
          %neg3A_269 = arith.subf %neg3A_268, %masked_cumsum3A_257 : vector<16xf32>
          tpu.vector_store_idx %arg23[%sub3A_224], %neg3A_269 masked %and3A_236 {add = true} : memref<2048xf32, #tpu.memory_space<vmem>>[vector<16xi32>], vector<16xf32>, vector<16xi1>
          %add3A_270 = arith.constant 32 : i32
          %add3A_271 = arith.addi %mul3A_153, %add3A_270 : i32
          %get3A_272 = arith.index_cast %add3A_271 : i32 to index
          %get3A_273 = tpu.vector_load %arg15[%get3A_272] {strides = array<i32>} : memref<2064xi32, #tpu.memory_space<vmem>>, vector<16xi32>,
          %add3A_274 = arith.constant 1 : i32
          %add3A_275 = arith.addi %add3A_271, %add3A_274 : i32
          %get3A_276 = arith.index_cast %add3A_275 : i32 to index
          %get3A_277 = tpu.vector_load %arg15[%get3A_276] {strides = array<i32>} : memref<2064xi32, #tpu.memory_space<vmem>>, vector<16xi32>,
          %get3A_278 = arith.index_cast %add3A_271 : i32 to index
          %get3A_279 = tpu.vector_load %arg16[%get3A_278] {strides = array<i32>} : memref<2048xf32, #tpu.memory_space<vmem>>, vector<16xf32>,
          %ne3A_280 = arith.cmpi ne, %get3A_273, %get3A_277 : vector<16xi32>
          %sub3A_281 = vector.broadcast %mul3A_2 : i32 to vector<16xi32>
          %sub3A_282 = arith.subi %get3A_273, %sub3A_281 : vector<16xi32>
          %sub3A_283 = vector.broadcast %mul3A_2 : i32 to vector<16xi32>
          %sub3A_284 = arith.subi %get3A_277, %sub3A_283 : vector<16xi32>
          %bitcast3A_285 = vector.bitcast %sub3A_282 : vector<16xi32> to vector<16xi32>
          %lt3A_286 = arith.constant 2048 : i32
          %lt3A_287 = vector.broadcast %lt3A_286 : i32 to vector<16xi32>
          %lt3A_288 = arith.cmpi ult, %bitcast3A_285, %lt3A_287 : vector<16xi32>
          %bitcast3A_289 = vector.bitcast %sub3A_284 : vector<16xi32> to vector<16xi32>
          %lt3A_290 = arith.constant 2048 : i32
          %lt3A_291 = vector.broadcast %lt3A_290 : i32 to vector<16xi32>
          %lt3A_292 = arith.cmpi ult, %bitcast3A_289, %lt3A_291 : vector<16xi32>
          %or3A_293 = arith.ori %ne3A_280, %eq3A_66 : vector<16xi1>
          %and3A_294 = arith.andi %or3A_293, %lt3A_288 : vector<16xi1>
          %and3A_295 = arith.andi %ne3A_280, %lt3A_68 : vector<16xi1>
          %and3A_296 = arith.andi %and3A_295, %lt3A_292 : vector<16xi1>
          %get3A_297 = arith.index_cast %add3A_271 : i32 to index
          %get3A_298 = tpu.vector_load %arg17[%get3A_297] {strides = array<i32>} : memref<2048xf32, #tpu.memory_space<vmem>>, vector<16xf32>,
          %mul3A_299 = arith.mulf %get3A_279, %get3A_298 : vector<16xf32>
          %get3A_300 = arith.index_cast %add3A_271 : i32 to index
          %get3A_301 = tpu.vector_load %arg18[%get3A_300] {strides = array<i32>} : memref<2048xf32, #tpu.memory_space<vmem>>, vector<16xf32>,
          %mul3A_302 = arith.mulf %get3A_279, %get3A_301 : vector<16xf32>
          %get3A_303 = arith.index_cast %add3A_271 : i32 to index
          %get3A_304 = tpu.vector_load %arg19[%get3A_303] {strides = array<i32>} : memref<2048xf32, #tpu.memory_space<vmem>>, vector<16xf32>,
          %mul3A_305 = arith.mulf %get3A_279, %get3A_304 : vector<16xf32>
          %broadcast_in_dim3A_306 = arith.constant true
          %broadcast_in_dim3A_307 = vector.broadcast %broadcast_in_dim3A_306 : i1 to vector<16xi1>
          %masked_cumsum3A_308 = tpu.scan <sum>, %mul3A_299 masked %broadcast_in_dim3A_307 : vector<16xf32>, vector<16xi1> -> vector<16xf32>
          %broadcast_in_dim3A_309 = arith.constant true
          %broadcast_in_dim3A_310 = vector.broadcast %broadcast_in_dim3A_309 : i1 to vector<16xi1>
          %masked_cumsum3A_311 = tpu.scan <sum>, %mul3A_302 masked %broadcast_in_dim3A_310 : vector<16xf32>, vector<16xi1> -> vector<16xf32>
          %broadcast_in_dim3A_312 = arith.constant true
          %broadcast_in_dim3A_313 = vector.broadcast %broadcast_in_dim3A_312 : i1 to vector<16xi1>
          %masked_cumsum3A_314 = tpu.scan <sum>, %mul3A_305 masked %broadcast_in_dim3A_313 : vector<16xf32>, vector<16xi1> -> vector<16xf32>
          %broadcast_in_dim3A_315 = arith.constant true
          %broadcast_in_dim3A_316 = vector.broadcast %broadcast_in_dim3A_315 : i1 to vector<16xi1>
          %masked_cumsum3A_317 = tpu.scan <sum>, %get3A_279 masked %broadcast_in_dim3A_316 : vector<16xf32>, vector<16xi1> -> vector<16xf32>
          tpu.vector_store_idx %arg20[%sub3A_282], %masked_cumsum3A_308 masked %and3A_294 {add = true} : memref<2048xf32, #tpu.memory_space<vmem>>[vector<16xi32>], vector<16xf32>, vector<16xi1>
          %neg3A_318 = arith.constant 0.000000e+00 : f32
          %neg3A_319 = vector.broadcast %neg3A_318 : f32 to vector<16xf32>
          %neg3A_320 = arith.subf %neg3A_319, %masked_cumsum3A_308 : vector<16xf32>
          tpu.vector_store_idx %arg20[%sub3A_284], %neg3A_320 masked %and3A_296 {add = true} : memref<2048xf32, #tpu.memory_space<vmem>>[vector<16xi32>], vector<16xf32>, vector<16xi1>
          tpu.vector_store_idx %arg21[%sub3A_282], %masked_cumsum3A_311 masked %and3A_294 {add = true} : memref<2048xf32, #tpu.memory_space<vmem>>[vector<16xi32>], vector<16xf32>, vector<16xi1>
          %neg3A_321 = arith.constant 0.000000e+00 : f32
          %neg3A_322 = vector.broadcast %neg3A_321 : f32 to vector<16xf32>
          %neg3A_323 = arith.subf %neg3A_322, %masked_cumsum3A_311 : vector<16xf32>
          tpu.vector_store_idx %arg21[%sub3A_284], %neg3A_323 masked %and3A_296 {add = true} : memref<2048xf32, #tpu.memory_space<vmem>>[vector<16xi32>], vector<16xf32>, vector<16xi1>
          tpu.vector_store_idx %arg22[%sub3A_282], %masked_cumsum3A_314 masked %and3A_294 {add = true} : memref<2048xf32, #tpu.memory_space<vmem>>[vector<16xi32>], vector<16xf32>, vector<16xi1>
          %neg3A_324 = arith.constant 0.000000e+00 : f32
          %neg3A_325 = vector.broadcast %neg3A_324 : f32 to vector<16xf32>
          %neg3A_326 = arith.subf %neg3A_325, %masked_cumsum3A_314 : vector<16xf32>
          tpu.vector_store_idx %arg22[%sub3A_284], %neg3A_326 masked %and3A_296 {add = true} : memref<2048xf32, #tpu.memory_space<vmem>>[vector<16xi32>], vector<16xf32>, vector<16xi1>
          tpu.vector_store_idx %arg23[%sub3A_282], %masked_cumsum3A_317 masked %and3A_294 {add = true} : memref<2048xf32, #tpu.memory_space<vmem>>[vector<16xi32>], vector<16xf32>, vector<16xi1>
          %neg3A_327 = arith.constant 0.000000e+00 : f32
          %neg3A_328 = vector.broadcast %neg3A_327 : f32 to vector<16xf32>
          %neg3A_329 = arith.subf %neg3A_328, %masked_cumsum3A_317 : vector<16xf32>
          tpu.vector_store_idx %arg23[%sub3A_284], %neg3A_329 masked %and3A_296 {add = true} : memref<2048xf32, #tpu.memory_space<vmem>>[vector<16xi32>], vector<16xf32>, vector<16xi1>
          %add3A_330 = arith.constant 48 : i32
          %add3A_331 = arith.addi %mul3A_153, %add3A_330 : i32
          %get3A_332 = arith.index_cast %add3A_331 : i32 to index
          %get3A_333 = tpu.vector_load %arg15[%get3A_332] {strides = array<i32>} : memref<2064xi32, #tpu.memory_space<vmem>>, vector<16xi32>,
          %add3A_334 = arith.constant 1 : i32
          %add3A_335 = arith.addi %add3A_331, %add3A_334 : i32
          %get3A_336 = arith.index_cast %add3A_335 : i32 to index
          %get3A_337 = tpu.vector_load %arg15[%get3A_336] {strides = array<i32>} : memref<2064xi32, #tpu.memory_space<vmem>>, vector<16xi32>,
          %get3A_338 = arith.index_cast %add3A_331 : i32 to index
          %get3A_339 = tpu.vector_load %arg16[%get3A_338] {strides = array<i32>} : memref<2048xf32, #tpu.memory_space<vmem>>, vector<16xf32>,
          %ne3A_340 = arith.cmpi ne, %get3A_333, %get3A_337 : vector<16xi32>
          %sub3A_341 = vector.broadcast %mul3A_2 : i32 to vector<16xi32>
          %sub3A_342 = arith.subi %get3A_333, %sub3A_341 : vector<16xi32>
          %sub3A_343 = vector.broadcast %mul3A_2 : i32 to vector<16xi32>
          %sub3A_344 = arith.subi %get3A_337, %sub3A_343 : vector<16xi32>
          %bitcast3A_345 = vector.bitcast %sub3A_342 : vector<16xi32> to vector<16xi32>
          %lt3A_346 = arith.constant 2048 : i32
          %lt3A_347 = vector.broadcast %lt3A_346 : i32 to vector<16xi32>
          %lt3A_348 = arith.cmpi ult, %bitcast3A_345, %lt3A_347 : vector<16xi32>
          %bitcast3A_349 = vector.bitcast %sub3A_344 : vector<16xi32> to vector<16xi32>
          %lt3A_350 = arith.constant 2048 : i32
          %lt3A_351 = vector.broadcast %lt3A_350 : i32 to vector<16xi32>
          %lt3A_352 = arith.cmpi ult, %bitcast3A_349, %lt3A_351 : vector<16xi32>
          %or3A_353 = arith.ori %ne3A_340, %eq3A_66 : vector<16xi1>
          %and3A_354 = arith.andi %or3A_353, %lt3A_348 : vector<16xi1>
          %and3A_355 = arith.andi %ne3A_340, %lt3A_68 : vector<16xi1>
          %and3A_356 = arith.andi %and3A_355, %lt3A_352 : vector<16xi1>
          %get3A_357 = arith.index_cast %add3A_331 : i32 to index
          %get3A_358 = tpu.vector_load %arg17[%get3A_357] {strides = array<i32>} : memref<2048xf32, #tpu.memory_space<vmem>>, vector<16xf32>,
          %mul3A_359 = arith.mulf %get3A_339, %get3A_358 : vector<16xf32>
          %get3A_360 = arith.index_cast %add3A_331 : i32 to index
          %get3A_361 = tpu.vector_load %arg18[%get3A_360] {strides = array<i32>} : memref<2048xf32, #tpu.memory_space<vmem>>, vector<16xf32>,
          %mul3A_362 = arith.mulf %get3A_339, %get3A_361 : vector<16xf32>
          %get3A_363 = arith.index_cast %add3A_331 : i32 to index
          %get3A_364 = tpu.vector_load %arg19[%get3A_363] {strides = array<i32>} : memref<2048xf32, #tpu.memory_space<vmem>>, vector<16xf32>,
          %mul3A_365 = arith.mulf %get3A_339, %get3A_364 : vector<16xf32>
          %broadcast_in_dim3A_366 = arith.constant true
          %broadcast_in_dim3A_367 = vector.broadcast %broadcast_in_dim3A_366 : i1 to vector<16xi1>
          %masked_cumsum3A_368 = tpu.scan <sum>, %mul3A_359 masked %broadcast_in_dim3A_367 : vector<16xf32>, vector<16xi1> -> vector<16xf32>
          %broadcast_in_dim3A_369 = arith.constant true
          %broadcast_in_dim3A_370 = vector.broadcast %broadcast_in_dim3A_369 : i1 to vector<16xi1>
          %masked_cumsum3A_371 = tpu.scan <sum>, %mul3A_362 masked %broadcast_in_dim3A_370 : vector<16xf32>, vector<16xi1> -> vector<16xf32>
          %broadcast_in_dim3A_372 = arith.constant true
          %broadcast_in_dim3A_373 = vector.broadcast %broadcast_in_dim3A_372 : i1 to vector<16xi1>
          %masked_cumsum3A_374 = tpu.scan <sum>, %mul3A_365 masked %broadcast_in_dim3A_373 : vector<16xf32>, vector<16xi1> -> vector<16xf32>
          %broadcast_in_dim3A_375 = arith.constant true
          %broadcast_in_dim3A_376 = vector.broadcast %broadcast_in_dim3A_375 : i1 to vector<16xi1>
          %masked_cumsum3A_377 = tpu.scan <sum>, %get3A_339 masked %broadcast_in_dim3A_376 : vector<16xf32>, vector<16xi1> -> vector<16xf32>
          tpu.vector_store_idx %arg20[%sub3A_342], %masked_cumsum3A_368 masked %and3A_354 {add = true} : memref<2048xf32, #tpu.memory_space<vmem>>[vector<16xi32>], vector<16xf32>, vector<16xi1>
          %neg3A_378 = arith.constant 0.000000e+00 : f32
          %neg3A_379 = vector.broadcast %neg3A_378 : f32 to vector<16xf32>
          %neg3A_380 = arith.subf %neg3A_379, %masked_cumsum3A_368 : vector<16xf32>
          tpu.vector_store_idx %arg20[%sub3A_344], %neg3A_380 masked %and3A_356 {add = true} : memref<2048xf32, #tpu.memory_space<vmem>>[vector<16xi32>], vector<16xf32>, vector<16xi1>
          tpu.vector_store_idx %arg21[%sub3A_342], %masked_cumsum3A_371 masked %and3A_354 {add = true} : memref<2048xf32, #tpu.memory_space<vmem>>[vector<16xi32>], vector<16xf32>, vector<16xi1>
          %neg3A_381 = arith.constant 0.000000e+00 : f32
          %neg3A_382 = vector.broadcast %neg3A_381 : f32 to vector<16xf32>
          %neg3A_383 = arith.subf %neg3A_382, %masked_cumsum3A_371 : vector<16xf32>
          tpu.vector_store_idx %arg21[%sub3A_344], %neg3A_383 masked %and3A_356 {add = true} : memref<2048xf32, #tpu.memory_space<vmem>>[vector<16xi32>], vector<16xf32>, vector<16xi1>
          tpu.vector_store_idx %arg22[%sub3A_342], %masked_cumsum3A_374 masked %and3A_354 {add = true} : memref<2048xf32, #tpu.memory_space<vmem>>[vector<16xi32>], vector<16xf32>, vector<16xi1>
          %neg3A_384 = arith.constant 0.000000e+00 : f32
          %neg3A_385 = vector.broadcast %neg3A_384 : f32 to vector<16xf32>
          %neg3A_386 = arith.subf %neg3A_385, %masked_cumsum3A_374 : vector<16xf32>
          tpu.vector_store_idx %arg22[%sub3A_344], %neg3A_386 masked %and3A_356 {add = true} : memref<2048xf32, #tpu.memory_space<vmem>>[vector<16xi32>], vector<16xf32>, vector<16xi1>
          tpu.vector_store_idx %arg23[%sub3A_342], %masked_cumsum3A_377 masked %and3A_354 {add = true} : memref<2048xf32, #tpu.memory_space<vmem>>[vector<16xi32>], vector<16xf32>, vector<16xi1>
          %neg3A_387 = arith.constant 0.000000e+00 : f32
          %neg3A_388 = vector.broadcast %neg3A_387 : f32 to vector<16xf32>
          %neg3A_389 = arith.subf %neg3A_388, %masked_cumsum3A_377 : vector<16xf32>
          tpu.vector_store_idx %arg23[%sub3A_344], %neg3A_389 masked %and3A_356 {add = true} : memref<2048xf32, #tpu.memory_space<vmem>>[vector<16xi32>], vector<16xf32>, vector<16xi1>
          %add3A_390 = arith.constant 64 : i32
          %add3A_391 = arith.addi %mul3A_153, %add3A_390 : i32
          %get3A_392 = arith.index_cast %add3A_391 : i32 to index
          %get3A_393 = tpu.vector_load %arg15[%get3A_392] {strides = array<i32>} : memref<2064xi32, #tpu.memory_space<vmem>>, vector<16xi32>,
          %add3A_394 = arith.constant 1 : i32
          %add3A_395 = arith.addi %add3A_391, %add3A_394 : i32
          %get3A_396 = arith.index_cast %add3A_395 : i32 to index
          %get3A_397 = tpu.vector_load %arg15[%get3A_396] {strides = array<i32>} : memref<2064xi32, #tpu.memory_space<vmem>>, vector<16xi32>,
          %get3A_398 = arith.index_cast %add3A_391 : i32 to index
          %get3A_399 = tpu.vector_load %arg16[%get3A_398] {strides = array<i32>} : memref<2048xf32, #tpu.memory_space<vmem>>, vector<16xf32>,
          %ne3A_400 = arith.cmpi ne, %get3A_393, %get3A_397 : vector<16xi32>
          %sub3A_401 = vector.broadcast %mul3A_2 : i32 to vector<16xi32>
          %sub3A_402 = arith.subi %get3A_393, %sub3A_401 : vector<16xi32>
          %sub3A_403 = vector.broadcast %mul3A_2 : i32 to vector<16xi32>
          %sub3A_404 = arith.subi %get3A_397, %sub3A_403 : vector<16xi32>
          %bitcast3A_405 = vector.bitcast %sub3A_402 : vector<16xi32> to vector<16xi32>
          %lt3A_406 = arith.constant 2048 : i32
          %lt3A_407 = vector.broadcast %lt3A_406 : i32 to vector<16xi32>
          %lt3A_408 = arith.cmpi ult, %bitcast3A_405, %lt3A_407 : vector<16xi32>
          %bitcast3A_409 = vector.bitcast %sub3A_404 : vector<16xi32> to vector<16xi32>
          %lt3A_410 = arith.constant 2048 : i32
          %lt3A_411 = vector.broadcast %lt3A_410 : i32 to vector<16xi32>
          %lt3A_412 = arith.cmpi ult, %bitcast3A_409, %lt3A_411 : vector<16xi32>
          %or3A_413 = arith.ori %ne3A_400, %eq3A_66 : vector<16xi1>
          %and3A_414 = arith.andi %or3A_413, %lt3A_408 : vector<16xi1>
          %and3A_415 = arith.andi %ne3A_400, %lt3A_68 : vector<16xi1>
          %and3A_416 = arith.andi %and3A_415, %lt3A_412 : vector<16xi1>
          %get3A_417 = arith.index_cast %add3A_391 : i32 to index
          %get3A_418 = tpu.vector_load %arg17[%get3A_417] {strides = array<i32>} : memref<2048xf32, #tpu.memory_space<vmem>>, vector<16xf32>,
          %mul3A_419 = arith.mulf %get3A_399, %get3A_418 : vector<16xf32>
          %get3A_420 = arith.index_cast %add3A_391 : i32 to index
          %get3A_421 = tpu.vector_load %arg18[%get3A_420] {strides = array<i32>} : memref<2048xf32, #tpu.memory_space<vmem>>, vector<16xf32>,
          %mul3A_422 = arith.mulf %get3A_399, %get3A_421 : vector<16xf32>
          %get3A_423 = arith.index_cast %add3A_391 : i32 to index
          %get3A_424 = tpu.vector_load %arg19[%get3A_423] {strides = array<i32>} : memref<2048xf32, #tpu.memory_space<vmem>>, vector<16xf32>,
          %mul3A_425 = arith.mulf %get3A_399, %get3A_424 : vector<16xf32>
          %broadcast_in_dim3A_426 = arith.constant true
          %broadcast_in_dim3A_427 = vector.broadcast %broadcast_in_dim3A_426 : i1 to vector<16xi1>
          %masked_cumsum3A_428 = tpu.scan <sum>, %mul3A_419 masked %broadcast_in_dim3A_427 : vector<16xf32>, vector<16xi1> -> vector<16xf32>
          %broadcast_in_dim3A_429 = arith.constant true
          %broadcast_in_dim3A_430 = vector.broadcast %broadcast_in_dim3A_429 : i1 to vector<16xi1>
          %masked_cumsum3A_431 = tpu.scan <sum>, %mul3A_422 masked %broadcast_in_dim3A_430 : vector<16xf32>, vector<16xi1> -> vector<16xf32>
          %broadcast_in_dim3A_432 = arith.constant true
          %broadcast_in_dim3A_433 = vector.broadcast %broadcast_in_dim3A_432 : i1 to vector<16xi1>
          %masked_cumsum3A_434 = tpu.scan <sum>, %mul3A_425 masked %broadcast_in_dim3A_433 : vector<16xf32>, vector<16xi1> -> vector<16xf32>
          %broadcast_in_dim3A_435 = arith.constant true
          %broadcast_in_dim3A_436 = vector.broadcast %broadcast_in_dim3A_435 : i1 to vector<16xi1>
          %masked_cumsum3A_437 = tpu.scan <sum>, %get3A_399 masked %broadcast_in_dim3A_436 : vector<16xf32>, vector<16xi1> -> vector<16xf32>
          tpu.vector_store_idx %arg20[%sub3A_402], %masked_cumsum3A_428 masked %and3A_414 {add = true} : memref<2048xf32, #tpu.memory_space<vmem>>[vector<16xi32>], vector<16xf32>, vector<16xi1>
          %neg3A_438 = arith.constant 0.000000e+00 : f32
          %neg3A_439 = vector.broadcast %neg3A_438 : f32 to vector<16xf32>
          %neg3A_440 = arith.subf %neg3A_439, %masked_cumsum3A_428 : vector<16xf32>
          tpu.vector_store_idx %arg20[%sub3A_404], %neg3A_440 masked %and3A_416 {add = true} : memref<2048xf32, #tpu.memory_space<vmem>>[vector<16xi32>], vector<16xf32>, vector<16xi1>
          tpu.vector_store_idx %arg21[%sub3A_402], %masked_cumsum3A_431 masked %and3A_414 {add = true} : memref<2048xf32, #tpu.memory_space<vmem>>[vector<16xi32>], vector<16xf32>, vector<16xi1>
          %neg3A_441 = arith.constant 0.000000e+00 : f32
          %neg3A_442 = vector.broadcast %neg3A_441 : f32 to vector<16xf32>
          %neg3A_443 = arith.subf %neg3A_442, %masked_cumsum3A_431 : vector<16xf32>
          tpu.vector_store_idx %arg21[%sub3A_404], %neg3A_443 masked %and3A_416 {add = true} : memref<2048xf32, #tpu.memory_space<vmem>>[vector<16xi32>], vector<16xf32>, vector<16xi1>
          tpu.vector_store_idx %arg22[%sub3A_402], %masked_cumsum3A_434 masked %and3A_414 {add = true} : memref<2048xf32, #tpu.memory_space<vmem>>[vector<16xi32>], vector<16xf32>, vector<16xi1>
          %neg3A_444 = arith.constant 0.000000e+00 : f32
          %neg3A_445 = vector.broadcast %neg3A_444 : f32 to vector<16xf32>
          %neg3A_446 = arith.subf %neg3A_445, %masked_cumsum3A_434 : vector<16xf32>
          tpu.vector_store_idx %arg22[%sub3A_404], %neg3A_446 masked %and3A_416 {add = true} : memref<2048xf32, #tpu.memory_space<vmem>>[vector<16xi32>], vector<16xf32>, vector<16xi1>
          tpu.vector_store_idx %arg23[%sub3A_402], %masked_cumsum3A_437 masked %and3A_414 {add = true} : memref<2048xf32, #tpu.memory_space<vmem>>[vector<16xi32>], vector<16xf32>, vector<16xi1>
          %neg3A_447 = arith.constant 0.000000e+00 : f32
          %neg3A_448 = vector.broadcast %neg3A_447 : f32 to vector<16xf32>
          %neg3A_449 = arith.subf %neg3A_448, %masked_cumsum3A_437 : vector<16xf32>
          tpu.vector_store_idx %arg23[%sub3A_404], %neg3A_449 masked %and3A_416 {add = true} : memref<2048xf32, #tpu.memory_space<vmem>>[vector<16xi32>], vector<16xf32>, vector<16xi1>
          %add3A_450 = arith.constant 80 : i32
          %add3A_451 = arith.addi %mul3A_153, %add3A_450 : i32
          %get3A_452 = arith.index_cast %add3A_451 : i32 to index
          %get3A_453 = tpu.vector_load %arg15[%get3A_452] {strides = array<i32>} : memref<2064xi32, #tpu.memory_space<vmem>>, vector<16xi32>,
          %add3A_454 = arith.constant 1 : i32
          %add3A_455 = arith.addi %add3A_451, %add3A_454 : i32
          %get3A_456 = arith.index_cast %add3A_455 : i32 to index
          %get3A_457 = tpu.vector_load %arg15[%get3A_456] {strides = array<i32>} : memref<2064xi32, #tpu.memory_space<vmem>>, vector<16xi32>,
          %get3A_458 = arith.index_cast %add3A_451 : i32 to index
          %get3A_459 = tpu.vector_load %arg16[%get3A_458] {strides = array<i32>} : memref<2048xf32, #tpu.memory_space<vmem>>, vector<16xf32>,
          %ne3A_460 = arith.cmpi ne, %get3A_453, %get3A_457 : vector<16xi32>
          %sub3A_461 = vector.broadcast %mul3A_2 : i32 to vector<16xi32>
          %sub3A_462 = arith.subi %get3A_453, %sub3A_461 : vector<16xi32>
          %sub3A_463 = vector.broadcast %mul3A_2 : i32 to vector<16xi32>
          %sub3A_464 = arith.subi %get3A_457, %sub3A_463 : vector<16xi32>
          %bitcast3A_465 = vector.bitcast %sub3A_462 : vector<16xi32> to vector<16xi32>
          %lt3A_466 = arith.constant 2048 : i32
          %lt3A_467 = vector.broadcast %lt3A_466 : i32 to vector<16xi32>
          %lt3A_468 = arith.cmpi ult, %bitcast3A_465, %lt3A_467 : vector<16xi32>
          %bitcast3A_469 = vector.bitcast %sub3A_464 : vector<16xi32> to vector<16xi32>
          %lt3A_470 = arith.constant 2048 : i32
          %lt3A_471 = vector.broadcast %lt3A_470 : i32 to vector<16xi32>
          %lt3A_472 = arith.cmpi ult, %bitcast3A_469, %lt3A_471 : vector<16xi32>
          %or3A_473 = arith.ori %ne3A_460, %eq3A_66 : vector<16xi1>
          %and3A_474 = arith.andi %or3A_473, %lt3A_468 : vector<16xi1>
          %and3A_475 = arith.andi %ne3A_460, %lt3A_68 : vector<16xi1>
          %and3A_476 = arith.andi %and3A_475, %lt3A_472 : vector<16xi1>
          %get3A_477 = arith.index_cast %add3A_451 : i32 to index
          %get3A_478 = tpu.vector_load %arg17[%get3A_477] {strides = array<i32>} : memref<2048xf32, #tpu.memory_space<vmem>>, vector<16xf32>,
          %mul3A_479 = arith.mulf %get3A_459, %get3A_478 : vector<16xf32>
          %get3A_480 = arith.index_cast %add3A_451 : i32 to index
          %get3A_481 = tpu.vector_load %arg18[%get3A_480] {strides = array<i32>} : memref<2048xf32, #tpu.memory_space<vmem>>, vector<16xf32>,
          %mul3A_482 = arith.mulf %get3A_459, %get3A_481 : vector<16xf32>
          %get3A_483 = arith.index_cast %add3A_451 : i32 to index
          %get3A_484 = tpu.vector_load %arg19[%get3A_483] {strides = array<i32>} : memref<2048xf32, #tpu.memory_space<vmem>>, vector<16xf32>,
          %mul3A_485 = arith.mulf %get3A_459, %get3A_484 : vector<16xf32>
          %broadcast_in_dim3A_486 = arith.constant true
          %broadcast_in_dim3A_487 = vector.broadcast %broadcast_in_dim3A_486 : i1 to vector<16xi1>
          %masked_cumsum3A_488 = tpu.scan <sum>, %mul3A_479 masked %broadcast_in_dim3A_487 : vector<16xf32>, vector<16xi1> -> vector<16xf32>
          %broadcast_in_dim3A_489 = arith.constant true
          %broadcast_in_dim3A_490 = vector.broadcast %broadcast_in_dim3A_489 : i1 to vector<16xi1>
          %masked_cumsum3A_491 = tpu.scan <sum>, %mul3A_482 masked %broadcast_in_dim3A_490 : vector<16xf32>, vector<16xi1> -> vector<16xf32>
          %broadcast_in_dim3A_492 = arith.constant true
          %broadcast_in_dim3A_493 = vector.broadcast %broadcast_in_dim3A_492 : i1 to vector<16xi1>
          %masked_cumsum3A_494 = tpu.scan <sum>, %mul3A_485 masked %broadcast_in_dim3A_493 : vector<16xf32>, vector<16xi1> -> vector<16xf32>
          %broadcast_in_dim3A_495 = arith.constant true
          %broadcast_in_dim3A_496 = vector.broadcast %broadcast_in_dim3A_495 : i1 to vector<16xi1>
          %masked_cumsum3A_497 = tpu.scan <sum>, %get3A_459 masked %broadcast_in_dim3A_496 : vector<16xf32>, vector<16xi1> -> vector<16xf32>
          tpu.vector_store_idx %arg20[%sub3A_462], %masked_cumsum3A_488 masked %and3A_474 {add = true} : memref<2048xf32, #tpu.memory_space<vmem>>[vector<16xi32>], vector<16xf32>, vector<16xi1>
          %neg3A_498 = arith.constant 0.000000e+00 : f32
          %neg3A_499 = vector.broadcast %neg3A_498 : f32 to vector<16xf32>
          %neg3A_500 = arith.subf %neg3A_499, %masked_cumsum3A_488 : vector<16xf32>
          tpu.vector_store_idx %arg20[%sub3A_464], %neg3A_500 masked %and3A_476 {add = true} : memref<2048xf32, #tpu.memory_space<vmem>>[vector<16xi32>], vector<16xf32>, vector<16xi1>
          tpu.vector_store_idx %arg21[%sub3A_462], %masked_cumsum3A_491 masked %and3A_474 {add = true} : memref<2048xf32, #tpu.memory_space<vmem>>[vector<16xi32>], vector<16xf32>, vector<16xi1>
          %neg3A_501 = arith.constant 0.000000e+00 : f32
          %neg3A_502 = vector.broadcast %neg3A_501 : f32 to vector<16xf32>
          %neg3A_503 = arith.subf %neg3A_502, %masked_cumsum3A_491 : vector<16xf32>
          tpu.vector_store_idx %arg21[%sub3A_464], %neg3A_503 masked %and3A_476 {add = true} : memref<2048xf32, #tpu.memory_space<vmem>>[vector<16xi32>], vector<16xf32>, vector<16xi1>
          tpu.vector_store_idx %arg22[%sub3A_462], %masked_cumsum3A_494 masked %and3A_474 {add = true} : memref<2048xf32, #tpu.memory_space<vmem>>[vector<16xi32>], vector<16xf32>, vector<16xi1>
          %neg3A_504 = arith.constant 0.000000e+00 : f32
          %neg3A_505 = vector.broadcast %neg3A_504 : f32 to vector<16xf32>
          %neg3A_506 = arith.subf %neg3A_505, %masked_cumsum3A_494 : vector<16xf32>
          tpu.vector_store_idx %arg22[%sub3A_464], %neg3A_506 masked %and3A_476 {add = true} : memref<2048xf32, #tpu.memory_space<vmem>>[vector<16xi32>], vector<16xf32>, vector<16xi1>
          tpu.vector_store_idx %arg23[%sub3A_462], %masked_cumsum3A_497 masked %and3A_474 {add = true} : memref<2048xf32, #tpu.memory_space<vmem>>[vector<16xi32>], vector<16xf32>, vector<16xi1>
          %neg3A_507 = arith.constant 0.000000e+00 : f32
          %neg3A_508 = vector.broadcast %neg3A_507 : f32 to vector<16xf32>
          %neg3A_509 = arith.subf %neg3A_508, %masked_cumsum3A_497 : vector<16xf32>
          tpu.vector_store_idx %arg23[%sub3A_464], %neg3A_509 masked %and3A_476 {add = true} : memref<2048xf32, #tpu.memory_space<vmem>>[vector<16xi32>], vector<16xf32>, vector<16xi1>
          %add3A_510 = arith.constant 96 : i32
          %add3A_511 = arith.addi %mul3A_153, %add3A_510 : i32
          %get3A_512 = arith.index_cast %add3A_511 : i32 to index
          %get3A_513 = tpu.vector_load %arg15[%get3A_512] {strides = array<i32>} : memref<2064xi32, #tpu.memory_space<vmem>>, vector<16xi32>,
          %add3A_514 = arith.constant 1 : i32
          %add3A_515 = arith.addi %add3A_511, %add3A_514 : i32
          %get3A_516 = arith.index_cast %add3A_515 : i32 to index
          %get3A_517 = tpu.vector_load %arg15[%get3A_516] {strides = array<i32>} : memref<2064xi32, #tpu.memory_space<vmem>>, vector<16xi32>,
          %get3A_518 = arith.index_cast %add3A_511 : i32 to index
          %get3A_519 = tpu.vector_load %arg16[%get3A_518] {strides = array<i32>} : memref<2048xf32, #tpu.memory_space<vmem>>, vector<16xf32>,
          %ne3A_520 = arith.cmpi ne, %get3A_513, %get3A_517 : vector<16xi32>
          %sub3A_521 = vector.broadcast %mul3A_2 : i32 to vector<16xi32>
          %sub3A_522 = arith.subi %get3A_513, %sub3A_521 : vector<16xi32>
          %sub3A_523 = vector.broadcast %mul3A_2 : i32 to vector<16xi32>
          %sub3A_524 = arith.subi %get3A_517, %sub3A_523 : vector<16xi32>
          %bitcast3A_525 = vector.bitcast %sub3A_522 : vector<16xi32> to vector<16xi32>
          %lt3A_526 = arith.constant 2048 : i32
          %lt3A_527 = vector.broadcast %lt3A_526 : i32 to vector<16xi32>
          %lt3A_528 = arith.cmpi ult, %bitcast3A_525, %lt3A_527 : vector<16xi32>
          %bitcast3A_529 = vector.bitcast %sub3A_524 : vector<16xi32> to vector<16xi32>
          %lt3A_530 = arith.constant 2048 : i32
          %lt3A_531 = vector.broadcast %lt3A_530 : i32 to vector<16xi32>
          %lt3A_532 = arith.cmpi ult, %bitcast3A_529, %lt3A_531 : vector<16xi32>
          %or3A_533 = arith.ori %ne3A_520, %eq3A_66 : vector<16xi1>
          %and3A_534 = arith.andi %or3A_533, %lt3A_528 : vector<16xi1>
          %and3A_535 = arith.andi %ne3A_520, %lt3A_68 : vector<16xi1>
          %and3A_536 = arith.andi %and3A_535, %lt3A_532 : vector<16xi1>
          %get3A_537 = arith.index_cast %add3A_511 : i32 to index
          %get3A_538 = tpu.vector_load %arg17[%get3A_537] {strides = array<i32>} : memref<2048xf32, #tpu.memory_space<vmem>>, vector<16xf32>,
          %mul3A_539 = arith.mulf %get3A_519, %get3A_538 : vector<16xf32>
          %get3A_540 = arith.index_cast %add3A_511 : i32 to index
          %get3A_541 = tpu.vector_load %arg18[%get3A_540] {strides = array<i32>} : memref<2048xf32, #tpu.memory_space<vmem>>, vector<16xf32>,
          %mul3A_542 = arith.mulf %get3A_519, %get3A_541 : vector<16xf32>
          %get3A_543 = arith.index_cast %add3A_511 : i32 to index
          %get3A_544 = tpu.vector_load %arg19[%get3A_543] {strides = array<i32>} : memref<2048xf32, #tpu.memory_space<vmem>>, vector<16xf32>,
          %mul3A_545 = arith.mulf %get3A_519, %get3A_544 : vector<16xf32>
          %broadcast_in_dim3A_546 = arith.constant true
          %broadcast_in_dim3A_547 = vector.broadcast %broadcast_in_dim3A_546 : i1 to vector<16xi1>
          %masked_cumsum3A_548 = tpu.scan <sum>, %mul3A_539 masked %broadcast_in_dim3A_547 : vector<16xf32>, vector<16xi1> -> vector<16xf32>
          %broadcast_in_dim3A_549 = arith.constant true
          %broadcast_in_dim3A_550 = vector.broadcast %broadcast_in_dim3A_549 : i1 to vector<16xi1>
          %masked_cumsum3A_551 = tpu.scan <sum>, %mul3A_542 masked %broadcast_in_dim3A_550 : vector<16xf32>, vector<16xi1> -> vector<16xf32>
          %broadcast_in_dim3A_552 = arith.constant true
          %broadcast_in_dim3A_553 = vector.broadcast %broadcast_in_dim3A_552 : i1 to vector<16xi1>
          %masked_cumsum3A_554 = tpu.scan <sum>, %mul3A_545 masked %broadcast_in_dim3A_553 : vector<16xf32>, vector<16xi1> -> vector<16xf32>
          %broadcast_in_dim3A_555 = arith.constant true
          %broadcast_in_dim3A_556 = vector.broadcast %broadcast_in_dim3A_555 : i1 to vector<16xi1>
          %masked_cumsum3A_557 = tpu.scan <sum>, %get3A_519 masked %broadcast_in_dim3A_556 : vector<16xf32>, vector<16xi1> -> vector<16xf32>
          tpu.vector_store_idx %arg20[%sub3A_522], %masked_cumsum3A_548 masked %and3A_534 {add = true} : memref<2048xf32, #tpu.memory_space<vmem>>[vector<16xi32>], vector<16xf32>, vector<16xi1>
          %neg3A_558 = arith.constant 0.000000e+00 : f32
          %neg3A_559 = vector.broadcast %neg3A_558 : f32 to vector<16xf32>
          %neg3A_560 = arith.subf %neg3A_559, %masked_cumsum3A_548 : vector<16xf32>
          tpu.vector_store_idx %arg20[%sub3A_524], %neg3A_560 masked %and3A_536 {add = true} : memref<2048xf32, #tpu.memory_space<vmem>>[vector<16xi32>], vector<16xf32>, vector<16xi1>
          tpu.vector_store_idx %arg21[%sub3A_522], %masked_cumsum3A_551 masked %and3A_534 {add = true} : memref<2048xf32, #tpu.memory_space<vmem>>[vector<16xi32>], vector<16xf32>, vector<16xi1>
          %neg3A_561 = arith.constant 0.000000e+00 : f32
          %neg3A_562 = vector.broadcast %neg3A_561 : f32 to vector<16xf32>
          %neg3A_563 = arith.subf %neg3A_562, %masked_cumsum3A_551 : vector<16xf32>
          tpu.vector_store_idx %arg21[%sub3A_524], %neg3A_563 masked %and3A_536 {add = true} : memref<2048xf32, #tpu.memory_space<vmem>>[vector<16xi32>], vector<16xf32>, vector<16xi1>
          tpu.vector_store_idx %arg22[%sub3A_522], %masked_cumsum3A_554 masked %and3A_534 {add = true} : memref<2048xf32, #tpu.memory_space<vmem>>[vector<16xi32>], vector<16xf32>, vector<16xi1>
          %neg3A_564 = arith.constant 0.000000e+00 : f32
          %neg3A_565 = vector.broadcast %neg3A_564 : f32 to vector<16xf32>
          %neg3A_566 = arith.subf %neg3A_565, %masked_cumsum3A_554 : vector<16xf32>
          tpu.vector_store_idx %arg22[%sub3A_524], %neg3A_566 masked %and3A_536 {add = true} : memref<2048xf32, #tpu.memory_space<vmem>>[vector<16xi32>], vector<16xf32>, vector<16xi1>
          tpu.vector_store_idx %arg23[%sub3A_522], %masked_cumsum3A_557 masked %and3A_534 {add = true} : memref<2048xf32, #tpu.memory_space<vmem>>[vector<16xi32>], vector<16xf32>, vector<16xi1>
          %neg3A_567 = arith.constant 0.000000e+00 : f32
          %neg3A_568 = vector.broadcast %neg3A_567 : f32 to vector<16xf32>
          %neg3A_569 = arith.subf %neg3A_568, %masked_cumsum3A_557 : vector<16xf32>
          tpu.vector_store_idx %arg23[%sub3A_524], %neg3A_569 masked %and3A_536 {add = true} : memref<2048xf32, #tpu.memory_space<vmem>>[vector<16xi32>], vector<16xf32>, vector<16xi1>
          %add3A_570 = arith.constant 112 : i32
          %add3A_571 = arith.addi %mul3A_153, %add3A_570 : i32
          %get3A_572 = arith.index_cast %add3A_571 : i32 to index
          %get3A_573 = tpu.vector_load %arg15[%get3A_572] {strides = array<i32>} : memref<2064xi32, #tpu.memory_space<vmem>>, vector<16xi32>,
          %add3A_574 = arith.constant 1 : i32
          %add3A_575 = arith.addi %add3A_571, %add3A_574 : i32
          %get3A_576 = arith.index_cast %add3A_575 : i32 to index
          %get3A_577 = tpu.vector_load %arg15[%get3A_576] {strides = array<i32>} : memref<2064xi32, #tpu.memory_space<vmem>>, vector<16xi32>,
          %get3A_578 = arith.index_cast %add3A_571 : i32 to index
          %get3A_579 = tpu.vector_load %arg16[%get3A_578] {strides = array<i32>} : memref<2048xf32, #tpu.memory_space<vmem>>, vector<16xf32>,
          %ne3A_580 = arith.cmpi ne, %get3A_573, %get3A_577 : vector<16xi32>
          %sub3A_581 = vector.broadcast %mul3A_2 : i32 to vector<16xi32>
          %sub3A_582 = arith.subi %get3A_573, %sub3A_581 : vector<16xi32>
          %sub3A_583 = vector.broadcast %mul3A_2 : i32 to vector<16xi32>
          %sub3A_584 = arith.subi %get3A_577, %sub3A_583 : vector<16xi32>
          %bitcast3A_585 = vector.bitcast %sub3A_582 : vector<16xi32> to vector<16xi32>
          %lt3A_586 = arith.constant 2048 : i32
          %lt3A_587 = vector.broadcast %lt3A_586 : i32 to vector<16xi32>
          %lt3A_588 = arith.cmpi ult, %bitcast3A_585, %lt3A_587 : vector<16xi32>
          %bitcast3A_589 = vector.bitcast %sub3A_584 : vector<16xi32> to vector<16xi32>
          %lt3A_590 = arith.constant 2048 : i32
          %lt3A_591 = vector.broadcast %lt3A_590 : i32 to vector<16xi32>
          %lt3A_592 = arith.cmpi ult, %bitcast3A_589, %lt3A_591 : vector<16xi32>
          %or3A_593 = arith.ori %ne3A_580, %eq3A_66 : vector<16xi1>
          %and3A_594 = arith.andi %or3A_593, %lt3A_588 : vector<16xi1>
          %and3A_595 = arith.andi %ne3A_580, %lt3A_68 : vector<16xi1>
          %and3A_596 = arith.andi %and3A_595, %lt3A_592 : vector<16xi1>
          %get3A_597 = arith.index_cast %add3A_571 : i32 to index
          %get3A_598 = tpu.vector_load %arg17[%get3A_597] {strides = array<i32>} : memref<2048xf32, #tpu.memory_space<vmem>>, vector<16xf32>,
          %mul3A_599 = arith.mulf %get3A_579, %get3A_598 : vector<16xf32>
          %get3A_600 = arith.index_cast %add3A_571 : i32 to index
          %get3A_601 = tpu.vector_load %arg18[%get3A_600] {strides = array<i32>} : memref<2048xf32, #tpu.memory_space<vmem>>, vector<16xf32>,
          %mul3A_602 = arith.mulf %get3A_579, %get3A_601 : vector<16xf32>
          %get3A_603 = arith.index_cast %add3A_571 : i32 to index
          %get3A_604 = tpu.vector_load %arg19[%get3A_603] {strides = array<i32>} : memref<2048xf32, #tpu.memory_space<vmem>>, vector<16xf32>,
          %mul3A_605 = arith.mulf %get3A_579, %get3A_604 : vector<16xf32>
          %broadcast_in_dim3A_606 = arith.constant true
          %broadcast_in_dim3A_607 = vector.broadcast %broadcast_in_dim3A_606 : i1 to vector<16xi1>
          %masked_cumsum3A_608 = tpu.scan <sum>, %mul3A_599 masked %broadcast_in_dim3A_607 : vector<16xf32>, vector<16xi1> -> vector<16xf32>
          %broadcast_in_dim3A_609 = arith.constant true
          %broadcast_in_dim3A_610 = vector.broadcast %broadcast_in_dim3A_609 : i1 to vector<16xi1>
          %masked_cumsum3A_611 = tpu.scan <sum>, %mul3A_602 masked %broadcast_in_dim3A_610 : vector<16xf32>, vector<16xi1> -> vector<16xf32>
          %broadcast_in_dim3A_612 = arith.constant true
          %broadcast_in_dim3A_613 = vector.broadcast %broadcast_in_dim3A_612 : i1 to vector<16xi1>
          %masked_cumsum3A_614 = tpu.scan <sum>, %mul3A_605 masked %broadcast_in_dim3A_613 : vector<16xf32>, vector<16xi1> -> vector<16xf32>
          %broadcast_in_dim3A_615 = arith.constant true
          %broadcast_in_dim3A_616 = vector.broadcast %broadcast_in_dim3A_615 : i1 to vector<16xi1>
          %masked_cumsum3A_617 = tpu.scan <sum>, %get3A_579 masked %broadcast_in_dim3A_616 : vector<16xf32>, vector<16xi1> -> vector<16xf32>
          tpu.vector_store_idx %arg20[%sub3A_582], %masked_cumsum3A_608 masked %and3A_594 {add = true} : memref<2048xf32, #tpu.memory_space<vmem>>[vector<16xi32>], vector<16xf32>, vector<16xi1>
          %neg3A_618 = arith.constant 0.000000e+00 : f32
          %neg3A_619 = vector.broadcast %neg3A_618 : f32 to vector<16xf32>
          %neg3A_620 = arith.subf %neg3A_619, %masked_cumsum3A_608 : vector<16xf32>
          tpu.vector_store_idx %arg20[%sub3A_584], %neg3A_620 masked %and3A_596 {add = true} : memref<2048xf32, #tpu.memory_space<vmem>>[vector<16xi32>], vector<16xf32>, vector<16xi1>
          tpu.vector_store_idx %arg21[%sub3A_582], %masked_cumsum3A_611 masked %and3A_594 {add = true} : memref<2048xf32, #tpu.memory_space<vmem>>[vector<16xi32>], vector<16xf32>, vector<16xi1>
          %neg3A_621 = arith.constant 0.000000e+00 : f32
          %neg3A_622 = vector.broadcast %neg3A_621 : f32 to vector<16xf32>
          %neg3A_623 = arith.subf %neg3A_622, %masked_cumsum3A_611 : vector<16xf32>
          tpu.vector_store_idx %arg21[%sub3A_584], %neg3A_623 masked %and3A_596 {add = true} : memref<2048xf32, #tpu.memory_space<vmem>>[vector<16xi32>], vector<16xf32>, vector<16xi1>
          tpu.vector_store_idx %arg22[%sub3A_582], %masked_cumsum3A_614 masked %and3A_594 {add = true} : memref<2048xf32, #tpu.memory_space<vmem>>[vector<16xi32>], vector<16xf32>, vector<16xi1>
          %neg3A_624 = arith.constant 0.000000e+00 : f32
          %neg3A_625 = vector.broadcast %neg3A_624 : f32 to vector<16xf32>
          %neg3A_626 = arith.subf %neg3A_625, %masked_cumsum3A_614 : vector<16xf32>
          tpu.vector_store_idx %arg22[%sub3A_584], %neg3A_626 masked %and3A_596 {add = true} : memref<2048xf32, #tpu.memory_space<vmem>>[vector<16xi32>], vector<16xf32>, vector<16xi1>
          tpu.vector_store_idx %arg23[%sub3A_582], %masked_cumsum3A_617 masked %and3A_594 {add = true} : memref<2048xf32, #tpu.memory_space<vmem>>[vector<16xi32>], vector<16xf32>, vector<16xi1>
          %neg3A_627 = arith.constant 0.000000e+00 : f32
          %neg3A_628 = vector.broadcast %neg3A_627 : f32 to vector<16xf32>
          %neg3A_629 = arith.subf %neg3A_628, %masked_cumsum3A_617 : vector<16xf32>
          tpu.vector_store_idx %arg23[%sub3A_584], %neg3A_629 masked %and3A_596 {add = true} : memref<2048xf32, #tpu.memory_space<vmem>>[vector<16xi32>], vector<16xf32>, vector<16xi1>
          %scan3A_630 = arith.constant 0 : i32
          scf.yield %scan3A_630 : i32
        }
        %scan3A_149 = arith.constant 16 : i32
      } else {
      }
      %while3A_115 = arith.constant 0 : i32
      scf.yield %while3A_115 : i32
    }
    %get3A_81 = arith.constant 0 : index
    %get3A_82 = tpu.vector_load %arg26[%get3A_81] {strides = array<i32>} : memref<16xf32, #tpu.memory_space<vmem>>, vector<16xf32>,
    %slice3A_83 = vector.extract_strided_slice %get3A_82 {offsets = [0], sizes = [1], strides = [1]} : vector<16xf32> to vector<1xf32>
    %squeeze3A_84 = vector.extract %slice3A_83[0] : f32 from vector<1xf32>
    %slice3A_85 = vector.extract_strided_slice %get3A_82 {offsets = [1], sizes = [1], strides = [1]} : vector<16xf32> to vector<1xf32>
    %squeeze3A_86 = vector.extract %slice3A_85[0] : f32 from vector<1xf32>
    %slice3A_87 = vector.extract_strided_slice %get3A_82 {offsets = [2], sizes = [1], strides = [1]} : vector<16xf32> to vector<1xf32>
    %squeeze3A_88 = vector.extract %slice3A_87[0] : f32 from vector<1xf32>
    %scan3A_89 = arith.constant 0 : i32
    %scan3A_90 = arith.constant 0 : i32
    %scan3A_91 = arith.constant 128 : i32
    %scan3A_92 = arith.addi %scan3A_90, %scan3A_91 : i32
    %scan3A_93 = arith.constant 1 : i32
    %scan3A_94 = scf.for %scan3A_98 = %scan3A_90 to %scan3A_92 step %scan3A_93 iter_args(%scan3A_99 = %scan3A_89) -> (i32)  : i32 {
      %mul3A_100 = arith.constant 16 : i32
      %mul3A_101 = arith.muli %scan3A_98, %mul3A_100 : i32
      %get3A_102 = arith.index_cast %mul3A_101 : i32 to index
      %get3A_103 = tpu.vector_load %arg23[%get3A_102] {strides = array<i32>} : memref<2048xf32, #tpu.memory_space<vmem>>, vector<16xf32>,
      %sub3A_104 = arith.constant 1.000000e+00 : f32
      %sub3A_105 = vector.broadcast %sub3A_104 : f32 to vector<16xf32>
      %sub3A_106 = arith.subf %sub3A_105, %get3A_103 : vector<16xf32>
      %mul3A_107 = arith.constant 48 : i32
      %mul3A_108 = arith.muli %scan3A_98, %mul3A_107 : i32
      %add3A_109 = vector.broadcast %mul3A_108 : i32 to vector<16xi32>
      %add3A_110 = arith.addi %add3A_109, %mul3A_64 : vector<16xi32>
      %get3A_111 = arith.index_cast %mul3A_101 : i32 to index
      %get3A_112 = tpu.vector_load %arg20[%get3A_111] {strides = array<i32>} : memref<2048xf32, #tpu.memory_space<vmem>>, vector<16xf32>,
      %mul3A_113 = vector.broadcast %squeeze3A_84 : f32 to vector<16xf32>
      %mul3A_114 = arith.mulf %mul3A_113, %sub3A_106 : vector<16xf32>
      %add3A_115 = arith.addf %get3A_112, %mul3A_114 : vector<16xf32>
      tpu.vector_store_idx %arg24[%add3A_110], %add3A_115 : memref<6144xf32, #tpu.memory_space<vmem>>[vector<16xi32>], vector<16xf32>,
      %add3A_116 = vector.broadcast %mul3A_108 : i32 to vector<16xi32>
      %add3A_117 = arith.addi %add3A_116, %mul3A_64 : vector<16xi32>
      %add3A_118 = arith.constant 1 : i32
      %add3A_119 = vector.broadcast %add3A_118 : i32 to vector<16xi32>
      %add3A_120 = arith.addi %add3A_117, %add3A_119 : vector<16xi32>
      %get3A_121 = arith.index_cast %mul3A_101 : i32 to index
      %get3A_122 = tpu.vector_load %arg21[%get3A_121] {strides = array<i32>} : memref<2048xf32, #tpu.memory_space<vmem>>, vector<16xf32>,
      %mul3A_123 = vector.broadcast %squeeze3A_86 : f32 to vector<16xf32>
      %mul3A_124 = arith.mulf %mul3A_123, %sub3A_106 : vector<16xf32>
      %add3A_125 = arith.addf %get3A_122, %mul3A_124 : vector<16xf32>
      tpu.vector_store_idx %arg24[%add3A_120], %add3A_125 : memref<6144xf32, #tpu.memory_space<vmem>>[vector<16xi32>], vector<16xf32>,
      %add3A_126 = vector.broadcast %mul3A_108 : i32 to vector<16xi32>
      %add3A_127 = arith.addi %add3A_126, %mul3A_64 : vector<16xi32>
      %add3A_128 = arith.constant 2 : i32
      %add3A_129 = vector.broadcast %add3A_128 : i32 to vector<16xi32>
      %add3A_130 = arith.addi %add3A_127, %add3A_129 : vector<16xi32>
      %get3A_131 = arith.index_cast %mul3A_101 : i32 to index
      %get3A_132 = tpu.vector_load %arg22[%get3A_131] {strides = array<i32>} : memref<2048xf32, #tpu.memory_space<vmem>>, vector<16xf32>,
      %mul3A_133 = vector.broadcast %squeeze3A_88 : f32 to vector<16xf32>
      %mul3A_134 = arith.mulf %mul3A_133, %sub3A_106 : vector<16xf32>
      %add3A_135 = arith.addf %get3A_132, %mul3A_134 : vector<16xf32>
      tpu.vector_store_idx %arg24[%add3A_130], %add3A_135 : memref<6144xf32, #tpu.memory_space<vmem>>[vector<16xi32>], vector<16xf32>,
      %scan3A_136 = arith.constant 0 : i32
      scf.yield %scan3A_136 : i32
    }
    %scan3A_95 = arith.constant 128 : i32
    %mul3A_96 = arith.constant 3 : i32
    %mul3A_97 = arith.muli %mul3A_2, %mul3A_96 : i32
    "tpu.region"() ({
      %run_scoped3A = tpu.sem_alloc : memref<!tpu.dma_semaphore, #tpu.memory_space<semaphore_mem>>
      %dma_start3A = tpu.memref_slice %arg9[%mul3A_97] : memref<196608xf32, #tpu.memory_space<hbm>> -> memref<6144xf32, #tpu.memory_space<hbm>>
      %dma_start3A_98 = tpu.memref_slice %arg9[%mul3A_97] : memref<196608xf32, #tpu.memory_space<hbm>> -> memref<6144xf32, #tpu.memory_space<hbm>>
      tpu.enqueue_dma source(%arg24 : memref<6144xf32, #tpu.memory_space<vmem>>) target(%dma_start3A_98 : memref<6144xf32, #tpu.memory_space<hbm>>) target_semaphore(%run_scoped3A : memref<!tpu.dma_semaphore, #tpu.memory_space<semaphore_mem>>)
      %dma_wait3A = tpu.memref_slice %arg9[%mul3A_97] : memref<196608xf32, #tpu.memory_space<hbm>> -> memref<6144xf32, #tpu.memory_space<hbm>>
      %dma_wait3A_99 = tpu.memref_slice %arg9[%mul3A_97] : memref<196608xf32, #tpu.memory_space<hbm>> -> memref<6144xf32, #tpu.memory_space<hbm>>
      tpu.wait_dma2 semaphore(%run_scoped3A : memref<!tpu.dma_semaphore, #tpu.memory_space<semaphore_mem>>) src(%arg24 : memref<6144xf32, #tpu.memory_space<vmem>>) dst(%dma_wait3A_99 : memref<6144xf32, #tpu.memory_space<hbm>>)
      tpu.yield
    }) : () -> ()
    return
  }
}

</mosaic_0001>

<sc_bundles>
// kernel: _run.3.cloned.1.call-start
scs
__scs_entry_jumppad:
0x0: {  	(pc) =	sbr.rel $0x88, $3  }
0x1: {  	(tag) =	ssettag $0x0;
	lr =	simm.s32 $0x1  }
0x2: {  	[smem:$0x3F9A] =	sst lr;
	_ =	strace $0xD0000000  }
0x3: {  	_ = 	snop  }
0x4: {  	_ = 	snop  }
0x5: {  	_ = 	snop  }
0x6: {  	_ = 	snop  }
0x7: {  	_ = 	snop  }
__scs_overlays_trampoline_lowered:
0x8: {  	[smem:$0x3FA9] =	sst s0  }
0x9: {  	[smem:$0x3FAA] =	sst s1  }
0xa: {  	[smem:$0x3FAB] =	sst s2  }
0xb: {  	[smem:$0x3FAC] =	sst s3  }
0xc: {  	[smem:$0x3FAD] =	sst s4  }
0xd: {  	[smem:$0x3FAE] =	sst s5  }
0xe: {  	[smem:$0x3FAF] =	sst s6  }
0xf: {  	[smem:$0x3FB0] =	sst s7  }
0x10: {  	[smem:$0x3FB1] =	sst s8  }
0x11: {  	[smem:$0x3FB2] =	sst s9;
	s0 =	simm.s32 @!p0 $0x0  }
0x12: {  	s1 =	sld [smem:$0x3F98];
	s0 =	simm.s32 @p0 $0x1  }
0x13: {  	[smem:$0x3FB3] =	sst s0;
	s0 =	simm.s32 @!p1 $0x0  }
0x14: {  	s2 =	sld [smem:$0x3F97];
	s0 =	simm.s32 @p1 $0x1  }
0x15: {  	[smem:$0x3FB4] =	sst s0;
	s0 =	simm.s32 @!p2 $0x0  }
0x16: {  	s3 =	sld [smem:$0x3FDB];
	s0 =	simm.s32 @p2 $0x1  }
0x17: {  	s4 =	simm.s32 $0x1BF5;
	[smem:$0x3FB6] =	sst s0  }
0x18: {  	s0 =	sld [smem:$0x3F99];
	_ =	swait.ge [sflag:s4], $0x0  }
0x19: {  	s7 =	sld [smem:$0x3F9A]  }
0x1a: {  	s8 =	sadd.s32 $0xFFFFE003, lr  }
0x1b: {  	s9 =	sadd.s32 $0xFFFFFEF7, lr;
	s5 =	simm.s32 $0xFFFFFFFF;
	p2 =	slt.u32 s8, $0xFFFFF086  }
0x1c: {  	p1 =	slt.u32 s9, $0xF7A;
	s5 =	simm.s32 @!p2 $0x0  }
0x1d: {  	s5 =	simm.s32 @p1 $0x1;
	p0 =	seq.s32 s7, s2  }
0x1e: {  	s7 =	smul.u32 @!p0 $0xF7A, s2;
	p2 =	seq.s32 @!p0 s5, $0x0  }
0x1f: {  	s9 =	smul.u32 $0xF7A, s1;
	s8 =	simm.s32 @!p0 $0x1BF5;
	p2 =	por !p2, p0  }
0x20: {  	[sflag:s8] =	ssyncset.s32 @!p0 $0xFFFFF086;
	s6 =	sadd.s32 @!p0 s3, s7;
	s7 =	simm.s32 @!p0 $0x108  }
0x21: {  	s3 =	sadd.s32 s3, s9;
	s6 =	sadd.s32 @!p0 $0x88, s6;
	s7 =	simm.s32 @p2 $0x1082  }
0x22: {  	[simem:s7], [sflag:s8] =	dma.local @!p0 [hbm:s6], $0xF7A  }
0x23: {  	s9 =	sor.u32 $0xD0000000, s2;
	s6 =	simm.s32 $0x108;
	_ =	swait.ge @!p0 [sflag:s8], $0x0  }
0x24: {  	s3 =	sadd.s32 $0x88, s3;
	s6 =	simm.s32 @!p1 $0x1082;
	[sflag:s4] =	ssyncset.s32 $0xFFFFF086  }
0x25: {  	[simem:s6], [sflag:s4] =	dma.local [hbm:s3], $0xF7A  }
0x26: {  	[smem:$0x3F9A] =	sst s1;
	(tag) =	ssettag s2;
	_ =	strace s9  }
0x27: {  	s1 =	sld [smem:$0x3FAA]  }
0x28: {  	s2 =	sld [smem:$0x3FAB]  }
0x29: {  	s4 =	sld [smem:$0x3FAD]  }
0x2a: {  	p0 =	seq.s32 s5, $0x0;
	s5 =	sld [smem:$0x3FAE]  }
0x2b: {  	s6 =	sld [smem:$0x3FAF]  }
0x2c: {  	s7 =	sld [smem:$0x3FB0]  }
0x2d: {  	s3 =	simm.s32 $0x108;
	s8 =	sld [smem:$0x3FB1]  }
0x2e: {  	s3 =	simm.s32 @!p0 $0x1082;
	s9 =	sld [smem:$0x3FB2]  }
0x2f: {  	lr =	sadd.s32 s0, s3;
	s0 =	sld [smem:$0x3FA9]  }
0x30: {  	s3 =	sld [smem:$0x3FAC]  }
0x31: {  	[smem:$0x3FB5] =	sst s10  }
0x32: {  	s10 =	sld [smem:$0x3FB3];
	_ =	sdelay $0x3  }
0x33: {  	p0 =	seq.s32 s10, $0x1;
	s10 =	sld [smem:$0x3FB5];
	_ =	sdelay $0x3  }
0x34: {  	[smem:$0x3FB5] =	sst s10  }
0x35: {  	s10 =	sld [smem:$0x3FB4];
	_ =	sdelay $0x3  }
0x36: {  	p1 =	seq.s32 s10, $0x1;
	s10 =	sld [smem:$0x3FB5];
	_ =	sdelay $0x3  }
0x37: {  	[smem:$0x3FB5] =	sst s10  }
0x38: {  	s10 =	sld [smem:$0x3FB6]  }
0x39: {  	_ = 	snop;
	(pc) =	sbr.ind lr, $3  }
0x3a: {  	_ = 	snop  }
0x3b: {  	_ = 	snop  }
0x3c: {  	p2 =	seq.s32 s10, $0x1;
	s10 =	sld [smem:$0x3FB5]  }
0x3d: {  	_ =	shalt  }
0x3e: {  	_ =	shalt  }
0x3f: {  	_ =	shalt  }
0x40: {  	_ =	shalt  }
0x41: {  	_ =	shalt  }
0x42: {  	_ =	shalt  }
0x43: {  	_ =	shalt  }
0x44: {  	_ =	shalt  }
0x45: {  	_ =	shalt  }
0x46: {  	_ =	shalt  }
0x47: {  	_ =	shalt  }
0x48: {  	_ =	shalt  }
0x49: {  	_ =	shalt  }
0x4a: {  	_ =	shalt  }
0x4b: {  	_ =	shalt  }
0x4c: {  	_ =	shalt  }
0x4d: {  	_ =	shalt  }
0x4e: {  	_ =	shalt  }
0x4f: {  	_ =	shalt  }
0x50: {  	_ =	shalt  }
0x51: {  	_ =	shalt  }
0x52: {  	_ =	shalt  }
0x53: {  	_ =	shalt  }
0x54: {  	_ =	shalt  }
0x55: {  	_ =	shalt  }
0x56: {  	_ =	shalt  }
0x57: {  	_ =	shalt  }
0x58: {  	_ =	shalt  }
0x59: {  	_ =	shalt  }
0x5a: {  	_ =	shalt  }
0x5b: {  	_ =	shalt  }
0x5c: {  	_ =	shalt  }
0x5d: {  	_ =	shalt  }
0x5e: {  	_ =	shalt  }
0x5f: {  	_ =	shalt  }
0x60: {  	_ =	shalt  }
0x61: {  	_ =	shalt  }
0x62: {  	_ =	shalt  }
0x63: {  	_ =	shalt  }
0x64: {  	_ =	shalt  }
0x65: {  	_ =	shalt  }
0x66: {  	_ =	shalt  }
0x67: {  	_ =	shalt  }
0x68: {  	_ =	shalt  }
0x69: {  	_ =	shalt  }
0x6a: {  	_ =	shalt  }
0x6b: {  	_ =	shalt  }
0x6c: {  	_ =	shalt  }
0x6d: {  	_ =	shalt  }
0x6e: {  	_ =	shalt  }
0x6f: {  	_ =	shalt  }
0x70: {  	_ =	shalt  }
0x71: {  	_ =	shalt  }
0x72: {  	_ =	shalt  }
0x73: {  	_ =	shalt  }
0x74: {  	_ =	shalt  }
0x75: {  	_ =	shalt  }
0x76: {  	_ =	shalt  }
0x77: {  	_ =	shalt  }
0x78: {  	_ =	shalt  }
0x79: {  	_ =	shalt  }
0x7a: {  	_ =	shalt  }
0x7b: {  	_ =	shalt  }
0x7c: {  	_ =	shalt  }
0x7d: {  	_ =	shalt  }
0x7e: {  	_ =	shalt  }
0x7f: {  	_ =	shalt  }
0x80: {  	_ =	shalt  }
0x81: {  	_ =	shalt  }
0x82: {  	_ =	shalt  }
0x83: {  	_ =	shalt  }
0x84: {  	_ =	shalt  }
0x85: {  	_ =	shalt  }
0x86: {  	_ =	shalt  }
0x87: {  	_ =	shalt  }
.Lfunc_end0:
.L_simem_size_0:
called_computation_lowered:
.L_overlay_start_0:
0x88: {  	s2 =	sld [smem:$0x3FD9]  }
0x89: {  	s3 =	sld [smem:$0x3FFE];
	_ =	sdelay $0x1  }
0x8a: {  	s1 =	srdreg.scid  }
0x8b: {  	s0 =	sand.u32 $0x1, s1  }
0x8c: {  	s18 =	sshll.u32 s0, $0xA;
	s2 =	sadd.s32 s3, s2  }
0x8d: {  	s2 =	sadd.s32 s2, s18  }
0x8e: {  	[smem:$0x3FC1] =	sst s2  }
0x8f: {  	_ = 	snop  }
0x90: {  	s2 =	sld [smem:$0x3FC9]  }
0x91: {  	s19 =	sld [smem:$0x3FC8]  }
0x92: {  	s4 =	sld [smem:$0x3FC7]  }
0x93: {  	s5 =	sld [smem:$0x3FC6]  }
0x94: {  	s6 =	sld [smem:$0x3FC5]  }
0x95: {  	s7 =	sld [smem:$0x3FC4]  }
0x96: {  	s8 =	sld [smem:$0x3FC3]  }
0x97: {  	s9 =	sld [smem:$0x3FD0];
	(tm) =	ssettm $0x1  }
0x98: {  	s10 =	sld [smem:$0x3FFB];
	_ =	sdelay $0x3  }
0x99: {  	_ =	strace s10  }
0x9a: {  	s10 =	sld [smem:$0x3FFC];
	_ =	sdelay $0x3  }
0x9b: {  	_ =	strace s10  }
0x9c: {  	s10 =	sld [smem:$0x3FFD];
	_ =	sdelay $0x3  }
0x9d: {  	_ =	strace s10  }
0x9e: {  	_ =	strace $0x8FFFFFFF  }
0x9f: {  	s20 =	sld [smem:$0x3FDB];
	_ =	sdelay $0x1  }
0xa0: {  	s11 =	simm.s32 $_scs_section_size  }
0xa1: {  	s12 =	simm.s32 $_size__tile_overlayer_lowered;
	s13 =	simm.s32 $_tile_overlayer_lowered  }
0xa2: {  	s23 =	simm.s32 $0x1BFF;
	s22 =	sshll.u32 s13, $0x1;
	s10 =	sadd.s32 s11, s20  }
0xa3: {  	s14 =	simm.s32 $0x0;
	s21 =	sshll.u32 s12, $0x1;
	s12 =	sadd.s32 s22, s10  }
0xa4: {  	[timem:s14], [sflag:s23] =	dma.local [hbm:s12], s21  }
0xa5: {  	_ =	swait.ge [sflag:s23], s21  }
0xa6: {  	s11 =	ssub.s32 $0x0, s21;
	[sflag:s23] =	ssyncset.done $0x0  }
0xa7: {  	[sflag:s23] =	ssyncadd.s32 s11;
	_ =	sdelay $0x1  }
0xa8: {  	s24 =	simm.s32 $0x1B8B  }
0xa9: {  	_ =	swait.ge [sflag:s24], $0x1  }
0xaa: {  	[sflag:s24] =	ssyncset.done $0x0  }
0xab: {  	s25 =	simm.s32 $0x1B8E;
	[sflag:s24] =	ssyncadd.s32 $0xFFFFFFFF  }
0xac: {  	s26 =	simm.s32 $execute0_lowered;
	[smem:$0x3FD2] =	sst s25  }
0xad: {  	s11 =	sshll.u32 s26, $0x1;
	_ =	strace $0x80000046;
	[dreg:$0x1] =	wrdreg $0xFFFFFFFF  }
0xae: {  	s28 =	simm.s32 $_size_execute0_lowered;
	s10 =	sadd.s32 s10, s11;
	[dreg:$0x0] =	wrdreg $0x0  }
0xaf: {  	s11 =	sshll.u32 s28, $0x1;
	[dreg:$0x2] =	wrdreg s10  }
0xb0: {  	[dreg:$0x3] =	wrdreg s11  }
0xb1: {  	[dreg:$0x4] =	wrdreg $0xC0  }
0xb2: {  	_ =	task [dreg:s14], $0x5FFFF  }
0xb3: {  	[dreg:$0x1] =	wrdreg $0xFFFFFFFF  }
0xb4: {  	[dreg:$0x0] =	wrdreg $0x60  }
0xb5: {  	[dreg:$0x2] =	wrdreg s2  }
0xb6: {  	[dreg:$0x3] =	wrdreg s19  }
0xb7: {  	[dreg:$0x4] =	wrdreg s4  }
0xb8: {  	[dreg:$0x5] =	wrdreg s5  }
0xb9: {  	[dreg:$0x6] =	wrdreg s6  }
0xba: {  	[dreg:$0x7] =	wrdreg s7  }
0xbb: {  	[dreg:$0x8] =	wrdreg s8  }
0xbc: {  	[dreg:$0x9] =	wrdreg s9  }
0xbd: {  	[dreg:$0xa] =	wrdreg $0x9  }
0xbe: {  	_ =	task.clear_ibuf [dreg:s14], $0xBFFFF;
	_ =	strace $0x90000046  }
0xbf: {  	s29 =	simm.s32 $0x9;
	_ =	strace $0x80000048  }
0xc0: {  	_ =	swait.ge [sflag:s29], $0x1  }
0xc1: {  	[sflag:s29] =	ssyncadd.s32 $0xFFFFFFFF  }
0xc2: {  	_ =	strace $0x90000048  }
0xc3: {  	_ =	sfence  }
0xc4: {  	s30 =	sld [smem:$0x0];
	_ =	sdelay $0x2  }
0xc5: {  	s31 =	sshll.u32 s1, $0xD;
	s1 =	sshrl.u32 s1, $0x2  }
0xc6: {  	s3 =	sand.u32 $0x4000, s31;
	s1 =	sadd.s32 s1, s30  }
0xc7: {  	s0 =	sor.u32 s3, s0;
	s1 =	sshll.u32 s1, $0x11  }
0xc8: {  	s0 =	sor.u32 s1, s0  }
0xc9: {  	s0 =	sadd.s32 $0x8F2B, s0  }
0xca: {  	[sflag:s0] =	ssyncadd.remote.s32 $0x1  }
0xcb: {  	_ =	sfence.sel $0xFFFF  }
0xcc: {  	[dreg:$0x0] =	wrdreg $0xFFFFFFFF;
	(pc) =	sbr.abs _section_cstart, $3  }
0xcd: {  	[dreg:$0x1] =	wrdreg $0xFFFFFFFF  }
0xce: {  	_ =	task.clear_ibuf [dreg:s14], $0x2FFFF;
	_ =	strace $0x9FFFFFFF  }
0xcf: {  	(tm) =	ssettm $0x7FFFFFFF  }
tec
execute0_lowered:
.L_overlay_start_1:
0x0: {  	(tag) =	ssettag $0x1  }
0x1: {  	s0 =	rddreg [dreg:$0x0]  }
0x2: {  	s1 =	rddreg [dreg:$0x1]  }
0x3: {  	s2 =	rddreg [dreg:$0x2]  }
0x4: {  	s3 =	rddreg [dreg:$0x3]  }
0x5: {  	s5 =	rddreg [dreg:$0x4]  }
0x6: {  	s7 =	rddreg [dreg:$0x5]  }
0x7: {  	s8 =	rddreg [dreg:$0x6]  }
0x8: {  	s4 =	rddreg [dreg:$0x7]  }
0x9: {  	s6 =	srdreg.scid;
	s9 =	stileid.u32;
	s13 =	simm.s32 $0x8900  }
0xa: {  	s14 =	simm.s32 $0x3;
	s15 =	simm.s32 $0x8980;
	s16 =	simm.s32 $0x1  }
0xb: {  	s20 =	simm.s32 $0x2080;
	s21 =	simm.s32 $0x2;
	s22 =	simm.s32 $0x5100  }
0xc: {  	s23 =	simm.s32 $0x5900;
	s24 =	simm.s32 $0x6100;
	s25 =	simm.s32 $0x6900  }
0xd: {  	s26 =	simm.s32 $0x7100;
	s6 =	sand.u32 $0x1, s6;
	s10 =	sshll.u32 s9, $0x1  }
0xe: {  	s28 =	simm.s32 $0x0;
	s11 =	ssub.s32 $0x2, s6;
	s10 =	sor.u32 s6, s10  }
0xf: {  	v1 =	vimm.f32 $0.0e+00;
	s9 =	simm.s32 $0x0;
	s31 =	sshrl.u32 s11, $0x1;
	s12 =	smul.u32 $0x300, s10  }
0x10: {  	v2 =	vimm.s32 $0x40000000;
	v3 =	vlaneseq.u32;
	vm0 =	vcmask $0x3F3C;
	[smem:$0x7FF] =	sst s9;
	s17 =	sshll.u32 s10, $0xB;
	s6 =	ssub.s32 s11, s31  }
0x11: {  	vm1 =	vmmov $0x7fff;
	v3 =	vmul.u32 $0x3, v3;
	_ =	strace $0x80000047;
	v0 =	vmov s17;
	s11 =	sadd.s32 s4, s12;
	s12 =	smax.u32 s6, $0x1  }
.LBB2_1:
0x12: {  	[tilespmem:s13], [sflag:$0x3] =	stream.linear.gather [hbm4b:s7+s9], $0x80, $0x38;
	[tilespmem:$0x8A00] =	vst v63  }
0x13: {  	_ =	swait.ge [sflag:s14], $0x80  }
0x14: {  	[sflag:s14] =	ssyncset.done $0x0  }
0x15: {  	[sflag:s14] =	ssyncadd.s32 $0xFFFFFF80  }
0x16: {  	[tilespmem:s15], [sflag:$0x3] =	stream.linear.gather [hbm4b:s8+s9], $0x80, $0x38;
	[tilespmem:$0x8A00] =	vst v63  }
0x17: {  	_ =	swait.ge [sflag:s14], $0x80  }
0x18: {  	[sflag:s14] =	ssyncset.done $0x0  }
0x19: {  	s6 =	simm.s32 $0x40;
	s4 =	simm.s32 $0x0;
	[sflag:s14] =	ssyncadd.s32 $0xFFFFFF80  }
.LBB2_2:
0x1a: {  	p0 =	sne.s32 s6, $0x1FC0;
	[tilespmem:s4+$0x6900] =	vst v1;
	s17 =	smov.u32 s6;
	s6 =	sadd.s32 $0x40, s6  }
.Ltmp0:
0x1b: {  	[tilespmem:s4+$0x6100] =	vst v1;
	(pc) =	sbr.rel @p0 .LBB2_2-.Ltmp0, $3  }
0x1c: {  	[tilespmem:s4+$0x5100] =	vst v1  }
0x1d: {  	[tilespmem:s4+$0x5900] =	vst v1;
	_ =	sdelay $0x1  }
0x1e: {  	s4 =	sshra.s32 s17, $0x2  }
0x1f: {  	[tilespmem:s4+$0x6900] =	vst v1  }
0x20: {  	[tilespmem:s4+$0x6100] =	vst v1  }
0x21: {  	[tilespmem:s4+$0x5100] =	vst v1  }
0x22: {  	[tilespmem:s4+$0x5900] =	vst v1  }
0x23: {  	[tilespmem:$0x800] =	vst v2  }
0x24: {  	[tilespmem:$0x3080] =	vst v2  }
0x25: {  	v4 =	vld [tilespmem:s10+$0x8900];
	_ =	sdelay $0x4  }
0x26: {  	(v2sf) =	vpush v4, $0x0  }
0x27: {  	(v2sf) =	vpush v4, $0x1;
	_ =	sdelay $0xd  }
0x28: {  	s31 =	spop (v2sf)  }
0x29: {  	s6 =	sshra.s32 s31, $0x1F;
	s17 =	spop (v2sf);
	s29 =	sand.u32 $0x7FF, s31  }
0x2a: {  	p0 =	slt.s32 s31, $0x1;
	s6 =	sshrl.u32 s6, $0x15;
	s17 =	sadd.s32 $0x7FF, s17  }
0x2b: {  	p1 =	sne.s32 s29, $0x0;
	s29 =	simm.s32 $0x1;
	s6 =	sadd.s32 s6, s31  }
0x2c: {  	s18 =	sand.u32 $0x7FF, s17;
	p0 =	por !p0, !p1;
	p6 =	slt.s32 s17, $0x1  }
0x2d: {  	s31 =	sshra.s32 s17, $0x1F;
	p2 =	sne.s32 s18, $0x0;
	s19 =	sshra.s32 s6, $0xB  }
0x2e: {  	p0 =	por !p0, !p0;
	s6 =	sshrl.u32 s31, $0x15;
	p1 =	por !p6, !p2  }
0x2f: {  	s6 =	sadd.s32 s6, s17;
	s17 =	simm.s32 $0x1;
	p1 =	por !p1, !p1  }
0x30: {  	s29 =	simm.s32 @!p0 $0x0;
	s6 =	sshra.s32 s6, $0xB;
	s17 =	simm.s32 @!p1 $0x0  }
0x31: {  	s29 =	ssub.s32 s19, s29;
	s30 =	ssub.s32 s6, s17  }
0x32: {  	p0 =	sge.s32 s29, s30  }
.Ltmp1:
0x33: {  	_ = 	snop;
	(pc) =	sbr.rel @p0 .LBB2_12-.Ltmp1, $1  }
0x34: {  	_ =	sdelay $0x3  }
0x35: {  	s4 =	sshll.u32 s29, $0x8  }
0x36: {  	s4 =	sand.u32 $0x1FFFFF00, s4  }
0x37: {  	s6 =	sadd.s32 s5, s4  }
0x38: {  	[tilespmem:s9], [sflag:$0x1] =	stream.linear.gather [hbm4b:s6+s9], $0x800, $0x38;
	[tilespmem:$0x8A00] =	vst v63  }
0x39: {  	s17 =	simm.s32 $0x880;
	s19 =	sadd.s32 s3, s4  }
0x3a: {  	[tilespmem:s17], [sflag:$0x1] =	stream.linear.gather [hbm4b:s19+s9], $0x800, $0x38;
	[tilespmem:$0x8A00] =	vst v63  }
0x3b: {  	s18 =	sadd.s32 s0, s4;
	s19 =	simm.s32 $0x1080  }
0x3c: {  	[tilespmem:s19], [sflag:$0x1] =	stream.linear.gather [hbm4b:s18+s9], $0x800, $0x38;
	[tilespmem:$0x8A00] =	vst v63  }
.Ltmp2:
0x3d: {  	_ = 	snop;
	(pc) =	sbr.rel .LBB2_5-.Ltmp2, $4  }
0x3e: {  	s18 =	sadd.s32 s1, s4;
	s19 =	simm.s32 $0x1880  }
0x3f: {  	[tilespmem:s19], [sflag:$0x1] =	stream.linear.gather [hbm4b:s18+s9], $0x800, $0x38;
	[tilespmem:$0x8A00] =	vst v63  }
0x40: {  	s31 =	smov.u32 s29;
	s4 =	sadd.s32 s2, s4  }
0x41: {  	[tilespmem:s20], [sflag:$0x1] =	stream.linear.gather [hbm4b:s4+s9], $0x800, $0x38;
	[tilespmem:$0x8A00] =	vst v63  }
.LBB2_11:
0x42: {  	p0 =	slt.s32 s31, s30  }
.Ltmp3:
0x43: {  	_ = 	snop;
	(pc) =	sbr.rel @!p0 .LBB2_12-.Ltmp3, $1  }
0x44: {  	_ =	sdelay $0x3  }
.LBB2_5:
0x45: {  	s4 =	ssub.s32 s31, s29  }
0x46: {  	s4 =	sand.u32 $0x1, s4  }
0x47: {  	p0 =	seq.s32 s4, $0x1  }
.Ltmp4:
0x48: {  	_ = 	snop;
	(pc) =	sbr.rel @p0 .LBB2_9-.Ltmp4, $2  }
0x49: {  	_ =	sdelay $0x2  }
0x4a: {  	s31 =	sadd.s32 $0x1, s31  }
0x4b: {  	_ =	swait.ge [sflag:s16], $0x800  }
0x4c: {  	[sflag:s16] =	ssyncset.done $0x0  }
0x4d: {  	[sflag:s16] =	ssyncadd.s32 $0xFFFFF800  }
0x4e: {  	_ =	swait.ge [sflag:s16], $0x800  }
0x4f: {  	[sflag:s16] =	ssyncset.done $0x0  }
0x50: {  	[sflag:s16] =	ssyncadd.s32 $0xFFFFF800  }
0x51: {  	_ =	swait.ge [sflag:s16], $0x800  }
0x52: {  	[sflag:s16] =	ssyncset.done $0x0  }
0x53: {  	[sflag:s16] =	ssyncadd.s32 $0xFFFFF800  }
0x54: {  	_ =	swait.ge [sflag:s16], $0x800  }
0x55: {  	[sflag:s16] =	ssyncset.done $0x0  }
0x56: {  	p0 =	sge.s32 s31, s30;
	[sflag:s16] =	ssyncadd.s32 $0xFFFFF800  }
0x57: {  	s6 =	sshll.u32 @!p0 s31, $0x8;
	_ =	swait.ge [sflag:s16], $0x800  }
0x58: {  	s18 =	simm.s32 @!p0 $0x0;
	s6 =	sand.u32 @!p0 $0x1FFFFF00, s6;
	[sflag:s16] =	ssyncset.done $0x0  }
0x59: {  	s19 =	simm.s32 @!p0 $0x2880;
	s17 =	sadd.s32 @!p0 s5, s6;
	[sflag:s16] =	ssyncadd.s32 $0xFFFFF800  }
0x5a: {  	[tilespmem:s19], [sflag:$0x2] =	stream.linear.gather @!p0 [hbm4b:s17+s18], $0x800, $0x38;
	[tilespmem:$0x8A00] =	vst v63  }
0x5b: {  	s17 =	sadd.s32 @!p0 s3, s6;
	s19 =	simm.s32 @!p0 $0x3100  }
0x5c: {  	[tilespmem:s19], [sflag:$0x2] =	stream.linear.gather @!p0 [hbm4b:s17+s18], $0x800, $0x38;
	[tilespmem:$0x8A00] =	vst v63  }
0x5d: {  	s17 =	sadd.s32 @!p0 s0, s6;
	s19 =	simm.s32 @!p0 $0x3900  }
0x5e: {  	[tilespmem:s19], [sflag:$0x2] =	stream.linear.gather @!p0 [hbm4b:s17+s18], $0x800, $0x38;
	[tilespmem:$0x8A00] =	vst v63  }
0x5f: {  	s17 =	sadd.s32 @!p0 s1, s6;
	s19 =	simm.s32 @!p0 $0x4100  }
0x60: {  	[tilespmem:s19], [sflag:$0x2] =	stream.linear.gather @!p0 [hbm4b:s17+s18], $0x800, $0x38;
	[tilespmem:$0x8A00] =	vst v63  }
0x61: {  	s6 =	sadd.s32 @!p0 s2, s6;
	s17 =	simm.s32 @!p0 $0x4900  }
0x62: {  	[tilespmem:s17], [sflag:$0x2] =	stream.linear.gather @!p0 [hbm4b:s6+s18], $0x800, $0x38;
	[tilespmem:$0x8A00] =	vst v63  }
0x63: {  	s6 =	simm.s32 $0x0  }
.LBB2_7:
0x64: {  	s17 =	sshra.s32 s6, $0x2  }
0x65: {  	v4 =	vld [tilespmem:s17+$0x880]  }
0x66: {  	v5 =	vld [tilespmem:s17+$0x1080];
	_ =	sdelay $0x1  }
0x67: {  	v6 =	vld [tilespmem:s17+$0x1880]  }
0x68: {  	v7 =	vld [tilespmem:s17+$0x0]  }
0x69: {  	v8 =	vld [tilespmem:s17+$0x2080]  }
0x6a: {  	v9 =	vld [tilespmem:s17+$0x1];
	v5 =	vmul.f32 v5, v4;
	_ =	sdelay $0x1  }
0x6b: {  	v6 =	vmul.f32 v6, v4;
	(xrf2) =	vadd.scan.msk.f32 $0xffff, v5;
	_ =	sdelay $0x1  }
0x6c: {  	v5 =	vmul.f32 v8, v4;
	(xrf2) =	vadd.scan.msk.f32 $0xffff, v6  }
0x6d: {  	vm2 =	vne.s32 v7, v9;
	v22 =	vsub.s32 v7, v0  }
0x6e: {  	v23 =	vsub.s32 v9, v0;
	vm3 =	vlt.u32 v22, $0x800;
	vm5 =	vmor vm2, vm0;
	(xrf2) =	vadd.scan.msk.f32 $0xffff, v5  }
0x6f: {  	v24 =	vand.u32 $0x7F, v9;
	vm4 =	vlt.u32 v23, $0x800;
	vm3 =	vmand vm3, vm5  }
0x70: {  	vm2 =	vmand vm2, vm4;
	v5 =	vand.u32 $0x7F, v7;
	(xrf2) =	vadd.scan.msk.f32 $0xffff, v4;
	v4 =	vand.u32 $0xFFFFFF80, v22  }
0x71: {  	vm2 =	vmand vm2, vm1;
	v4 =	vor.u32 v5, v4;
	v5 =	vand.u32 $0xFFFFFF80, v23  }
0x72: {  	v5 =	vor.u32 v24, v5;
	_ =	sdelay $0x1  }
0x73: {  	v25, _, _ =	vpop (xrf2)  }
0x74: {  	v26 =	vsub.f32 $0.0e+00, v25  }
0x75: {  	v27, _, _ =	vpop (xrf2);
	[tilespmem:v4+s22+$0x0] =	vst.idx.add.f32.msk vm3, v25  }
0x76: {  	v28 =	vsub.f32 $0.0e+00, v27;
	[tilespmem:v5+s22+$0x0] =	vst.idx.add.f32.msk vm2, v26  }
0x77: {  	v29, _, _ =	vpop (xrf2);
	[tilespmem:v4+s23+$0x0] =	vst.idx.add.f32.msk vm3, v27  }
0x78: {  	v30 =	vsub.f32 $0.0e+00, v29;
	[tilespmem:v5+s23+$0x0] =	vst.idx.add.f32.msk vm2, v28  }
0x79: {  	v31, _, _ =	vpop (xrf2);
	[tilespmem:v4+s24+$0x0] =	vst.idx.add.f32.msk vm3, v29  }
0x7a: {  	v32 =	vsub.f32 $0.0e+00, v31;
	[tilespmem:v5+s24+$0x0] =	vst.idx.add.f32.msk vm2, v30  }
0x7b: {  	[tilespmem:v4+s25+$0x0] =	vst.idx.add.f32.msk vm3, v31  }
0x7c: {  	[tilespmem:v5+s25+$0x0] =	vst.idx.add.f32.msk vm2, v32  }
0x7d: {  	v4 =	vld [tilespmem:s17+$0x890]  }
0x7e: {  	v5 =	vld [tilespmem:s17+$0x1090];
	_ =	sdelay $0x1  }
0x7f: {  	v6 =	vld [tilespmem:s17+$0x1890]  }
0x80: {  	v7 =	vld [tilespmem:s17+$0x10]  }
0x81: {  	v8 =	vld [tilespmem:s17+$0x2090]  }
0x82: {  	v33 =	vld [tilespmem:s17+$0x11];
	v5 =	vmul.f32 v5, v4;
	_ =	sdelay $0x1  }
0x83: {  	v6 =	vmul.f32 v6, v4;
	(xrf2) =	vadd.scan.msk.f32 $0xffff, v5;
	_ =	sdelay $0x1  }
0x84: {  	v5 =	vmul.f32 v8, v4;
	(xrf2) =	vadd.scan.msk.f32 $0xffff, v6  }
0x85: {  	vm2 =	vne.s32 v7, v33;
	v34 =	vsub.s32 v7, v0  }
0x86: {  	v35 =	vsub.s32 v33, v0;
	vm3 =	vlt.u32 v34, $0x800;
	vm11 =	vmor vm2, vm0;
	(xrf2) =	vadd.scan.msk.f32 $0xffff, v5  }
0x87: {  	v36 =	vand.u32 $0x7F, v33;
	vm10 =	vlt.u32 v35, $0x800;
	vm3 =	vmand vm3, vm11  }
0x88: {  	vm2 =	vmand vm2, vm10;
	v5 =	vand.u32 $0x7F, v7;
	(xrf2) =	vadd.scan.msk.f32 $0xffff, v4;
	v4 =	vand.u32 $0xFFFFFF80, v34  }
0x89: {  	vm2 =	vmand vm2, vm1;
	v4 =	vor.u32 v5, v4;
	v5 =	vand.u32 $0xFFFFFF80, v35  }
0x8a: {  	v5 =	vor.u32 v36, v5;
	_ =	sdelay $0x1  }
0x8b: {  	v37, _, _ =	vpop (xrf2)  }
0x8c: {  	v38 =	vsub.f32 $0.0e+00, v37  }
0x8d: {  	v39, _, _ =	vpop (xrf2);
	[tilespmem:v4+s22+$0x0] =	vst.idx.add.f32.msk vm3, v37  }
0x8e: {  	v40 =	vsub.f32 $0.0e+00, v39;
	[tilespmem:v5+s22+$0x0] =	vst.idx.add.f32.msk vm2, v38  }
0x8f: {  	v41, _, _ =	vpop (xrf2);
	[tilespmem:v4+s23+$0x0] =	vst.idx.add.f32.msk vm3, v39  }
0x90: {  	v42 =	vsub.f32 $0.0e+00, v41;
	[tilespmem:v5+s23+$0x0] =	vst.idx.add.f32.msk vm2, v40  }
0x91: {  	v43, _, _ =	vpop (xrf2);
	[tilespmem:v4+s24+$0x0] =	vst.idx.add.f32.msk vm3, v41  }
0x92: {  	v44 =	vsub.f32 $0.0e+00, v43;
	[tilespmem:v5+s24+$0x0] =	vst.idx.add.f32.msk vm2, v42  }
0x93: {  	[tilespmem:v4+s25+$0x0] =	vst.idx.add.f32.msk vm3, v43  }
0x94: {  	[tilespmem:v5+s25+$0x0] =	vst.idx.add.f32.msk vm2, v44  }
0x95: {  	v4 =	vld [tilespmem:s17+$0x8A0]  }
0x96: {  	v5 =	vld [tilespmem:s17+$0x10A0];
	_ =	sdelay $0x1  }
0x97: {  	v6 =	vld [tilespmem:s17+$0x18A0]  }
0x98: {  	v7 =	vld [tilespmem:s17+$0x20]  }
0x99: {  	v8 =	vld [tilespmem:s17+$0x20A0]  }
0x9a: {  	v45 =	vld [tilespmem:s17+$0x21];
	v5 =	vmul.f32 v5, v4;
	_ =	sdelay $0x1  }
0x9b: {  	v6 =	vmul.f32 v6, v4;
	(xrf2) =	vadd.scan.msk.f32 $0xffff, v5;
	_ =	sdelay $0x1  }
0x9c: {  	v5 =	vmul.f32 v8, v4;
	(xrf2) =	vadd.scan.msk.f32 $0xffff, v6  }
0x9d: {  	vm2 =	vne.s32 v7, v45;
	v46 =	vsub.s32 v7, v0  }
0x9e: {  	v47 =	vsub.s32 v45, v0;
	vm3 =	vlt.u32 v46, $0x800;
	vm13 =	vmor vm2, vm0;
	(xrf2) =	vadd.scan.msk.f32 $0xffff, v5  }
0x9f: {  	v48 =	vand.u32 $0x7F, v45;
	vm12 =	vlt.u32 v47, $0x800;
	vm3 =	vmand vm3, vm13  }
0xa0: {  	vm2 =	vmand vm2, vm12;
	v5 =	vand.u32 $0x7F, v7;
	(xrf2) =	vadd.scan.msk.f32 $0xffff, v4;
	v4 =	vand.u32 $0xFFFFFF80, v46  }
0xa1: {  	vm2 =	vmand vm2, vm1;
	v4 =	vor.u32 v5, v4;
	v5 =	vand.u32 $0xFFFFFF80, v47  }
0xa2: {  	v5 =	vor.u32 v48, v5;
	_ =	sdelay $0x1  }
0xa3: {  	v49, _, _ =	vpop (xrf2)  }
0xa4: {  	v50 =	vsub.f32 $0.0e+00, v49  }
0xa5: {  	v51, _, _ =	vpop (xrf2);
	[tilespmem:v4+s22+$0x0] =	vst.idx.add.f32.msk vm3, v49  }
0xa6: {  	v52 =	vsub.f32 $0.0e+00, v51;
	[tilespmem:v5+s22+$0x0] =	vst.idx.add.f32.msk vm2, v50  }
0xa7: {  	v53, _, _ =	vpop (xrf2);
	[tilespmem:v4+s23+$0x0] =	vst.idx.add.f32.msk vm3, v51  }
0xa8: {  	v54 =	vsub.f32 $0.0e+00, v53;
	[tilespmem:v5+s23+$0x0] =	vst.idx.add.f32.msk vm2, v52  }
0xa9: {  	v55, _, _ =	vpop (xrf2);
	[tilespmem:v4+s24+$0x0] =	vst.idx.add.f32.msk vm3, v53  }
0xaa: {  	v56 =	vsub.f32 $0.0e+00, v55;
	[tilespmem:v5+s24+$0x0] =	vst.idx.add.f32.msk vm2, v54  }
0xab: {  	[tilespmem:v4+s25+$0x0] =	vst.idx.add.f32.msk vm3, v55  }
0xac: {  	[tilespmem:v5+s25+$0x0] =	vst.idx.add.f32.msk vm2, v56  }
0xad: {  	v4 =	vld [tilespmem:s17+$0x8B0]  }
0xae: {  	v5 =	vld [tilespmem:s17+$0x10B0];
	_ =	sdelay $0x1  }
0xaf: {  	v6 =	vld [tilespmem:s17+$0x18B0]  }
0xb0: {  	v7 =	vld [tilespmem:s17+$0x30]  }
0xb1: {  	v8 =	vld [tilespmem:s17+$0x20B0]  }
0xb2: {  	v57 =	vld [tilespmem:s17+$0x31];
	v5 =	vmul.f32 v5, v4;
	_ =	sdelay $0x1  }
0xb3: {  	v6 =	vmul.f32 v6, v4;
	(xrf2) =	vadd.scan.msk.f32 $0xffff, v5;
	_ =	sdelay $0x1  }
0xb4: {  	v5 =	vmul.f32 v8, v4;
	(xrf2) =	vadd.scan.msk.f32 $0xffff, v6  }
0xb5: {  	vm2 =	vne.s32 v7, v57;
	v58 =	vsub.s32 v7, v0  }
0xb6: {  	v59 =	vsub.s32 v57, v0;
	vm3 =	vlt.u32 v58, $0x800;
	vm15 =	vmor vm2, vm0;
	(xrf2) =	vadd.scan.msk.f32 $0xffff, v5  }
0xb7: {  	v60 =	vand.u32 $0x7F, v57;
	vm14 =	vlt.u32 v59, $0x800;
	vm3 =	vmand vm3, vm15  }
0xb8: {  	vm2 =	vmand vm2, vm14;
	v5 =	vand.u32 $0x7F, v7;
	(xrf2) =	vadd.scan.msk.f32 $0xffff, v4;
	v4 =	vand.u32 $0xFFFFFF80, v58  }
0xb9: {  	vm2 =	vmand vm2, vm1;
	v4 =	vor.u32 v5, v4;
	v5 =	vand.u32 $0xFFFFFF80, v59  }
0xba: {  	v5 =	vor.u32 v60, v5;
	_ =	sdelay $0x1  }
0xbb: {  	v61, _, _ =	vpop (xrf2)  }
0xbc: {  	v62 =	vsub.f32 $0.0e+00, v61  }
0xbd: {  	v63, _, _ =	vpop (xrf2);
	[tilespmem:v4+s22+$0x0] =	vst.idx.add.f32.msk vm3, v61  }
0xbe: {  	v11 =	vsub.f32 $0.0e+00, v63;
	[tilespmem:v5+s22+$0x0] =	vst.idx.add.f32.msk vm2, v62  }
0xbf: {  	v12, _, _ =	vpop (xrf2);
	[tilespmem:v4+s23+$0x0] =	vst.idx.add.f32.msk vm3, v63  }
0xc0: {  	v13 =	vsub.f32 $0.0e+00, v12;
	[tilespmem:v5+s23+$0x0] =	vst.idx.add.f32.msk vm2, v11  }
0xc1: {  	v14, _, _ =	vpop (xrf2);
	[tilespmem:v4+s24+$0x0] =	vst.idx.add.f32.msk vm3, v12  }
0xc2: {  	v15 =	vsub.f32 $0.0e+00, v14;
	[tilespmem:v5+s24+$0x0] =	vst.idx.add.f32.msk vm2, v13  }
0xc3: {  	[tilespmem:v4+s25+$0x0] =	vst.idx.add.f32.msk vm3, v14  }
0xc4: {  	[tilespmem:v5+s25+$0x0] =	vst.idx.add.f32.msk vm2, v15  }
0xc5: {  	v4 =	vld [tilespmem:s17+$0x8C0]  }
0xc6: {  	v5 =	vld [tilespmem:s17+$0x10C0];
	_ =	sdelay $0x1  }
0xc7: {  	v6 =	vld [tilespmem:s17+$0x18C0]  }
0xc8: {  	v7 =	vld [tilespmem:s17+$0x40]  }
0xc9: {  	v8 =	vld [tilespmem:s17+$0x20C0]  }
0xca: {  	v16 =	vld [tilespmem:s17+$0x41];
	v5 =	vmul.f32 v5, v4;
	_ =	sdelay $0x1  }
0xcb: {  	v6 =	vmul.f32 v6, v4;
	(xrf2) =	vadd.scan.msk.f32 $0xffff, v5;
	_ =	sdelay $0x1  }
0xcc: {  	v5 =	vmul.f32 v8, v4;
	(xrf2) =	vadd.scan.msk.f32 $0xffff, v6  }
0xcd: {  	vm2 =	vne.s32 v7, v16;
	v17 =	vsub.s32 v7, v0  }
0xce: {  	v18 =	vsub.s32 v16, v0;
	vm3 =	vlt.u32 v17, $0x800;
	vm9 =	vmor vm2, vm0;
	(xrf2) =	vadd.scan.msk.f32 $0xffff, v5  }
0xcf: {  	v19 =	vand.u32 $0x7F, v16;
	vm8 =	vlt.u32 v18, $0x800;
	vm3 =	vmand vm3, vm9  }
0xd0: {  	vm2 =	vmand vm2, vm8;
	v5 =	vand.u32 $0x7F, v7;
	(xrf2) =	vadd.scan.msk.f32 $0xffff, v4;
	v4 =	vand.u32 $0xFFFFFF80, v17  }
0xd1: {  	vm2 =	vmand vm2, vm1;
	v4 =	vor.u32 v5, v4;
	v5 =	vand.u32 $0xFFFFFF80, v18  }
0xd2: {  	v5 =	vor.u32 v19, v5;
	_ =	sdelay $0x1  }
0xd3: {  	v20, _, _ =	vpop (xrf2)  }
0xd4: {  	v21 =	vsub.f32 $0.0e+00, v20  }
0xd5: {  	v22, _, _ =	vpop (xrf2);
	[tilespmem:v4+s22+$0x0] =	vst.idx.add.f32.msk vm3, v20  }
0xd6: {  	v23 =	vsub.f32 $0.0e+00, v22;
	[tilespmem:v5+s22+$0x0] =	vst.idx.add.f32.msk vm2, v21  }
0xd7: {  	v24, _, _ =	vpop (xrf2);
	[tilespmem:v4+s23+$0x0] =	vst.idx.add.f32.msk vm3, v22  }
0xd8: {  	v25 =	vsub.f32 $0.0e+00, v24;
	[tilespmem:v5+s23+$0x0] =	vst.idx.add.f32.msk vm2, v23  }
0xd9: {  	v26, _, _ =	vpop (xrf2);
	[tilespmem:v4+s24+$0x0] =	vst.idx.add.f32.msk vm3, v24  }
0xda: {  	v27 =	vsub.f32 $0.0e+00, v26;
	[tilespmem:v5+s24+$0x0] =	vst.idx.add.f32.msk vm2, v25  }
0xdb: {  	[tilespmem:v4+s25+$0x0] =	vst.idx.add.f32.msk vm3, v26  }
0xdc: {  	[tilespmem:v5+s25+$0x0] =	vst.idx.add.f32.msk vm2, v27  }
0xdd: {  	v4 =	vld [tilespmem:s17+$0x8D0]  }
0xde: {  	v5 =	vld [tilespmem:s17+$0x10D0];
	_ =	sdelay $0x1  }
0xdf: {  	v6 =	vld [tilespmem:s17+$0x18D0]  }
0xe0: {  	v7 =	vld [tilespmem:s17+$0x50]  }
0xe1: {  	v8 =	vld [tilespmem:s17+$0x20D0]  }
0xe2: {  	v28 =	vld [tilespmem:s17+$0x51];
	v5 =	vmul.f32 v5, v4;
	_ =	sdelay $0x1  }
0xe3: {  	v6 =	vmul.f32 v6, v4;
	(xrf2) =	vadd.scan.msk.f32 $0xffff, v5;
	_ =	sdelay $0x1  }
0xe4: {  	v5 =	vmul.f32 v8, v4;
	(xrf2) =	vadd.scan.msk.f32 $0xffff, v6  }
0xe5: {  	vm2 =	vne.s32 v7, v28;
	v29 =	vsub.s32 v7, v0  }
0xe6: {  	v30 =	vsub.s32 v28, v0;
	vm3 =	vlt.u32 v29, $0x800;
	vm11 =	vmor vm2, vm0;
	(xrf2) =	vadd.scan.msk.f32 $0xffff, v5  }
0xe7: {  	v31 =	vand.u32 $0x7F, v28;
	vm10 =	vlt.u32 v30, $0x800;
	vm3 =	vmand vm3, vm11  }
0xe8: {  	vm2 =	vmand vm2, vm10;
	v5 =	vand.u32 $0x7F, v7;
	(xrf2) =	vadd.scan.msk.f32 $0xffff, v4;
	v4 =	vand.u32 $0xFFFFFF80, v29  }
0xe9: {  	vm2 =	vmand vm2, vm1;
	v4 =	vor.u32 v5, v4;
	v5 =	vand.u32 $0xFFFFFF80, v30  }
0xea: {  	v5 =	vor.u32 v31, v5;
	_ =	sdelay $0x1  }
0xeb: {  	v32, _, _ =	vpop (xrf2)  }
0xec: {  	v33 =	vsub.f32 $0.0e+00, v32  }
0xed: {  	v34, _, _ =	vpop (xrf2);
	[tilespmem:v4+s22+$0x0] =	vst.idx.add.f32.msk vm3, v32  }
0xee: {  	v35 =	vsub.f32 $0.0e+00, v34;
	[tilespmem:v5+s22+$0x0] =	vst.idx.add.f32.msk vm2, v33  }
0xef: {  	v36, _, _ =	vpop (xrf2);
	[tilespmem:v4+s23+$0x0] =	vst.idx.add.f32.msk vm3, v34  }
0xf0: {  	v37 =	vsub.f32 $0.0e+00, v36;
	[tilespmem:v5+s23+$0x0] =	vst.idx.add.f32.msk vm2, v35  }
0xf1: {  	v38, _, _ =	vpop (xrf2);
	[tilespmem:v4+s24+$0x0] =	vst.idx.add.f32.msk vm3, v36  }
0xf2: {  	v39 =	vsub.f32 $0.0e+00, v38;
	[tilespmem:v5+s24+$0x0] =	vst.idx.add.f32.msk vm2, v37  }
0xf3: {  	[tilespmem:v4+s25+$0x0] =	vst.idx.add.f32.msk vm3, v38  }
0xf4: {  	[tilespmem:v5+s25+$0x0] =	vst.idx.add.f32.msk vm2, v39  }
0xf5: {  	v4 =	vld [tilespmem:s17+$0x8E0]  }
0xf6: {  	v5 =	vld [tilespmem:s17+$0x10E0];
	_ =	sdelay $0x1  }
0xf7: {  	v6 =	vld [tilespmem:s17+$0x18E0]  }
0xf8: {  	v7 =	vld [tilespmem:s17+$0x60]  }
0xf9: {  	v8 =	vld [tilespmem:s17+$0x20E0]  }
0xfa: {  	v40 =	vld [tilespmem:s17+$0x61];
	v5 =	vmul.f32 v5, v4;
	_ =	sdelay $0x1  }
0xfb: {  	v6 =	vmul.f32 v6, v4;
	(xrf2) =	vadd.scan.msk.f32 $0xffff, v5;
	_ =	sdelay $0x1  }
0xfc: {  	v5 =	vmul.f32 v8, v4;
	(xrf2) =	vadd.scan.msk.f32 $0xffff, v6  }
0xfd: {  	vm2 =	vne.s32 v7, v40;
	v41 =	vsub.s32 v7, v0  }
0xfe: {  	v42 =	vsub.s32 v40, v0;
	vm3 =	vlt.u32 v41, $0x800;
	vm13 =	vmor vm2, vm0;
	(xrf2) =	vadd.scan.msk.f32 $0xffff, v5  }
0xff: {  	v43 =	vand.u32 $0x7F, v40;
	vm12 =	vlt.u32 v42, $0x800;
	vm3 =	vmand vm3, vm13  }
0x100: {  	vm2 =	vmand vm2, vm12;
	v5 =	vand.u32 $0x7F, v7;
	(xrf2) =	vadd.scan.msk.f32 $0xffff, v4;
	v4 =	vand.u32 $0xFFFFFF80, v41  }
0x101: {  	vm2 =	vmand vm2, vm1;
	v4 =	vor.u32 v5, v4;
	v5 =	vand.u32 $0xFFFFFF80, v42  }
0x102: {  	v5 =	vor.u32 v43, v5;
	_ =	sdelay $0x1  }
0x103: {  	v44, _, _ =	vpop (xrf2)  }
0x104: {  	v45 =	vsub.f32 $0.0e+00, v44  }
0x105: {  	v46, _, _ =	vpop (xrf2);
	[tilespmem:v4+s22+$0x0] =	vst.idx.add.f32.msk vm3, v44  }
0x106: {  	v47 =	vsub.f32 $0.0e+00, v46;
	[tilespmem:v5+s22+$0x0] =	vst.idx.add.f32.msk vm2, v45  }
0x107: {  	v48, _, _ =	vpop (xrf2);
	[tilespmem:v4+s23+$0x0] =	vst.idx.add.f32.msk vm3, v46  }
0x108: {  	v49 =	vsub.f32 $0.0e+00, v48;
	[tilespmem:v5+s23+$0x0] =	vst.idx.add.f32.msk vm2, v47  }
0x109: {  	v50, _, _ =	vpop (xrf2);
	[tilespmem:v4+s24+$0x0] =	vst.idx.add.f32.msk vm3, v48  }
0x10a: {  	v51 =	vsub.f32 $0.0e+00, v50;
	[tilespmem:v5+s24+$0x0] =	vst.idx.add.f32.msk vm2, v49  }
0x10b: {  	[tilespmem:v4+s25+$0x0] =	vst.idx.add.f32.msk vm3, v50  }
0x10c: {  	[tilespmem:v5+s25+$0x0] =	vst.idx.add.f32.msk vm2, v51  }
0x10d: {  	v4 =	vld [tilespmem:s17+$0x8F0]  }
0x10e: {  	v5 =	vld [tilespmem:s17+$0x10F0];
	_ =	sdelay $0x1  }
0x10f: {  	v6 =	vld [tilespmem:s17+$0x18F0]  }
0x110: {  	v7 =	vld [tilespmem:s17+$0x70]  }
0x111: {  	v8 =	vld [tilespmem:s17+$0x20F0]  }
0x112: {  	v52 =	vld [tilespmem:s17+$0x71];
	v5 =	vmul.f32 v5, v4;
	_ =	sdelay $0x1  }
0x113: {  	v6 =	vmul.f32 v6, v4;
	(xrf2) =	vadd.scan.msk.f32 $0xffff, v5;
	_ =	sdelay $0x1  }
0x114: {  	v5 =	vmul.f32 v8, v4;
	(xrf2) =	vadd.scan.msk.f32 $0xffff, v6  }
0x115: {  	vm2 =	vne.s32 v7, v52;
	v53 =	vsub.s32 v7, v0  }
0x116: {  	v54 =	vsub.s32 v52, v0;
	vm3 =	vlt.u32 v53, $0x800;
	vm15 =	vmor vm2, vm0;
	(xrf2) =	vadd.scan.msk.f32 $0xffff, v5  }
0x117: {  	v55 =	vand.u32 $0x7F, v52;
	vm14 =	vlt.u32 v54, $0x800;
	vm3 =	vmand vm3, vm15  }
0x118: {  	vm2 =	vmand vm2, vm14;
	v5 =	vand.u32 $0x7F, v7;
	(xrf2) =	vadd.scan.msk.f32 $0xffff, v4;
	v4 =	vand.u32 $0xFFFFFF80, v53  }
0x119: {  	vm2 =	vmand vm2, vm1;
	v4 =	vor.u32 v5, v4;
	v5 =	vand.u32 $0xFFFFFF80, v54  }
0x11a: {  	v5 =	vor.u32 v55, v5;
	_ =	sdelay $0x1  }
0x11b: {  	v56, _, _ =	vpop (xrf2)  }
0x11c: {  	v57 =	vsub.f32 $0.0e+00, v56  }
0x11d: {  	v58, _, _ =	vpop (xrf2);
	[tilespmem:v4+s22+$0x0] =	vst.idx.add.f32.msk vm3, v56  }
0x11e: {  	v59 =	vsub.f32 $0.0e+00, v58;
	[tilespmem:v5+s22+$0x0] =	vst.idx.add.f32.msk vm2, v57  }
0x11f: {  	p0 =	sne.s32 s6, $0x1E00;
	v60, _, _ =	vpop (xrf2);
	[tilespmem:v4+s23+$0x0] =	vst.idx.add.f32.msk vm3, v58  }
.Ltmp5:
0x120: {  	v61 =	vsub.f32 $0.0e+00, v60;
	[tilespmem:v5+s23+$0x0] =	vst.idx.add.f32.msk vm2, v59;
	(pc) =	sbr.rel @p0 .LBB2_7-.Ltmp5, $4  }
0x121: {  	v62, _, _ =	vpop (xrf2);
	[tilespmem:v4+s24+$0x0] =	vst.idx.add.f32.msk vm3, v60  }
0x122: {  	v63 =	vsub.f32 $0.0e+00, v62;
	[tilespmem:v5+s24+$0x0] =	vst.idx.add.f32.msk vm2, v61  }
0x123: {  	[tilespmem:v4+s25+$0x0] =	vst.idx.add.f32.msk vm3, v62  }
0x124: {  	s6 =	sadd.s32 $0x200, s6;
	[tilespmem:v5+s25+$0x0] =	vst.idx.add.f32.msk vm2, v63  }
0x125: {  	p0 =	seq.s32 s4, $0x0  }
.Ltmp6:
0x126: {  	_ = 	snop;
	(pc) =	sbr.rel @p0 .LBB2_11-.Ltmp6, $1  }
0x127: {  	_ =	sdelay $0x3  }
.LBB2_9:
0x128: {  	_ =	swait.ge [sflag:s21], $0x800  }
0x129: {  	[sflag:s21] =	ssyncset.done $0x0  }
0x12a: {  	[sflag:s21] =	ssyncadd.s32 $0xFFFFF800  }
0x12b: {  	_ =	swait.ge [sflag:s21], $0x800  }
0x12c: {  	[sflag:s21] =	ssyncset.done $0x0  }
0x12d: {  	[sflag:s21] =	ssyncadd.s32 $0xFFFFF800  }
0x12e: {  	_ =	swait.ge [sflag:s21], $0x800  }
0x12f: {  	[sflag:s21] =	ssyncset.done $0x0  }
0x130: {  	[sflag:s21] =	ssyncadd.s32 $0xFFFFF800  }
0x131: {  	_ =	swait.ge [sflag:s21], $0x800  }
0x132: {  	[sflag:s21] =	ssyncset.done $0x0  }
0x133: {  	p0 =	sge.s32 s31, s30;
	[sflag:s21] =	ssyncadd.s32 $0xFFFFF800  }
0x134: {  	s4 =	sshll.u32 @!p0 s31, $0x8;
	_ =	swait.ge [sflag:s21], $0x800  }
0x135: {  	s4 =	sand.u32 @!p0 $0x1FFFFF00, s4;
	[sflag:s21] =	ssyncset.done $0x0  }
0x136: {  	s17 =	simm.s32 @!p0 $0x0;
	s6 =	sadd.s32 @!p0 s5, s4;
	[sflag:s21] =	ssyncadd.s32 $0xFFFFF800  }
0x137: {  	[tilespmem:s17], [sflag:$0x1] =	stream.linear.gather @!p0 [hbm4b:s6+s17], $0x800, $0x38;
	[tilespmem:$0x8A00] =	vst v63  }
0x138: {  	s18 =	simm.s32 @!p0 $0x880;
	s6 =	sadd.s32 @!p0 s3, s4  }
0x139: {  	[tilespmem:s18], [sflag:$0x1] =	stream.linear.gather @!p0 [hbm4b:s6+s17], $0x800, $0x38;
	[tilespmem:$0x8A00] =	vst v63  }
0x13a: {  	s6 =	sadd.s32 @!p0 s0, s4;
	s18 =	simm.s32 @!p0 $0x1080  }
0x13b: {  	[tilespmem:s18], [sflag:$0x1] =	stream.linear.gather @!p0 [hbm4b:s6+s17], $0x800, $0x38;
	[tilespmem:$0x8A00] =	vst v63  }
0x13c: {  	s6 =	sadd.s32 @!p0 s1, s4;
	s18 =	simm.s32 @!p0 $0x1880  }
0x13d: {  	[tilespmem:s18], [sflag:$0x1] =	stream.linear.gather @!p0 [hbm4b:s6+s17], $0x800, $0x38;
	[tilespmem:$0x8A00] =	vst v63  }
0x13e: {  	s4 =	sadd.s32 @!p0 s2, s4;
	s6 =	simm.s32 @!p0 $0x2080  }
0x13f: {  	[tilespmem:s6], [sflag:$0x1] =	stream.linear.gather @!p0 [hbm4b:s4+s17], $0x800, $0x38;
	[tilespmem:$0x8A00] =	vst v63  }
0x140: {  	s4 =	simm.s32 $0x0  }
.LBB2_10:
0x141: {  	s6 =	sshra.s32 s4, $0x2  }
0x142: {  	v4 =	vld [tilespmem:s6+$0x3100]  }
0x143: {  	v5 =	vld [tilespmem:s6+$0x3900];
	_ =	sdelay $0x1  }
0x144: {  	v6 =	vld [tilespmem:s6+$0x4100]  }
0x145: {  	v7 =	vld [tilespmem:s6+$0x2880]  }
0x146: {  	v8 =	vld [tilespmem:s6+$0x4900]  }
0x147: {  	v9 =	vld [tilespmem:s6+$0x2881];
	v5 =	vmul.f32 v5, v4;
	_ =	sdelay $0x1  }
0x148: {  	v6 =	vmul.f32 v6, v4;
	(xrf2) =	vadd.scan.msk.f32 $0xffff, v5;
	_ =	sdelay $0x1  }
0x149: {  	v5 =	vmul.f32 v8, v4;
	(xrf2) =	vadd.scan.msk.f32 $0xffff, v6  }
0x14a: {  	vm2 =	vne.s32 v7, v9;
	v22 =	vsub.s32 v7, v0  }
0x14b: {  	v23 =	vsub.s32 v9, v0;
	vm3 =	vlt.u32 v22, $0x800;
	vm5 =	vmor vm2, vm0;
	(xrf2) =	vadd.scan.msk.f32 $0xffff, v5  }
0x14c: {  	v24 =	vand.u32 $0x7F, v9;
	vm4 =	vlt.u32 v23, $0x800;
	vm3 =	vmand vm3, vm5  }
0x14d: {  	vm2 =	vmand vm2, vm4;
	v5 =	vand.u32 $0x7F, v7;
	(xrf2) =	vadd.scan.msk.f32 $0xffff, v4;
	v4 =	vand.u32 $0xFFFFFF80, v22  }
0x14e: {  	vm2 =	vmand vm2, vm1;
	v4 =	vor.u32 v5, v4;
	v5 =	vand.u32 $0xFFFFFF80, v23  }
0x14f: {  	v5 =	vor.u32 v24, v5;
	_ =	sdelay $0x1  }
0x150: {  	v25, _, _ =	vpop (xrf2)  }
0x151: {  	v26 =	vsub.f32 $0.0e+00, v25  }
0x152: {  	v27, _, _ =	vpop (xrf2);
	[tilespmem:v4+s22+$0x0] =	vst.idx.add.f32.msk vm3, v25  }
0x153: {  	v28 =	vsub.f32 $0.0e+00, v27;
	[tilespmem:v5+s22+$0x0] =	vst.idx.add.f32.msk vm2, v26  }
0x154: {  	v29, _, _ =	vpop (xrf2);
	[tilespmem:v4+s23+$0x0] =	vst.idx.add.f32.msk vm3, v27  }
0x155: {  	v30 =	vsub.f32 $0.0e+00, v29;
	[tilespmem:v5+s23+$0x0] =	vst.idx.add.f32.msk vm2, v28  }
0x156: {  	v31, _, _ =	vpop (xrf2);
	[tilespmem:v4+s24+$0x0] =	vst.idx.add.f32.msk vm3, v29  }
0x157: {  	v32 =	vsub.f32 $0.0e+00, v31;
	[tilespmem:v5+s24+$0x0] =	vst.idx.add.f32.msk vm2, v30  }
0x158: {  	[tilespmem:v4+s25+$0x0] =	vst.idx.add.f32.msk vm3, v31  }
0x159: {  	[tilespmem:v5+s25+$0x0] =	vst.idx.add.f32.msk vm2, v32  }
0x15a: {  	v4 =	vld [tilespmem:s6+$0x3110]  }
0x15b: {  	v5 =	vld [tilespmem:s6+$0x3910];
	_ =	sdelay $0x1  }
0x15c: {  	v6 =	vld [tilespmem:s6+$0x4110]  }
0x15d: {  	v7 =	vld [tilespmem:s6+$0x2890]  }
0x15e: {  	v8 =	vld [tilespmem:s6+$0x4910]  }
0x15f: {  	v33 =	vld [tilespmem:s6+$0x2891];
	v5 =	vmul.f32 v5, v4;
	_ =	sdelay $0x1  }
0x160: {  	v6 =	vmul.f32 v6, v4;
	(xrf2) =	vadd.scan.msk.f32 $0xffff, v5;
	_ =	sdelay $0x1  }
0x161: {  	v5 =	vmul.f32 v8, v4;
	(xrf2) =	vadd.scan.msk.f32 $0xffff, v6  }
0x162: {  	vm2 =	vne.s32 v7, v33;
	v34 =	vsub.s32 v7, v0  }
0x163: {  	v35 =	vsub.s32 v33, v0;
	vm3 =	vlt.u32 v34, $0x800;
	vm11 =	vmor vm2, vm0;
	(xrf2) =	vadd.scan.msk.f32 $0xffff, v5  }
0x164: {  	v36 =	vand.u32 $0x7F, v33;
	vm10 =	vlt.u32 v35, $0x800;
	vm3 =	vmand vm3, vm11  }
0x165: {  	vm2 =	vmand vm2, vm10;
	v5 =	vand.u32 $0x7F, v7;
	(xrf2) =	vadd.scan.msk.f32 $0xffff, v4;
	v4 =	vand.u32 $0xFFFFFF80, v34  }
0x166: {  	vm2 =	vmand vm2, vm1;
	v4 =	vor.u32 v5, v4;
	v5 =	vand.u32 $0xFFFFFF80, v35  }
0x167: {  	v5 =	vor.u32 v36, v5;
	_ =	sdelay $0x1  }
0x168: {  	v37, _, _ =	vpop (xrf2)  }
0x169: {  	v38 =	vsub.f32 $0.0e+00, v37  }
0x16a: {  	v39, _, _ =	vpop (xrf2);
	[tilespmem:v4+s22+$0x0] =	vst.idx.add.f32.msk vm3, v37  }
0x16b: {  	v40 =	vsub.f32 $0.0e+00, v39;
	[tilespmem:v5+s22+$0x0] =	vst.idx.add.f32.msk vm2, v38  }
0x16c: {  	v41, _, _ =	vpop (xrf2);
	[tilespmem:v4+s23+$0x0] =	vst.idx.add.f32.msk vm3, v39  }
0x16d: {  	v42 =	vsub.f32 $0.0e+00, v41;
	[tilespmem:v5+s23+$0x0] =	vst.idx.add.f32.msk vm2, v40  }
0x16e: {  	v43, _, _ =	vpop (xrf2);
	[tilespmem:v4+s24+$0x0] =	vst.idx.add.f32.msk vm3, v41  }
0x16f: {  	v44 =	vsub.f32 $0.0e+00, v43;
	[tilespmem:v5+s24+$0x0] =	vst.idx.add.f32.msk vm2, v42  }
0x170: {  	[tilespmem:v4+s25+$0x0] =	vst.idx.add.f32.msk vm3, v43  }
0x171: {  	[tilespmem:v5+s25+$0x0] =	vst.idx.add.f32.msk vm2, v44  }
0x172: {  	v4 =	vld [tilespmem:s6+$0x3120]  }
0x173: {  	v5 =	vld [tilespmem:s6+$0x3920];
	_ =	sdelay $0x1  }
0x174: {  	v6 =	vld [tilespmem:s6+$0x4120]  }
0x175: {  	v7 =	vld [tilespmem:s6+$0x28A0]  }
0x176: {  	v8 =	vld [tilespmem:s6+$0x4920]  }
0x177: {  	v45 =	vld [tilespmem:s6+$0x28A1];
	v5 =	vmul.f32 v5, v4;
	_ =	sdelay $0x1  }
0x178: {  	v6 =	vmul.f32 v6, v4;
	(xrf2) =	vadd.scan.msk.f32 $0xffff, v5;
	_ =	sdelay $0x1  }
0x179: {  	v5 =	vmul.f32 v8, v4;
	(xrf2) =	vadd.scan.msk.f32 $0xffff, v6  }
0x17a: {  	vm2 =	vne.s32 v7, v45;
	v46 =	vsub.s32 v7, v0  }
0x17b: {  	v47 =	vsub.s32 v45, v0;
	vm3 =	vlt.u32 v46, $0x800;
	vm13 =	vmor vm2, vm0;
	(xrf2) =	vadd.scan.msk.f32 $0xffff, v5  }
0x17c: {  	v48 =	vand.u32 $0x7F, v45;
	vm12 =	vlt.u32 v47, $0x800;
	vm3 =	vmand vm3, vm13  }
0x17d: {  	vm2 =	vmand vm2, vm12;
	v5 =	vand.u32 $0x7F, v7;
	(xrf2) =	vadd.scan.msk.f32 $0xffff, v4;
	v4 =	vand.u32 $0xFFFFFF80, v46  }
0x17e: {  	vm2 =	vmand vm2, vm1;
	v4 =	vor.u32 v5, v4;
	v5 =	vand.u32 $0xFFFFFF80, v47  }
0x17f: {  	v5 =	vor.u32 v48, v5;
	_ =	sdelay $0x1  }
0x180: {  	v49, _, _ =	vpop (xrf2)  }
0x181: {  	v50 =	vsub.f32 $0.0e+00, v49  }
0x182: {  	v51, _, _ =	vpop (xrf2);
	[tilespmem:v4+s22+$0x0] =	vst.idx.add.f32.msk vm3, v49  }
0x183: {  	v52 =	vsub.f32 $0.0e+00, v51;
	[tilespmem:v5+s22+$0x0] =	vst.idx.add.f32.msk vm2, v50  }
0x184: {  	v53, _, _ =	vpop (xrf2);
	[tilespmem:v4+s23+$0x0] =	vst.idx.add.f32.msk vm3, v51  }
0x185: {  	v54 =	vsub.f32 $0.0e+00, v53;
	[tilespmem:v5+s23+$0x0] =	vst.idx.add.f32.msk vm2, v52  }
0x186: {  	v55, _, _ =	vpop (xrf2);
	[tilespmem:v4+s24+$0x0] =	vst.idx.add.f32.msk vm3, v53  }
0x187: {  	v56 =	vsub.f32 $0.0e+00, v55;
	[tilespmem:v5+s24+$0x0] =	vst.idx.add.f32.msk vm2, v54  }
0x188: {  	[tilespmem:v4+s25+$0x0] =	vst.idx.add.f32.msk vm3, v55  }
0x189: {  	[tilespmem:v5+s25+$0x0] =	vst.idx.add.f32.msk vm2, v56  }
0x18a: {  	v4 =	vld [tilespmem:s6+$0x3130]  }
0x18b: {  	v5 =	vld [tilespmem:s6+$0x3930];
	_ =	sdelay $0x1  }
0x18c: {  	v6 =	vld [tilespmem:s6+$0x4130]  }
0x18d: {  	v7 =	vld [tilespmem:s6+$0x28B0]  }
0x18e: {  	v8 =	vld [tilespmem:s6+$0x4930]  }
0x18f: {  	v57 =	vld [tilespmem:s6+$0x28B1];
	v5 =	vmul.f32 v5, v4;
	_ =	sdelay $0x1  }
0x190: {  	v6 =	vmul.f32 v6, v4;
	(xrf2) =	vadd.scan.msk.f32 $0xffff, v5;
	_ =	sdelay $0x1  }
0x191: {  	v5 =	vmul.f32 v8, v4;
	(xrf2) =	vadd.scan.msk.f32 $0xffff, v6  }
0x192: {  	vm2 =	vne.s32 v7, v57;
	v58 =	vsub.s32 v7, v0  }
0x193: {  	v59 =	vsub.s32 v57, v0;
	vm3 =	vlt.u32 v58, $0x800;
	vm15 =	vmor vm2, vm0;
	(xrf2) =	vadd.scan.msk.f32 $0xffff, v5  }
0x194: {  	v60 =	vand.u32 $0x7F, v57;
	vm14 =	vlt.u32 v59, $0x800;
	vm3 =	vmand vm3, vm15  }
0x195: {  	vm2 =	vmand vm2, vm14;
	v5 =	vand.u32 $0x7F, v7;
	(xrf2) =	vadd.scan.msk.f32 $0xffff, v4;
	v4 =	vand.u32 $0xFFFFFF80, v58  }
0x196: {  	vm2 =	vmand vm2, vm1;
	v4 =	vor.u32 v5, v4;
	v5 =	vand.u32 $0xFFFFFF80, v59  }
0x197: {  	v5 =	vor.u32 v60, v5;
	_ =	sdelay $0x1  }
0x198: {  	v61, _, _ =	vpop (xrf2)  }
0x199: {  	v62 =	vsub.f32 $0.0e+00, v61  }
0x19a: {  	v63, _, _ =	vpop (xrf2);
	[tilespmem:v4+s22+$0x0] =	vst.idx.add.f32.msk vm3, v61  }
0x19b: {  	v11 =	vsub.f32 $0.0e+00, v63;
	[tilespmem:v5+s22+$0x0] =	vst.idx.add.f32.msk vm2, v62  }
0x19c: {  	v12, _, _ =	vpop (xrf2);
	[tilespmem:v4+s23+$0x0] =	vst.idx.add.f32.msk vm3, v63  }
0x19d: {  	v13 =	vsub.f32 $0.0e+00, v12;
	[tilespmem:v5+s23+$0x0] =	vst.idx.add.f32.msk vm2, v11  }
0x19e: {  	v14, _, _ =	vpop (xrf2);
	[tilespmem:v4+s24+$0x0] =	vst.idx.add.f32.msk vm3, v12  }
0x19f: {  	v15 =	vsub.f32 $0.0e+00, v14;
	[tilespmem:v5+s24+$0x0] =	vst.idx.add.f32.msk vm2, v13  }
0x1a0: {  	[tilespmem:v4+s25+$0x0] =	vst.idx.add.f32.msk vm3, v14  }
0x1a1: {  	[tilespmem:v5+s25+$0x0] =	vst.idx.add.f32.msk vm2, v15  }
0x1a2: {  	v4 =	vld [tilespmem:s6+$0x3140]  }
0x1a3: {  	v5 =	vld [tilespmem:s6+$0x3940];
	_ =	sdelay $0x1  }
0x1a4: {  	v6 =	vld [tilespmem:s6+$0x4140]  }
0x1a5: {  	v7 =	vld [tilespmem:s6+$0x28C0]  }
0x1a6: {  	v8 =	vld [tilespmem:s6+$0x4940]  }
0x1a7: {  	v16 =	vld [tilespmem:s6+$0x28C1];
	v5 =	vmul.f32 v5, v4;
	_ =	sdelay $0x1  }
0x1a8: {  	v6 =	vmul.f32 v6, v4;
	(xrf2) =	vadd.scan.msk.f32 $0xffff, v5;
	_ =	sdelay $0x1  }
0x1a9: {  	v5 =	vmul.f32 v8, v4;
	(xrf2) =	vadd.scan.msk.f32 $0xffff, v6  }
0x1aa: {  	vm2 =	vne.s32 v7, v16;
	v17 =	vsub.s32 v7, v0  }
0x1ab: {  	v18 =	vsub.s32 v16, v0;
	vm3 =	vlt.u32 v17, $0x800;
	vm9 =	vmor vm2, vm0;
	(xrf2) =	vadd.scan.msk.f32 $0xffff, v5  }
0x1ac: {  	v19 =	vand.u32 $0x7F, v16;
	vm8 =	vlt.u32 v18, $0x800;
	vm3 =	vmand vm3, vm9  }
0x1ad: {  	vm2 =	vmand vm2, vm8;
	v5 =	vand.u32 $0x7F, v7;
	(xrf2) =	vadd.scan.msk.f32 $0xffff, v4;
	v4 =	vand.u32 $0xFFFFFF80, v17  }
0x1ae: {  	vm2 =	vmand vm2, vm1;
	v4 =	vor.u32 v5, v4;
	v5 =	vand.u32 $0xFFFFFF80, v18  }
0x1af: {  	v5 =	vor.u32 v19, v5;
	_ =	sdelay $0x1  }
0x1b0: {  	v20, _, _ =	vpop (xrf2)  }
0x1b1: {  	v21 =	vsub.f32 $0.0e+00, v20  }
0x1b2: {  	v22, _, _ =	vpop (xrf2);
	[tilespmem:v4+s22+$0x0] =	vst.idx.add.f32.msk vm3, v20  }
0x1b3: {  	v23 =	vsub.f32 $0.0e+00, v22;
	[tilespmem:v5+s22+$0x0] =	vst.idx.add.f32.msk vm2, v21  }
0x1b4: {  	v24, _, _ =	vpop (xrf2);
	[tilespmem:v4+s23+$0x0] =	vst.idx.add.f32.msk vm3, v22  }
0x1b5: {  	v25 =	vsub.f32 $0.0e+00, v24;
	[tilespmem:v5+s23+$0x0] =	vst.idx.add.f32.msk vm2, v23  }
0x1b6: {  	v26, _, _ =	vpop (xrf2);
	[tilespmem:v4+s24+$0x0] =	vst.idx.add.f32.msk vm3, v24  }
0x1b7: {  	v27 =	vsub.f32 $0.0e+00, v26;
	[tilespmem:v5+s24+$0x0] =	vst.idx.add.f32.msk vm2, v25  }
0x1b8: {  	[tilespmem:v4+s25+$0x0] =	vst.idx.add.f32.msk vm3, v26  }
0x1b9: {  	[tilespmem:v5+s25+$0x0] =	vst.idx.add.f32.msk vm2, v27  }
0x1ba: {  	v4 =	vld [tilespmem:s6+$0x3150]  }
0x1bb: {  	v5 =	vld [tilespmem:s6+$0x3950];
	_ =	sdelay $0x1  }
0x1bc: {  	v6 =	vld [tilespmem:s6+$0x4150]  }
0x1bd: {  	v7 =	vld [tilespmem:s6+$0x28D0]  }
0x1be: {  	v8 =	vld [tilespmem:s6+$0x4950]  }
0x1bf: {  	v28 =	vld [tilespmem:s6+$0x28D1];
	v5 =	vmul.f32 v5, v4;
	_ =	sdelay $0x1  }
0x1c0: {  	v6 =	vmul.f32 v6, v4;
	(xrf2) =	vadd.scan.msk.f32 $0xffff, v5;
	_ =	sdelay $0x1  }
0x1c1: {  	v5 =	vmul.f32 v8, v4;
	(xrf2) =	vadd.scan.msk.f32 $0xffff, v6  }
0x1c2: {  	vm2 =	vne.s32 v7, v28;
	v29 =	vsub.s32 v7, v0  }
0x1c3: {  	v30 =	vsub.s32 v28, v0;
	vm3 =	vlt.u32 v29, $0x800;
	vm11 =	vmor vm2, vm0;
	(xrf2) =	vadd.scan.msk.f32 $0xffff, v5  }
0x1c4: {  	v31 =	vand.u32 $0x7F, v28;
	vm10 =	vlt.u32 v30, $0x800;
	vm3 =	vmand vm3, vm11  }
0x1c5: {  	vm2 =	vmand vm2, vm10;
	v5 =	vand.u32 $0x7F, v7;
	(xrf2) =	vadd.scan.msk.f32 $0xffff, v4;
	v4 =	vand.u32 $0xFFFFFF80, v29  }
0x1c6: {  	vm2 =	vmand vm2, vm1;
	v4 =	vor.u32 v5, v4;
	v5 =	vand.u32 $0xFFFFFF80, v30  }
0x1c7: {  	v5 =	vor.u32 v31, v5;
	_ =	sdelay $0x1  }
0x1c8: {  	v32, _, _ =	vpop (xrf2)  }
0x1c9: {  	v33 =	vsub.f32 $0.0e+00, v32  }
0x1ca: {  	v34, _, _ =	vpop (xrf2);
	[tilespmem:v4+s22+$0x0] =	vst.idx.add.f32.msk vm3, v32  }
0x1cb: {  	v35 =	vsub.f32 $0.0e+00, v34;
	[tilespmem:v5+s22+$0x0] =	vst.idx.add.f32.msk vm2, v33  }
0x1cc: {  	v36, _, _ =	vpop (xrf2);
	[tilespmem:v4+s23+$0x0] =	vst.idx.add.f32.msk vm3, v34  }
0x1cd: {  	v37 =	vsub.f32 $0.0e+00, v36;
	[tilespmem:v5+s23+$0x0] =	vst.idx.add.f32.msk vm2, v35  }
0x1ce: {  	v38, _, _ =	vpop (xrf2);
	[tilespmem:v4+s24+$0x0] =	vst.idx.add.f32.msk vm3, v36  }
0x1cf: {  	v39 =	vsub.f32 $0.0e+00, v38;
	[tilespmem:v5+s24+$0x0] =	vst.idx.add.f32.msk vm2, v37  }
0x1d0: {  	[tilespmem:v4+s25+$0x0] =	vst.idx.add.f32.msk vm3, v38  }
0x1d1: {  	[tilespmem:v5+s25+$0x0] =	vst.idx.add.f32.msk vm2, v39  }
0x1d2: {  	v4 =	vld [tilespmem:s6+$0x3160]  }
0x1d3: {  	v5 =	vld [tilespmem:s6+$0x3960];
	_ =	sdelay $0x1  }
0x1d4: {  	v6 =	vld [tilespmem:s6+$0x4160]  }
0x1d5: {  	v7 =	vld [tilespmem:s6+$0x28E0]  }
0x1d6: {  	v8 =	vld [tilespmem:s6+$0x4960]  }
0x1d7: {  	v40 =	vld [tilespmem:s6+$0x28E1];
	v5 =	vmul.f32 v5, v4;
	_ =	sdelay $0x1  }
0x1d8: {  	v6 =	vmul.f32 v6, v4;
	(xrf2) =	vadd.scan.msk.f32 $0xffff, v5;
	_ =	sdelay $0x1  }
0x1d9: {  	v5 =	vmul.f32 v8, v4;
	(xrf2) =	vadd.scan.msk.f32 $0xffff, v6  }
0x1da: {  	vm2 =	vne.s32 v7, v40;
	v41 =	vsub.s32 v7, v0  }
0x1db: {  	v42 =	vsub.s32 v40, v0;
	vm3 =	vlt.u32 v41, $0x800;
	vm13 =	vmor vm2, vm0;
	(xrf2) =	vadd.scan.msk.f32 $0xffff, v5  }
0x1dc: {  	v43 =	vand.u32 $0x7F, v40;
	vm12 =	vlt.u32 v42, $0x800;
	vm3 =	vmand vm3, vm13  }
0x1dd: {  	vm2 =	vmand vm2, vm12;
	v5 =	vand.u32 $0x7F, v7;
	(xrf2) =	vadd.scan.msk.f32 $0xffff, v4;
	v4 =	vand.u32 $0xFFFFFF80, v41  }
0x1de: {  	vm2 =	vmand vm2, vm1;
	v4 =	vor.u32 v5, v4;
	v5 =	vand.u32 $0xFFFFFF80, v42  }
0x1df: {  	v5 =	vor.u32 v43, v5;
	_ =	sdelay $0x1  }
0x1e0: {  	v44, _, _ =	vpop (xrf2)  }
0x1e1: {  	v45 =	vsub.f32 $0.0e+00, v44  }
0x1e2: {  	v46, _, _ =	vpop (xrf2);
	[tilespmem:v4+s22+$0x0] =	vst.idx.add.f32.msk vm3, v44  }
0x1e3: {  	v47 =	vsub.f32 $0.0e+00, v46;
	[tilespmem:v5+s22+$0x0] =	vst.idx.add.f32.msk vm2, v45  }
0x1e4: {  	v48, _, _ =	vpop (xrf2);
	[tilespmem:v4+s23+$0x0] =	vst.idx.add.f32.msk vm3, v46  }
0x1e5: {  	v49 =	vsub.f32 $0.0e+00, v48;
	[tilespmem:v5+s23+$0x0] =	vst.idx.add.f32.msk vm2, v47  }
0x1e6: {  	v50, _, _ =	vpop (xrf2);
	[tilespmem:v4+s24+$0x0] =	vst.idx.add.f32.msk vm3, v48  }
0x1e7: {  	v51 =	vsub.f32 $0.0e+00, v50;
	[tilespmem:v5+s24+$0x0] =	vst.idx.add.f32.msk vm2, v49  }
0x1e8: {  	[tilespmem:v4+s25+$0x0] =	vst.idx.add.f32.msk vm3, v50  }
0x1e9: {  	[tilespmem:v5+s25+$0x0] =	vst.idx.add.f32.msk vm2, v51  }
0x1ea: {  	v4 =	vld [tilespmem:s6+$0x3170]  }
0x1eb: {  	v5 =	vld [tilespmem:s6+$0x3970];
	_ =	sdelay $0x1  }
0x1ec: {  	v6 =	vld [tilespmem:s6+$0x4170]  }
0x1ed: {  	v7 =	vld [tilespmem:s6+$0x28F0]  }
0x1ee: {  	v8 =	vld [tilespmem:s6+$0x4970]  }
0x1ef: {  	v52 =	vld [tilespmem:s6+$0x28F1];
	v5 =	vmul.f32 v5, v4;
	_ =	sdelay $0x1  }
0x1f0: {  	v6 =	vmul.f32 v6, v4;
	(xrf2) =	vadd.scan.msk.f32 $0xffff, v5;
	_ =	sdelay $0x1  }
0x1f1: {  	v5 =	vmul.f32 v8, v4;
	(xrf2) =	vadd.scan.msk.f32 $0xffff, v6  }
0x1f2: {  	vm2 =	vne.s32 v7, v52;
	v53 =	vsub.s32 v7, v0  }
0x1f3: {  	v54 =	vsub.s32 v52, v0;
	vm3 =	vlt.u32 v53, $0x800;
	vm15 =	vmor vm2, vm0;
	(xrf2) =	vadd.scan.msk.f32 $0xffff, v5  }
0x1f4: {  	v55 =	vand.u32 $0x7F, v52;
	vm14 =	vlt.u32 v54, $0x800;
	vm3 =	vmand vm3, vm15  }
0x1f5: {  	vm2 =	vmand vm2, vm14;
	v5 =	vand.u32 $0x7F, v7;
	(xrf2) =	vadd.scan.msk.f32 $0xffff, v4;
	v4 =	vand.u32 $0xFFFFFF80, v53  }
0x1f6: {  	vm2 =	vmand vm2, vm1;
	v4 =	vor.u32 v5, v4;
	v5 =	vand.u32 $0xFFFFFF80, v54  }
0x1f7: {  	v5 =	vor.u32 v55, v5;
	_ =	sdelay $0x1  }
0x1f8: {  	v56, _, _ =	vpop (xrf2)  }
0x1f9: {  	v57 =	vsub.f32 $0.0e+00, v56  }
0x1fa: {  	v58, _, _ =	vpop (xrf2);
	[tilespmem:v4+s22+$0x0] =	vst.idx.add.f32.msk vm3, v56  }
0x1fb: {  	v59 =	vsub.f32 $0.0e+00, v58;
	[tilespmem:v5+s22+$0x0] =	vst.idx.add.f32.msk vm2, v57  }
0x1fc: {  	p0 =	sne.s32 s4, $0x1E00;
	v60, _, _ =	vpop (xrf2);
	[tilespmem:v4+s23+$0x0] =	vst.idx.add.f32.msk vm3, v58  }
.Ltmp7:
0x1fd: {  	v61 =	vsub.f32 $0.0e+00, v60;
	[tilespmem:v5+s23+$0x0] =	vst.idx.add.f32.msk vm2, v59;
	(pc) =	sbr.rel @p0 .LBB2_10-.Ltmp7, $4  }
0x1fe: {  	v62, _, _ =	vpop (xrf2);
	[tilespmem:v4+s24+$0x0] =	vst.idx.add.f32.msk vm3, v60  }
0x1ff: {  	v63 =	vsub.f32 $0.0e+00, v62;
	[tilespmem:v5+s24+$0x0] =	vst.idx.add.f32.msk vm2, v61  }
0x200: {  	[tilespmem:v4+s25+$0x0] =	vst.idx.add.f32.msk vm3, v62  }
0x201: {  	s4 =	sadd.s32 $0x200, s4;
	[tilespmem:v5+s25+$0x0] =	vst.idx.add.f32.msk vm2, v63  }
.Ltmp8:
0x202: {  	_ = 	snop;
	(pc) =	sbr.rel .LBB2_11-.Ltmp8, $1  }
0x203: {  	_ =	sdelay $0x3  }
.LBB2_12:
0x204: {  	v7 =	vld [tilespmem:$0x8980];
	s4 =	simm.s32 $0x6900  }
0x205: {  	v5 =	vld [tilespmem:s4+$0x0];
	_ =	sdelay $0x2  }
0x206: {  	s6 =	simm.s32 $0x5100  }
0x207: {  	v6 =	vld [tilespmem:s6+$0x0]  }
0x208: {  	s18 =	simm.s32 $0x0;
	v4 =	vbroadcast v7, $0x0;
	v8 =	vsub.f32 $1.000000000e+00, v5  }
0x209: {  	v5 =	vadd.s32 s18, v3  }
0x20a: {  	v9 =	vmul.f32 v8, v4;
	_ =	sdelay $0x1  }
0x20b: {  	v6 =	vadd.f32 v9, v6;
	_ =	sdelay $0x1  }
0x20c: {  	s17 =	simm.s32 $0x5900;
	[tilespmem:v5+s26+$0x0] =	vst.idx.msk $0xffff, v6  }
0x20d: {  	v9 =	vld [tilespmem:s17+$0x0]  }
0x20e: {  	v5 =	vbroadcast v7, $0x1;
	v6 =	vadd.s32 $0x1, v3  }
0x20f: {  	v10 =	vadd.s32 s18, v6  }
0x210: {  	v11 =	vmul.f32 v8, v5;
	_ =	sdelay $0x1  }
0x211: {  	v9 =	vadd.f32 v9, v11;
	_ =	sdelay $0x1  }
0x212: {  	s19 =	simm.s32 $0x6100;
	v7 =	vbroadcast v7, $0x2;
	[tilespmem:v10+s26+$0x0] =	vst.idx.msk $0xffff, v9  }
0x213: {  	v10 =	vld [tilespmem:s19+$0x0]  }
0x214: {  	v11 =	vmul.f32 v8, v7;
	v8 =	vadd.s32 $0x2, v3  }
0x215: {  	v9 =	vadd.s32 s18, v8;
	_ =	sdelay $0x2  }
0x216: {  	v10 =	vadd.f32 v10, v11  }
0x217: {  	s29 =	simm.s32 $0x30;
	s30 =	simm.s32 $0x6110  }
.LBB2_13:
0x218: {  	[tilespmem:v9+s26+$0x0] =	vst.idx.msk $0xffff, v10;
	s4 =	sadd.s32 $0x10, s4;
	s6 =	sadd.s32 $0x10, s6;
	s17 =	sadd.s32 $0x10, s17  }
0x219: {  	p0 =	sne.s32 s29, $0x17D0;
	s18 =	smov.u32 s29;
	s29 =	sadd.s32 $0x30, s29;
	v9 =	vld [tilespmem:s4+$0x0]  }
0x21a: {  	_ =	sdelay $0x2  }
0x21b: {  	v10 =	vld [tilespmem:s6+$0x0]  }
0x21c: {  	v11 =	vsub.f32 $1.000000000e+00, v9  }
0x21d: {  	v9 =	vadd.s32 s18, v3  }
0x21e: {  	v12 =	vmul.f32 v11, v4;
	_ =	sdelay $0x1  }
0x21f: {  	v10 =	vadd.f32 v12, v10;
	_ =	sdelay $0x1  }
0x220: {  	[tilespmem:v9+s26+$0x0] =	vst.idx.msk $0xffff, v10  }
0x221: {  	v9 =	vld [tilespmem:s17+$0x0];
	_ =	sdelay $0x1  }
0x222: {  	v10 =	vadd.s32 s18, v6  }
0x223: {  	v12 =	vmul.f32 v11, v5;
	_ =	sdelay $0x1  }
0x224: {  	v9 =	vadd.f32 v9, v12;
	_ =	sdelay $0x1  }
0x225: {  	[tilespmem:v10+s26+$0x0] =	vst.idx.msk $0xffff, v9  }
0x226: {  	v10 =	vld [tilespmem:s30+$0x0];
	_ =	sdelay $0x1  }
.Ltmp9:
0x227: {  	v9 =	vadd.s32 s18, v8;
	(pc) =	sbr.rel @p0 .LBB2_13-.Ltmp9, $3  }
0x228: {  	v11 =	vmul.f32 v11, v7;
	_ =	sdelay $0x1  }
0x229: {  	v10 =	vadd.f32 v10, v11  }
0x22a: {  	s30 =	sadd.s32 $0x10, s30  }
0x22b: {  	_ =	sdelay $0x1  }
0x22c: {  	s28 =	sadd.s32 $0x1, s28  }
0x22d: {  	p0 =	sne.s32 s28, s12  }
.Ltmp10:
0x22e: {  	[tilespmem:v9+s26+$0x0] =	vst.idx.msk $0xffff, v10;
	(pc) =	sbr.rel @p0 .LBB2_1-.Ltmp10, $4  }
0x22f: {  	[hbm4b:s11+s9] =	stream.linear.scatter [tilespmem:s26], [sflag:$0x3], $0x1800, $0x38;
	[tilespmem:$0x8A00] =	vst v63  }
0x230: {  	_ =	swait.ge [sflag:s14], $0x1800  }
0x231: {  	[sflag:s14] =	ssyncset.done $0x0  }
0x232: {  	[sflag:s14] =	ssyncadd.s32 $0xFFFFE800  }
0x233: {  	_ =	sfence.sel $0x180000  }
0x234: {  	[bflag:$0x0] =	sbarrier.arrive $0xFFFF  }
0x235: {  	_ =	strace $0x90000047  }
0x236: {  	s0 =	stileid.u32;
	[bflag:$0x2] =	sbarrier.arrive $0xFFFF  }
0x237: {  	p0 =	sne.s32 s0, $0x0;
	s0 =	rddreg [dreg:$0x8]  }
0x238: {  	s0 =	sadd.s32 @!p0 $0x100000, s0  }
0x239: {  	[sflag:s0] =	ssyncadd.tile.s32 @!p0 $0x1;
	_ =	shalt  }
.Lfunc_end2:
_tile_overlayer_lowered:
.L_overlay_start_2:
0x23a: {  	(tag) =	ssettag $0x2  }
0x23b: {  	s0 =	rddreg [dreg:$0x0];
	s2 =	stileid.u32  }
0x23c: {  	s1 =	rddreg [dreg:$0x1];
	p0 =	sne.s32 s2, $0x0  }
0x23d: {  	s3 =	rddreg [dreg:$0x2];
	[bflag:$0x3] =	sbarrier.arrive $0xFFFF;
	s2 =	simm.s32 @!p0 $0x1C03  }
0x23e: {  	[timem:s3], [sflag:s2] =	dma.local @!p0 [hbm:s0], s1  }
0x23f: {  	s0 =	simm.s32 @!p0 $0x3  }
0x240: {  	_ =	swait.ge @!p0 [sflag:s0], s1  }
0x241: {  	s1 =	ssub.s32 @!p0 $0x0, s1;
	[sflag:s0] =	ssyncset.done @!p0 $0x0  }
0x242: {  	[sflag:s0] =	ssyncadd.s32 @!p0 s1  }
0x243: {  	[bflag:$0x3] =	sbarrier.arrive $0xFFFF  }
0x244: {  	_ =	shalt  }

</sc_bundles>
